<compile_context>
chip_gen: v7x
topology: tpu7x:2x2x1
jax: 0.10.2.dev20260603
libtpu: 0.0.44.dev20260713+nightly
codegen_flags: <defaults>
</compile_context>

<pallas_src>
import functools

import jax
import jax.numpy as jnp
from jax import lax
from jax.experimental import pallas as pl
from jax.experimental.pallas import tpu as pltpu
from jax.experimental.pallas import tpu_sc as plsc

N = 10000
D = 128
EPS = 1e-5

NC = 2
NS = 16
NW = NC * NS
K = 128
NCH = 2

N_PAD = 10240
ROWS_T = N_PAD // NS
E = 320000
NB = 80
E_PAD = NW * NB * K
DUMMY = N

_MESH = plsc.VectorSubcoreMesh(core_axis_name="c", subcore_axis_name="s")


_FIRE = 8


def _deg_body(dst3, zeros1, out, deg_sh):
    c = lax.axis_index("c")
    s = lax.axis_index("s")
    wid = c * NS + s

    def inner(didx, onesv, sem):
        pltpu.sync_copy(zeros1.at[pl.ds(s * ROWS_T, ROWS_T)],
                        deg_sh.at[pl.ds(s * ROWS_T, ROWS_T)])
        for j in range(0, K, 16):
            onesv[pl.ds(j, 16)] = jnp.ones((16,), jnp.float32)
        plsc.subcore_barrier()

        def chunk(cc, carry):
            pltpu.sync_copy(dst3.at[wid * (NB // _FIRE) + cc], didx)
            descs = [pltpu.async_copy(onesv, deg_sh.at[didx.at[f]], sem,
                                      add=True)
                     for f in range(_FIRE)]
            for dd in descs:
                dd.wait()
            return carry

        lax.fori_loop(0, NB // _FIRE, chunk, None)
        plsc.subcore_barrier()
        pltpu.sync_copy(deg_sh.at[pl.ds(s * ROWS_T, ROWS_T)],
                        out.at[c, pl.ds(s * ROWS_T, ROWS_T)])

    pl.run_scoped(inner,
                  pltpu.VMEM((_FIRE, K), jnp.int32),
                  pltpu.VMEM((K,), jnp.float32),
                  pltpu.SemaphoreType.DMA)


_deg_call = functools.partial(
    pl.kernel,
    out_type=jax.ShapeDtypeStruct((NC, N_PAD), jnp.float32),
    mesh=_MESH,
    scratch_types=[
        pltpu.VMEM_SHARED((N_PAD,), jnp.float32),
    ],
)(_deg_body)


def _agg_body(g_hbm, src3, dst3, zeros2, out, acc_sh):
    c = lax.axis_index("c")
    s = lax.axis_index("s")
    wid = c * NS + s

    def inner(*refs):
        chans = [tuple(refs[i::NCH]) for i in range(NCH)]
        pltpu.sync_copy(zeros2.at[pl.ds(s * ROWS_T, ROWS_T)],
                        acc_sh.at[pl.ds(s * ROWS_T, ROWS_T)])
        plsc.subcore_barrier()

        def fetch_idx(t, ch):
            sidx, didx, _, isem, _, _ = ch
            pltpu.async_copy(src3.at[wid, t], sidx, isem)
            pltpu.async_copy(dst3.at[wid, t], didx, isem)

        def wait_idx(ch):
            sidx, didx, _, isem, _, _ = ch
            pltpu.make_async_copy(src3.at[wid, 0], sidx, isem).wait()
            pltpu.make_async_copy(dst3.at[wid, 0], didx, isem).wait()

        def fire_g(ch):
            sidx, _, buf, _, gsem, _ = ch
            pltpu.async_copy(g_hbm.at[sidx], buf, gsem)

        def wait_g(ch):
            sidx, _, buf, _, gsem, _ = ch
            pltpu.make_async_copy(g_hbm.at[sidx], buf, gsem).wait()

        def fire_s(ch):
            _, didx, buf, _, _, ssem = ch
            pltpu.async_copy(buf, acc_sh.at[didx], ssem, add=True)

        def wait_s(ch):
            _, didx, buf, _, _, ssem = ch
            pltpu.make_async_copy(buf, acc_sh.at[didx], ssem).wait()

        for i in range(NCH):
            fetch_idx(i, chans[i])
        for i in range(NCH):
            wait_idx(chans[i])
            fire_g(chans[i])

        def body(u, carry):
            t0 = u * NCH
            for i in range(NCH):
                wait_g(chans[i])
                fire_s(chans[i])
            for i in range(NCH):
                wait_s(chans[i])
                fetch_idx(t0 + NCH + i, chans[i])
            for i in range(NCH):
                wait_idx(chans[i])
                fire_g(chans[i])
            return carry

        lax.fori_loop(0, NB // NCH - 1, body, None)

        for i in range(NCH):
            wait_g(chans[i])
            fire_s(chans[i])
        for i in range(NCH):
            wait_s(chans[i])

        plsc.subcore_barrier()
        pltpu.sync_copy(acc_sh.at[pl.ds(s * ROWS_T, ROWS_T)],
                        out.at[c, pl.ds(s * ROWS_T, ROWS_T)])

    pl.run_scoped(inner,
                  *([pltpu.VMEM((K,), jnp.int32)] * NCH),
                  *([pltpu.VMEM((K,), jnp.int32)] * NCH),
                  *([pltpu.VMEM((K, D), jnp.float32)] * NCH),
                  *([pltpu.SemaphoreType.DMA] * (3 * NCH)))


_agg_call = functools.partial(
    pl.kernel,
    out_type=jax.ShapeDtypeStruct((NC, N_PAD, D), jnp.float32),
    mesh=_MESH,
    scratch_types=[
        pltpu.VMEM_SHARED((N_PAD, D), jnp.float32),
    ],
)(_agg_body)


_R = 1024


def _lin1_body(x_ref, w_ref, da_ref, db_ref, g_ref, dinv_ref):
    deg = da_ref[...] + db_ref[...] + 1.0
    dinv = lax.rsqrt(deg)
    dinv_ref[...] = dinv
    g_ref[...] = jnp.dot(x_ref[...], w_ref[...],
                         preferred_element_type=jnp.float32) * dinv


def _lin1_call(x_pad, w, da, db):
    grid = (N_PAD // _R,)
    return pl.pallas_call(
        _lin1_body,
        grid=grid,
        in_specs=[
            pl.BlockSpec((_R, D), lambda i: (i, 0)),
            pl.BlockSpec((D, D), lambda i: (0, 0)),
            pl.BlockSpec((_R, 1), lambda i: (i, 0)),
            pl.BlockSpec((_R, 1), lambda i: (i, 0)),
        ],
        out_specs=[
            pl.BlockSpec((_R, D), lambda i: (i, 0)),
            pl.BlockSpec((_R, 1), lambda i: (i, 0)),
        ],
        out_shape=[
            jax.ShapeDtypeStruct((N_PAD, D), jnp.float32),
            jax.ShapeDtypeStruct((N_PAD, 1), jnp.float32),
        ],
    )(x_pad, w, da, db)


def _mid_body(pa_ref, pb_ref, g_ref, dinv_ref, b_ref, gp_ref, be_ref, w_ref,
              out_ref):
    dinv = dinv_ref[...]
    cval = (pa_ref[...] + pb_ref[...] + g_ref[...]) * dinv + b_ref[...]
    act = jnp.maximum(cval * gp_ref[...] + be_ref[...], 0.0)
    out_ref[...] = jnp.dot(act, w_ref[...],
                           preferred_element_type=jnp.float32) * dinv


def _mid_call(pa, pb, g, dinv, b, gp, be, w):
    grid = (N_PAD // _R,)
    rb = pl.BlockSpec((_R, D), lambda i: (i, 0))
    vb = pl.BlockSpec((1, D), lambda i: (0, 0))
    return pl.pallas_call(
        _mid_body,
        grid=grid,
        in_specs=[rb, rb, rb,
                  pl.BlockSpec((_R, 1), lambda i: (i, 0)),
                  vb, vb, vb,
                  pl.BlockSpec((D, D), lambda i: (0, 0))],
        out_specs=rb,
        out_shape=jax.ShapeDtypeStruct((N_PAD, D), jnp.float32),
    )(pa, pb, g, dinv, b, gp, be, w)


def _fin_body(pa_ref, pb_ref, g_ref, dinv_ref, b_ref, out_ref):
    out_ref[...] = ((pa_ref[...] + pb_ref[...] + g_ref[...]) * dinv_ref[...]
                    + b_ref[...])


def _fin_call(pa, pb, g, dinv, b):
    grid = (N_PAD // _R,)
    rb = pl.BlockSpec((_R, D), lambda i: (i, 0))
    return pl.pallas_call(
        _fin_body,
        grid=grid,
        in_specs=[rb, rb, rb,
                  pl.BlockSpec((_R, 1), lambda i: (i, 0)),
                  pl.BlockSpec((1, D), lambda i: (0, 0))],
        out_specs=rb,
        out_shape=jax.ShapeDtypeStruct((N_PAD, D), jnp.float32),
    )(pa, pb, g, dinv, b)


def kernel(x, edge_index, W0, b0, g0, be0, W1, b1, g1, be1, W2, b2):
    f32 = jnp.float32
    ei = edge_index.astype(jnp.int32)
    pad = jnp.full((E_PAD - E,), DUMMY, jnp.int32)
    src3 = jnp.concatenate([ei[0], pad]).reshape(NW, NB, K)
    dst3 = jnp.concatenate([ei[1], pad]).reshape(NW, NB, K)
    x_pad = jnp.pad(x.astype(f32), ((0, N_PAD - N), (0, 0)))
    zeros1 = jnp.zeros((N_PAD,), f32)
    zeros2 = jnp.zeros((N_PAD, D), f32)
    sbn = jnp.float32(1.0) / jnp.sqrt(jnp.float32(1.0 + EPS))
    gp0 = (g0.astype(f32) * sbn).reshape(1, D)
    gp1 = (g1.astype(f32) * sbn).reshape(1, D)
    b0r = b0.astype(f32).reshape(1, D)
    b1r = b1.astype(f32).reshape(1, D)
    b2r = b2.astype(f32).reshape(1, D)
    be0r = be0.astype(f32).reshape(1, D)
    be1r = be1.astype(f32).reshape(1, D)

    dst3f = dst3.reshape(NW * (NB // _FIRE), _FIRE, K)
    degp = _deg_call(dst3f, zeros1)
    da = degp[0].reshape(N_PAD, 1)
    db = degp[1].reshape(N_PAD, 1)

    gv, dinv = _lin1_call(x_pad, W0.astype(f32), da, db)
    p = _agg_call(gv, src3, dst3, zeros2)
    gv = _mid_call(p[0], p[1], gv, dinv, b0r, gp0, be0r, W1.astype(f32))
    p = _agg_call(gv, src3, dst3, zeros2)
    gv = _mid_call(p[0], p[1], gv, dinv, b1r, gp1, be1r, W2.astype(f32))
    p = _agg_call(gv, src3, dst3, zeros2)
    out = _fin_call(p[0], p[1], gv, dinv, b2r)
    return out[:N]

# --- scband reference (transcript-rebuilt; emitter-appended) ---
"""Pipeline reference for scband-distributed-gcn-82703890251955 (READ-ONLY COPY).

The authoritative reference and input builder live on the scoring server;
editing this copy changes nothing except your own understanding.
"""

import jax, jax.numpy as jnp
import numpy as np

N = 10000
E = 320000
D = 128
EPS = 1e-5


def gcn_conv(x, edge_index, W, b):
    # GCNConv (PyG semantics): linear -> add self loops -> sym-normalized scatter-add -> bias
    h = x @ W
    n = h.shape[0]
    loop = jnp.arange(n, dtype=edge_index.dtype)
    src = jnp.concatenate([edge_index[0], loop])
    dst = jnp.concatenate([edge_index[1], loop])
    deg = jnp.zeros((n,), h.dtype).at[dst].add(1.0)
    dinv = jnp.where(deg > 0, deg ** -0.5, 0.0)
    norm = dinv[src] * dinv[dst]
    msg = h[src] * norm[:, None]
    out = jnp.zeros_like(h).at[dst].add(msg)
    return out + b


def batch_norm_eval(x, gamma, beta):
    # eval-mode BatchNorm with running_mean=0, running_var=1
    return x / jnp.sqrt(1.0 + EPS) * gamma + beta


def setup_inputs(seed: int = 0) -> dict:
    key = jax.random.key(seed)
    ks = jax.random.split(key, 12)
    x = jax.random.normal(ks[0], (N, D), dtype=jnp.float32)
    edge_index = jax.random.randint(ks[1], (2, E), 0, N, dtype=jnp.int64)
    s = 1.0 / np.sqrt(D)
    W0 = jax.random.uniform(ks[2], (D, D), jnp.float32, -s, s)
    b0 = jax.random.uniform(ks[3], (D,), jnp.float32, -s, s)
    W1 = jax.random.uniform(ks[4], (D, D), jnp.float32, -s, s)
    b1 = jax.random.uniform(ks[5], (D,), jnp.float32, -s, s)
    W2 = jax.random.uniform(ks[6], (D, D), jnp.float32, -s, s)
    b2 = jax.random.uniform(ks[7], (D,), jnp.float32, -s, s)
    g0 = jnp.ones((D,), jnp.float32)
    be0 = jnp.zeros((D,), jnp.float32)
    g1 = jnp.ones((D,), jnp.float32)
    be1 = jnp.zeros((D,), jnp.float32)
    return {"x": x, "edge_index": edge_index, "W0": W0, "b0": b0, "g0": g0, "be0": be0,
            "W1": W1, "b1": b1, "g1": g1, "be1": be1, "W2": W2, "b2": b2}


def reference(x, edge_index, W0, b0, g0, be0, W1, b1, g1, be1, W2, b2):
    h = gcn_conv(x, edge_index, W0, b0)
    h = batch_norm_eval(h, g0, be0)
    h = jax.nn.relu(h)
    # dropout is identity in eval mode
    h = gcn_conv(h, edge_index, W1, b1)
    h = batch_norm_eval(h, g1, be1)
    h = jax.nn.relu(h)
    h = gcn_conv(h, edge_index, W2, b2)
    return h

if __name__ == "__main__":
    import jax
    _d = setup_inputs()
    print(jax.jit(kernel)(*tuple(_d.values())))

</pallas_src>

<mosaic_0001>
#map = affine_map<(d0, d1) -> (0, 0)>
#map1 = affine_map<(d0, d1) -> (0, 0, 0)>
module attributes {stable_mosaic.version = 14 : i64} {
  func.func @_agg_body(%arg0: i32, %arg1: i32, %arg2: memref<10240x128xf32, #tpu.memory_space<hbm>>, %arg3: memref<32x80x128xi32, #tpu.memory_space<hbm>>, %arg4: memref<32x80x128xi32, #tpu.memory_space<hbm>>, %arg5: memref<10240x128xf32, #tpu.memory_space<hbm>>, %arg6: memref<2x10240x128xf32, #tpu.memory_space<hbm>>, %arg7: memref<10240x128xf32, #tpu.memory_space<vmem_shared>>) attributes {dimension_semantics = [#tpu.dimension_semantics<core_parallel>, #tpu.dimension_semantics<subcore_parallel>], iteration_bounds = array<i64: 2, 16>, scalar_prefetch = 0 : i64, scratch_operands = 1 : i64, tpu.core_type = #tpu.core_type<sc_vector_subcore>, window_params = [{transform_indices = #map}, {transform_indices = #map1}, {transform_indices = #map1}, {transform_indices = #map}, {transform_indices = #map1}]} {
    %mul3A = arith.constant 16 : i32
    %mul3A_0 = arith.muli %arg0, %mul3A : i32
    %add3A = arith.addi %mul3A_0, %arg1 : i32
    "tpu.region"() ({
      %run_scoped3A = memref.alloca() : memref<128xi32, #tpu.memory_space<vmem>>
      %run_scoped3A_1 = memref.alloca() : memref<128xi32, #tpu.memory_space<vmem>>
      %run_scoped3A_2 = memref.alloca() : memref<128xi32, #tpu.memory_space<vmem>>
      %run_scoped3A_3 = memref.alloca() : memref<128xi32, #tpu.memory_space<vmem>>
      %run_scoped3A_4 = memref.alloca() : memref<128x128xf32, #tpu.memory_space<vmem>>
      %run_scoped3A_5 = memref.alloca() : memref<128x128xf32, #tpu.memory_space<vmem>>
      %run_scoped3A_6 = tpu.sem_alloc : memref<!tpu.dma_semaphore, #tpu.memory_space<semaphore_mem>>
      %run_scoped3A_7 = tpu.sem_alloc : memref<!tpu.dma_semaphore, #tpu.memory_space<semaphore_mem>>
      %run_scoped3A_8 = tpu.sem_alloc : memref<!tpu.dma_semaphore, #tpu.memory_space<semaphore_mem>>
      %run_scoped3A_9 = tpu.sem_alloc : memref<!tpu.dma_semaphore, #tpu.memory_space<semaphore_mem>>
      %run_scoped3A_10 = tpu.sem_alloc : memref<!tpu.dma_semaphore, #tpu.memory_space<semaphore_mem>>
      %run_scoped3A_11 = tpu.sem_alloc : memref<!tpu.dma_semaphore, #tpu.memory_space<semaphore_mem>>
      %mul3A_12 = arith.constant 640 : i32
      %mul3A_13 = arith.muli %arg1, %mul3A_12 : i32
      %mul3A_14 = arith.constant 640 : i32
      %mul3A_15 = arith.muli %arg1, %mul3A_14 : i32
      "tpu.region"() ({
        %run_scoped3A_103 = tpu.sem_alloc : memref<!tpu.dma_semaphore, #tpu.memory_space<semaphore_mem>>
        %dma_start3A_104 = arith.constant 0 : i32
        %dma_start3A_105 = tpu.memref_slice %arg7[%mul3A_15, %dma_start3A_104] : memref<10240x128xf32, #tpu.memory_space<vmem_shared>> -> memref<640x128xf32, #tpu.memory_space<vmem_shared>>
        %dma_start3A_106 = arith.constant 0 : i32
        %dma_start3A_107 = tpu.memref_slice %arg5[%mul3A_13, %dma_start3A_106] : memref<10240x128xf32, #tpu.memory_space<hbm>> -> memref<640x128xf32, #tpu.memory_space<hbm>>
        tpu.enqueue_dma source(%dma_start3A_107 : memref<640x128xf32, #tpu.memory_space<hbm>>) target(%dma_start3A_105 : memref<640x128xf32, #tpu.memory_space<vmem_shared>>) target_semaphore(%run_scoped3A_103 : memref<!tpu.dma_semaphore, #tpu.memory_space<semaphore_mem>>)
        %dma_wait3A_108 = arith.constant 0 : i32
        %dma_wait3A_109 = tpu.memref_slice %arg7[%mul3A_15, %dma_wait3A_108] : memref<10240x128xf32, #tpu.memory_space<vmem_shared>> -> memref<640x128xf32, #tpu.memory_space<vmem_shared>>
        %dma_wait3A_110 = arith.constant 0 : i32
        %dma_wait3A_111 = tpu.memref_slice %arg5[%mul3A_13, %dma_wait3A_110] : memref<10240x128xf32, #tpu.memory_space<hbm>> -> memref<640x128xf32, #tpu.memory_space<hbm>>
        tpu.wait_dma2 semaphore(%run_scoped3A_103 : memref<!tpu.dma_semaphore, #tpu.memory_space<semaphore_mem>>) src(%dma_wait3A_111 : memref<640x128xf32, #tpu.memory_space<hbm>>) dst(%dma_wait3A_109 : memref<640x128xf32, #tpu.memory_space<vmem_shared>>)
        tpu.yield
      }) : () -> ()
      %barrier3A = arith.constant 0 : index
      tpu.barrier barrier_id(%barrier3A)
      %dma_start3A = arith.constant 0 : i32
      %dma_start3A_16 = arith.constant 0 : i32
      %dma_start3A_17 = tpu.memref_slice %arg3[%add3A, %dma_start3A, %dma_start3A_16] : memref<32x80x128xi32, #tpu.memory_space<hbm>> -> memref<1x1x128xi32, #tpu.memory_space<hbm>>
      %dma_start3A_18 = tpu.memref_squeeze %dma_start3A_17 : memref<1x1x128xi32, #tpu.memory_space<hbm>> -> memref<128xi32, #tpu.memory_space<hbm>>
      %dma_start3A_19 = arith.constant 0 : i32
      %dma_start3A_20 = tpu.memref_slice %arg3[%add3A, %dma_start3A, %dma_start3A_19] : memref<32x80x128xi32, #tpu.memory_space<hbm>> -> memref<1x1x128xi32, #tpu.memory_space<hbm>>
      %dma_start3A_21 = tpu.memref_squeeze %dma_start3A_20 : memref<1x1x128xi32, #tpu.memory_space<hbm>> -> memref<128xi32, #tpu.memory_space<hbm>>
      tpu.enqueue_dma source(%dma_start3A_21 : memref<128xi32, #tpu.memory_space<hbm>>) target(%run_scoped3A : memref<128xi32, #tpu.memory_space<vmem>>) target_semaphore(%run_scoped3A_6 : memref<!tpu.dma_semaphore, #tpu.memory_space<semaphore_mem>>)
      %dma_start3A_22 = arith.constant 0 : i32
      %dma_start3A_23 = arith.constant 0 : i32
      %dma_start3A_24 = tpu.memref_slice %arg4[%add3A, %dma_start3A_22, %dma_start3A_23] : memref<32x80x128xi32, #tpu.memory_space<hbm>> -> memref<1x1x128xi32, #tpu.memory_space<hbm>>
      %dma_start3A_25 = tpu.memref_squeeze %dma_start3A_24 : memref<1x1x128xi32, #tpu.memory_space<hbm>> -> memref<128xi32, #tpu.memory_space<hbm>>
      %dma_start3A_26 = arith.constant 0 : i32
      %dma_start3A_27 = tpu.memref_slice %arg4[%add3A, %dma_start3A_22, %dma_start3A_26] : memref<32x80x128xi32, #tpu.memory_space<hbm>> -> memref<1x1x128xi32, #tpu.memory_space<hbm>>
      %dma_start3A_28 = tpu.memref_squeeze %dma_start3A_27 : memref<1x1x128xi32, #tpu.memory_space<hbm>> -> memref<128xi32, #tpu.memory_space<hbm>>
      tpu.enqueue_dma source(%dma_start3A_28 : memref<128xi32, #tpu.memory_space<hbm>>) target(%run_scoped3A_2 : memref<128xi32, #tpu.memory_space<vmem>>) target_semaphore(%run_scoped3A_6 : memref<!tpu.dma_semaphore, #tpu.memory_space<semaphore_mem>>)
      %dma_start3A_29 = arith.constant 1 : i32
      %dma_start3A_30 = arith.constant 0 : i32
      %dma_start3A_31 = tpu.memref_slice %arg3[%add3A, %dma_start3A_29, %dma_start3A_30] : memref<32x80x128xi32, #tpu.memory_space<hbm>> -> memref<1x1x128xi32, #tpu.memory_space<hbm>>
      %dma_start3A_32 = tpu.memref_squeeze %dma_start3A_31 : memref<1x1x128xi32, #tpu.memory_space<hbm>> -> memref<128xi32, #tpu.memory_space<hbm>>
      %dma_start3A_33 = arith.constant 0 : i32
      %dma_start3A_34 = tpu.memref_slice %arg3[%add3A, %dma_start3A_29, %dma_start3A_33] : memref<32x80x128xi32, #tpu.memory_space<hbm>> -> memref<1x1x128xi32, #tpu.memory_space<hbm>>
      %dma_start3A_35 = tpu.memref_squeeze %dma_start3A_34 : memref<1x1x128xi32, #tpu.memory_space<hbm>> -> memref<128xi32, #tpu.memory_space<hbm>>
      tpu.enqueue_dma source(%dma_start3A_35 : memref<128xi32, #tpu.memory_space<hbm>>) target(%run_scoped3A_1 : memref<128xi32, #tpu.memory_space<vmem>>) target_semaphore(%run_scoped3A_7 : memref<!tpu.dma_semaphore, #tpu.memory_space<semaphore_mem>>)
      %dma_start3A_36 = arith.constant 1 : i32
      %dma_start3A_37 = arith.constant 0 : i32
      %dma_start3A_38 = tpu.memref_slice %arg4[%add3A, %dma_start3A_36, %dma_start3A_37] : memref<32x80x128xi32, #tpu.memory_space<hbm>> -> memref<1x1x128xi32, #tpu.memory_space<hbm>>
      %dma_start3A_39 = tpu.memref_squeeze %dma_start3A_38 : memref<1x1x128xi32, #tpu.memory_space<hbm>> -> memref<128xi32, #tpu.memory_space<hbm>>
      %dma_start3A_40 = arith.constant 0 : i32
      %dma_start3A_41 = tpu.memref_slice %arg4[%add3A, %dma_start3A_36, %dma_start3A_40] : memref<32x80x128xi32, #tpu.memory_space<hbm>> -> memref<1x1x128xi32, #tpu.memory_space<hbm>>
      %dma_start3A_42 = tpu.memref_squeeze %dma_start3A_41 : memref<1x1x128xi32, #tpu.memory_space<hbm>> -> memref<128xi32, #tpu.memory_space<hbm>>
      tpu.enqueue_dma source(%dma_start3A_42 : memref<128xi32, #tpu.memory_space<hbm>>) target(%run_scoped3A_3 : memref<128xi32, #tpu.memory_space<vmem>>) target_semaphore(%run_scoped3A_7 : memref<!tpu.dma_semaphore, #tpu.memory_space<semaphore_mem>>)
      %dma_wait3A = arith.constant 0 : i32
      %dma_wait3A_43 = arith.constant 0 : i32
      %dma_wait3A_44 = tpu.memref_slice %arg3[%add3A, %dma_wait3A, %dma_wait3A_43] : memref<32x80x128xi32, #tpu.memory_space<hbm>> -> memref<1x1x128xi32, #tpu.memory_space<hbm>>
      %dma_wait3A_45 = tpu.memref_squeeze %dma_wait3A_44 : memref<1x1x128xi32, #tpu.memory_space<hbm>> -> memref<128xi32, #tpu.memory_space<hbm>>
      %dma_wait3A_46 = arith.constant 0 : i32
      %dma_wait3A_47 = tpu.memref_slice %arg3[%add3A, %dma_wait3A, %dma_wait3A_46] : memref<32x80x128xi32, #tpu.memory_space<hbm>> -> memref<1x1x128xi32, #tpu.memory_space<hbm>>
      %dma_wait3A_48 = tpu.memref_squeeze %dma_wait3A_47 : memref<1x1x128xi32, #tpu.memory_space<hbm>> -> memref<128xi32, #tpu.memory_space<hbm>>
      tpu.wait_dma2 semaphore(%run_scoped3A_6 : memref<!tpu.dma_semaphore, #tpu.memory_space<semaphore_mem>>) src(%dma_wait3A_48 : memref<128xi32, #tpu.memory_space<hbm>>) dst(%run_scoped3A : memref<128xi32, #tpu.memory_space<vmem>>)
      %dma_wait3A_49 = arith.constant 0 : i32
      %dma_wait3A_50 = arith.constant 0 : i32
      %dma_wait3A_51 = tpu.memref_slice %arg4[%add3A, %dma_wait3A_49, %dma_wait3A_50] : memref<32x80x128xi32, #tpu.memory_space<hbm>> -> memref<1x1x128xi32, #tpu.memory_space<hbm>>
      %dma_wait3A_52 = tpu.memref_squeeze %dma_wait3A_51 : memref<1x1x128xi32, #tpu.memory_space<hbm>> -> memref<128xi32, #tpu.memory_space<hbm>>
      %dma_wait3A_53 = arith.constant 0 : i32
      %dma_wait3A_54 = tpu.memref_slice %arg4[%add3A, %dma_wait3A_49, %dma_wait3A_53] : memref<32x80x128xi32, #tpu.memory_space<hbm>> -> memref<1x1x128xi32, #tpu.memory_space<hbm>>
      %dma_wait3A_55 = tpu.memref_squeeze %dma_wait3A_54 : memref<1x1x128xi32, #tpu.memory_space<hbm>> -> memref<128xi32, #tpu.memory_space<hbm>>
      tpu.wait_dma2 semaphore(%run_scoped3A_6 : memref<!tpu.dma_semaphore, #tpu.memory_space<semaphore_mem>>) src(%dma_wait3A_55 : memref<128xi32, #tpu.memory_space<hbm>>) dst(%run_scoped3A_2 : memref<128xi32, #tpu.memory_space<vmem>>)
      %dma_start3A_56 = arith.constant 0 : i32
      %dma_start3A_57 = arith.constant 0 : i32
      %dma_start3A_58 = tpu.memref_slice %arg2[%dma_start3A_56, %dma_start3A_57] : memref<10240x128xf32, #tpu.memory_space<hbm>> -> memref<10240x128xf32, #tpu.memory_space<hbm>>
      tpu.enqueue_indirect_dma source(%dma_start3A_58 : memref<10240x128xf32, #tpu.memory_space<hbm>>) target(%run_scoped3A_4 : memref<128x128xf32, #tpu.memory_space<vmem>>) offsets(%run_scoped3A : memref<128xi32, #tpu.memory_space<vmem>>) semaphore(%run_scoped3A_8 : memref<!tpu.dma_semaphore, #tpu.memory_space<semaphore_mem>>)
      %dma_wait3A_59 = arith.constant 0 : i32
      %dma_wait3A_60 = arith.constant 0 : i32
      %dma_wait3A_61 = tpu.memref_slice %arg3[%add3A, %dma_wait3A_59, %dma_wait3A_60] : memref<32x80x128xi32, #tpu.memory_space<hbm>> -> memref<1x1x128xi32, #tpu.memory_space<hbm>>
      %dma_wait3A_62 = tpu.memref_squeeze %dma_wait3A_61 : memref<1x1x128xi32, #tpu.memory_space<hbm>> -> memref<128xi32, #tpu.memory_space<hbm>>
      %dma_wait3A_63 = arith.constant 0 : i32
      %dma_wait3A_64 = tpu.memref_slice %arg3[%add3A, %dma_wait3A_59, %dma_wait3A_63] : memref<32x80x128xi32, #tpu.memory_space<hbm>> -> memref<1x1x128xi32, #tpu.memory_space<hbm>>
      %dma_wait3A_65 = tpu.memref_squeeze %dma_wait3A_64 : memref<1x1x128xi32, #tpu.memory_space<hbm>> -> memref<128xi32, #tpu.memory_space<hbm>>
      tpu.wait_dma2 semaphore(%run_scoped3A_7 : memref<!tpu.dma_semaphore, #tpu.memory_space<semaphore_mem>>) src(%dma_wait3A_65 : memref<128xi32, #tpu.memory_space<hbm>>) dst(%run_scoped3A_1 : memref<128xi32, #tpu.memory_space<vmem>>)
      %dma_wait3A_66 = arith.constant 0 : i32
      %dma_wait3A_67 = arith.constant 0 : i32
      %dma_wait3A_68 = tpu.memref_slice %arg4[%add3A, %dma_wait3A_66, %dma_wait3A_67] : memref<32x80x128xi32, #tpu.memory_space<hbm>> -> memref<1x1x128xi32, #tpu.memory_space<hbm>>
      %dma_wait3A_69 = tpu.memref_squeeze %dma_wait3A_68 : memref<1x1x128xi32, #tpu.memory_space<hbm>> -> memref<128xi32, #tpu.memory_space<hbm>>
      %dma_wait3A_70 = arith.constant 0 : i32
      %dma_wait3A_71 = tpu.memref_slice %arg4[%add3A, %dma_wait3A_66, %dma_wait3A_70] : memref<32x80x128xi32, #tpu.memory_space<hbm>> -> memref<1x1x128xi32, #tpu.memory_space<hbm>>
      %dma_wait3A_72 = tpu.memref_squeeze %dma_wait3A_71 : memref<1x1x128xi32, #tpu.memory_space<hbm>> -> memref<128xi32, #tpu.memory_space<hbm>>
      tpu.wait_dma2 semaphore(%run_scoped3A_7 : memref<!tpu.dma_semaphore, #tpu.memory_space<semaphore_mem>>) src(%dma_wait3A_72 : memref<128xi32, #tpu.memory_space<hbm>>) dst(%run_scoped3A_3 : memref<128xi32, #tpu.memory_space<vmem>>)
      %dma_start3A_73 = arith.constant 0 : i32
      %dma_start3A_74 = arith.constant 0 : i32
      %dma_start3A_75 = tpu.memref_slice %arg2[%dma_start3A_73, %dma_start3A_74] : memref<10240x128xf32, #tpu.memory_space<hbm>> -> memref<10240x128xf32, #tpu.memory_space<hbm>>
      tpu.enqueue_indirect_dma source(%dma_start3A_75 : memref<10240x128xf32, #tpu.memory_space<hbm>>) target(%run_scoped3A_5 : memref<128x128xf32, #tpu.memory_space<vmem>>) offsets(%run_scoped3A_1 : memref<128xi32, #tpu.memory_space<vmem>>) semaphore(%run_scoped3A_9 : memref<!tpu.dma_semaphore, #tpu.memory_space<semaphore_mem>>)
      %scan3A = arith.constant 0 : i32
      %scan3A_76 = arith.constant 39 : i32
      %scan3A_77 = arith.addi %scan3A, %scan3A_76 : i32
      %scan3A_78 = arith.constant 1 : i32
      scf.for %scan3A_103 = %scan3A to %scan3A_77 step %scan3A_78  : i32 {
        %mul3A_104 = arith.constant 2 : i32
        %mul3A_105 = arith.muli %scan3A_103, %mul3A_104 : i32
        %dma_wait3A_106 = arith.constant 0 : i32
        %dma_wait3A_107 = arith.constant 0 : i32
        %dma_wait3A_108 = tpu.memref_slice %arg2[%dma_wait3A_106, %dma_wait3A_107] : memref<10240x128xf32, #tpu.memory_space<hbm>> -> memref<10240x128xf32, #tpu.memory_space<hbm>>
        tpu.wait_indirect_dma semaphore(%run_scoped3A_8 : memref<!tpu.dma_semaphore, #tpu.memory_space<semaphore_mem>>) src(%dma_wait3A_108 : memref<10240x128xf32, #tpu.memory_space<hbm>>) dst(%run_scoped3A_4 : memref<128x128xf32, #tpu.memory_space<vmem>>)
        %dma_start3A_109 = arith.constant 0 : i32
        %dma_start3A_110 = arith.constant 0 : i32
        %dma_start3A_111 = tpu.memref_slice %arg7[%dma_start3A_109, %dma_start3A_110] : memref<10240x128xf32, #tpu.memory_space<vmem_shared>> -> memref<10240x128xf32, #tpu.memory_space<vmem_shared>>
        tpu.enqueue_indirect_dma source(%run_scoped3A_4 : memref<128x128xf32, #tpu.memory_space<vmem>>) target(%dma_start3A_111 : memref<10240x128xf32, #tpu.memory_space<vmem_shared>>) offsets(%run_scoped3A_2 : memref<128xi32, #tpu.memory_space<vmem>>) semaphore(%run_scoped3A_10 : memref<!tpu.dma_semaphore, #tpu.memory_space<semaphore_mem>>) {add = true}
        %dma_wait3A_112 = arith.constant 0 : i32
        %dma_wait3A_113 = arith.constant 0 : i32
        %dma_wait3A_114 = tpu.memref_slice %arg2[%dma_wait3A_112, %dma_wait3A_113] : memref<10240x128xf32, #tpu.memory_space<hbm>> -> memref<10240x128xf32, #tpu.memory_space<hbm>>
        tpu.wait_indirect_dma semaphore(%run_scoped3A_9 : memref<!tpu.dma_semaphore, #tpu.memory_space<semaphore_mem>>) src(%dma_wait3A_114 : memref<10240x128xf32, #tpu.memory_space<hbm>>) dst(%run_scoped3A_5 : memref<128x128xf32, #tpu.memory_space<vmem>>)
        %dma_start3A_115 = arith.constant 0 : i32
        %dma_start3A_116 = arith.constant 0 : i32
        %dma_start3A_117 = tpu.memref_slice %arg7[%dma_start3A_115, %dma_start3A_116] : memref<10240x128xf32, #tpu.memory_space<vmem_shared>> -> memref<10240x128xf32, #tpu.memory_space<vmem_shared>>
        tpu.enqueue_indirect_dma source(%run_scoped3A_5 : memref<128x128xf32, #tpu.memory_space<vmem>>) target(%dma_start3A_117 : memref<10240x128xf32, #tpu.memory_space<vmem_shared>>) offsets(%run_scoped3A_3 : memref<128xi32, #tpu.memory_space<vmem>>) semaphore(%run_scoped3A_11 : memref<!tpu.dma_semaphore, #tpu.memory_space<semaphore_mem>>) {add = true}
        %dma_wait3A_118 = arith.constant 0 : i32
        %dma_wait3A_119 = arith.constant 0 : i32
        %dma_wait3A_120 = tpu.memref_slice %arg7[%dma_wait3A_118, %dma_wait3A_119] : memref<10240x128xf32, #tpu.memory_space<vmem_shared>> -> memref<10240x128xf32, #tpu.memory_space<vmem_shared>>
        tpu.wait_indirect_dma semaphore(%run_scoped3A_10 : memref<!tpu.dma_semaphore, #tpu.memory_space<semaphore_mem>>) src(%run_scoped3A_4 : memref<128x128xf32, #tpu.memory_space<vmem>>) dst(%dma_wait3A_120 : memref<10240x128xf32, #tpu.memory_space<vmem_shared>>)
        %add3A_121 = arith.constant 2 : i32
        %add3A_122 = arith.addi %mul3A_105, %add3A_121 : i32
        %add3A_123 = arith.constant 0 : i32
        %add3A_124 = arith.addi %add3A_122, %add3A_123 : i32
        %dma_start3A_125 = arith.constant 0 : i32
        %dma_start3A_126 = tpu.memref_slice %arg3[%add3A, %add3A_124, %dma_start3A_125] : memref<32x80x128xi32, #tpu.memory_space<hbm>> -> memref<1x1x128xi32, #tpu.memory_space<hbm>>
        %dma_start3A_127 = tpu.memref_squeeze %dma_start3A_126 : memref<1x1x128xi32, #tpu.memory_space<hbm>> -> memref<128xi32, #tpu.memory_space<hbm>>
        %dma_start3A_128 = arith.constant 0 : i32
        %dma_start3A_129 = tpu.memref_slice %arg3[%add3A, %add3A_124, %dma_start3A_128] : memref<32x80x128xi32, #tpu.memory_space<hbm>> -> memref<1x1x128xi32, #tpu.memory_space<hbm>>
        %dma_start3A_130 = tpu.memref_squeeze %dma_start3A_129 : memref<1x1x128xi32, #tpu.memory_space<hbm>> -> memref<128xi32, #tpu.memory_space<hbm>>
        tpu.enqueue_dma source(%dma_start3A_130 : memref<128xi32, #tpu.memory_space<hbm>>) target(%run_scoped3A : memref<128xi32, #tpu.memory_space<vmem>>) target_semaphore(%run_scoped3A_6 : memref<!tpu.dma_semaphore, #tpu.memory_space<semaphore_mem>>)
        %dma_start3A_131 = arith.constant 0 : i32
        %dma_start3A_132 = tpu.memref_slice %arg4[%add3A, %add3A_124, %dma_start3A_131] : memref<32x80x128xi32, #tpu.memory_space<hbm>> -> memref<1x1x128xi32, #tpu.memory_space<hbm>>
        %dma_start3A_133 = tpu.memref_squeeze %dma_start3A_132 : memref<1x1x128xi32, #tpu.memory_space<hbm>> -> memref<128xi32, #tpu.memory_space<hbm>>
        %dma_start3A_134 = arith.constant 0 : i32
        %dma_start3A_135 = tpu.memref_slice %arg4[%add3A, %add3A_124, %dma_start3A_134] : memref<32x80x128xi32, #tpu.memory_space<hbm>> -> memref<1x1x128xi32, #tpu.memory_space<hbm>>
        %dma_start3A_136 = tpu.memref_squeeze %dma_start3A_135 : memref<1x1x128xi32, #tpu.memory_space<hbm>> -> memref<128xi32, #tpu.memory_space<hbm>>
        tpu.enqueue_dma source(%dma_start3A_136 : memref<128xi32, #tpu.memory_space<hbm>>) target(%run_scoped3A_2 : memref<128xi32, #tpu.memory_space<vmem>>) target_semaphore(%run_scoped3A_6 : memref<!tpu.dma_semaphore, #tpu.memory_space<semaphore_mem>>)
        %dma_wait3A_137 = arith.constant 0 : i32
        %dma_wait3A_138 = arith.constant 0 : i32
        %dma_wait3A_139 = tpu.memref_slice %arg7[%dma_wait3A_137, %dma_wait3A_138] : memref<10240x128xf32, #tpu.memory_space<vmem_shared>> -> memref<10240x128xf32, #tpu.memory_space<vmem_shared>>
        tpu.wait_indirect_dma semaphore(%run_scoped3A_11 : memref<!tpu.dma_semaphore, #tpu.memory_space<semaphore_mem>>) src(%run_scoped3A_5 : memref<128x128xf32, #tpu.memory_space<vmem>>) dst(%dma_wait3A_139 : memref<10240x128xf32, #tpu.memory_space<vmem_shared>>)
        %add3A_140 = arith.constant 2 : i32
        %add3A_141 = arith.addi %mul3A_105, %add3A_140 : i32
        %add3A_142 = arith.constant 1 : i32
        %add3A_143 = arith.addi %add3A_141, %add3A_142 : i32
        %dma_start3A_144 = arith.constant 0 : i32
        %dma_start3A_145 = tpu.memref_slice %arg3[%add3A, %add3A_143, %dma_start3A_144] : memref<32x80x128xi32, #tpu.memory_space<hbm>> -> memref<1x1x128xi32, #tpu.memory_space<hbm>>
        %dma_start3A_146 = tpu.memref_squeeze %dma_start3A_145 : memref<1x1x128xi32, #tpu.memory_space<hbm>> -> memref<128xi32, #tpu.memory_space<hbm>>
        %dma_start3A_147 = arith.constant 0 : i32
        %dma_start3A_148 = tpu.memref_slice %arg3[%add3A, %add3A_143, %dma_start3A_147] : memref<32x80x128xi32, #tpu.memory_space<hbm>> -> memref<1x1x128xi32, #tpu.memory_space<hbm>>
        %dma_start3A_149 = tpu.memref_squeeze %dma_start3A_148 : memref<1x1x128xi32, #tpu.memory_space<hbm>> -> memref<128xi32, #tpu.memory_space<hbm>>
        tpu.enqueue_dma source(%dma_start3A_149 : memref<128xi32, #tpu.memory_space<hbm>>) target(%run_scoped3A_1 : memref<128xi32, #tpu.memory_space<vmem>>) target_semaphore(%run_scoped3A_7 : memref<!tpu.dma_semaphore, #tpu.memory_space<semaphore_mem>>)
        %dma_start3A_150 = arith.constant 0 : i32
        %dma_start3A_151 = tpu.memref_slice %arg4[%add3A, %add3A_143, %dma_start3A_150] : memref<32x80x128xi32, #tpu.memory_space<hbm>> -> memref<1x1x128xi32, #tpu.memory_space<hbm>>
        %dma_start3A_152 = tpu.memref_squeeze %dma_start3A_151 : memref<1x1x128xi32, #tpu.memory_space<hbm>> -> memref<128xi32, #tpu.memory_space<hbm>>
        %dma_start3A_153 = arith.constant 0 : i32
        %dma_start3A_154 = tpu.memref_slice %arg4[%add3A, %add3A_143, %dma_start3A_153] : memref<32x80x128xi32, #tpu.memory_space<hbm>> -> memref<1x1x128xi32, #tpu.memory_space<hbm>>
        %dma_start3A_155 = tpu.memref_squeeze %dma_start3A_154 : memref<1x1x128xi32, #tpu.memory_space<hbm>> -> memref<128xi32, #tpu.memory_space<hbm>>
        tpu.enqueue_dma source(%dma_start3A_155 : memref<128xi32, #tpu.memory_space<hbm>>) target(%run_scoped3A_3 : memref<128xi32, #tpu.memory_space<vmem>>) target_semaphore(%run_scoped3A_7 : memref<!tpu.dma_semaphore, #tpu.memory_space<semaphore_mem>>)
        %dma_wait3A_156 = arith.constant 0 : i32
        %dma_wait3A_157 = arith.constant 0 : i32
        %dma_wait3A_158 = tpu.memref_slice %arg3[%add3A, %dma_wait3A_156, %dma_wait3A_157] : memref<32x80x128xi32, #tpu.memory_space<hbm>> -> memref<1x1x128xi32, #tpu.memory_space<hbm>>
        %dma_wait3A_159 = tpu.memref_squeeze %dma_wait3A_158 : memref<1x1x128xi32, #tpu.memory_space<hbm>> -> memref<128xi32, #tpu.memory_space<hbm>>
        %dma_wait3A_160 = arith.constant 0 : i32
        %dma_wait3A_161 = tpu.memref_slice %arg3[%add3A, %dma_wait3A_156, %dma_wait3A_160] : memref<32x80x128xi32, #tpu.memory_space<hbm>> -> memref<1x1x128xi32, #tpu.memory_space<hbm>>
        %dma_wait3A_162 = tpu.memref_squeeze %dma_wait3A_161 : memref<1x1x128xi32, #tpu.memory_space<hbm>> -> memref<128xi32, #tpu.memory_space<hbm>>
        tpu.wait_dma2 semaphore(%run_scoped3A_6 : memref<!tpu.dma_semaphore, #tpu.memory_space<semaphore_mem>>) src(%dma_wait3A_162 : memref<128xi32, #tpu.memory_space<hbm>>) dst(%run_scoped3A : memref<128xi32, #tpu.memory_space<vmem>>)
        %dma_wait3A_163 = arith.constant 0 : i32
        %dma_wait3A_164 = arith.constant 0 : i32
        %dma_wait3A_165 = tpu.memref_slice %arg4[%add3A, %dma_wait3A_163, %dma_wait3A_164] : memref<32x80x128xi32, #tpu.memory_space<hbm>> -> memref<1x1x128xi32, #tpu.memory_space<hbm>>
        %dma_wait3A_166 = tpu.memref_squeeze %dma_wait3A_165 : memref<1x1x128xi32, #tpu.memory_space<hbm>> -> memref<128xi32, #tpu.memory_space<hbm>>
        %dma_wait3A_167 = arith.constant 0 : i32
        %dma_wait3A_168 = tpu.memref_slice %arg4[%add3A, %dma_wait3A_163, %dma_wait3A_167] : memref<32x80x128xi32, #tpu.memory_space<hbm>> -> memref<1x1x128xi32, #tpu.memory_space<hbm>>
        %dma_wait3A_169 = tpu.memref_squeeze %dma_wait3A_168 : memref<1x1x128xi32, #tpu.memory_space<hbm>> -> memref<128xi32, #tpu.memory_space<hbm>>
        tpu.wait_dma2 semaphore(%run_scoped3A_6 : memref<!tpu.dma_semaphore, #tpu.memory_space<semaphore_mem>>) src(%dma_wait3A_169 : memref<128xi32, #tpu.memory_space<hbm>>) dst(%run_scoped3A_2 : memref<128xi32, #tpu.memory_space<vmem>>)
        %dma_start3A_170 = arith.constant 0 : i32
        %dma_start3A_171 = arith.constant 0 : i32
        %dma_start3A_172 = tpu.memref_slice %arg2[%dma_start3A_170, %dma_start3A_171] : memref<10240x128xf32, #tpu.memory_space<hbm>> -> memref<10240x128xf32, #tpu.memory_space<hbm>>
        tpu.enqueue_indirect_dma source(%dma_start3A_172 : memref<10240x128xf32, #tpu.memory_space<hbm>>) target(%run_scoped3A_4 : memref<128x128xf32, #tpu.memory_space<vmem>>) offsets(%run_scoped3A : memref<128xi32, #tpu.memory_space<vmem>>) semaphore(%run_scoped3A_8 : memref<!tpu.dma_semaphore, #tpu.memory_space<semaphore_mem>>)
        %dma_wait3A_173 = arith.constant 0 : i32
        %dma_wait3A_174 = arith.constant 0 : i32
        %dma_wait3A_175 = tpu.memref_slice %arg3[%add3A, %dma_wait3A_173, %dma_wait3A_174] : memref<32x80x128xi32, #tpu.memory_space<hbm>> -> memref<1x1x128xi32, #tpu.memory_space<hbm>>
        %dma_wait3A_176 = tpu.memref_squeeze %dma_wait3A_175 : memref<1x1x128xi32, #tpu.memory_space<hbm>> -> memref<128xi32, #tpu.memory_space<hbm>>
        %dma_wait3A_177 = arith.constant 0 : i32
        %dma_wait3A_178 = tpu.memref_slice %arg3[%add3A, %dma_wait3A_173, %dma_wait3A_177] : memref<32x80x128xi32, #tpu.memory_space<hbm>> -> memref<1x1x128xi32, #tpu.memory_space<hbm>>
        %dma_wait3A_179 = tpu.memref_squeeze %dma_wait3A_178 : memref<1x1x128xi32, #tpu.memory_space<hbm>> -> memref<128xi32, #tpu.memory_space<hbm>>
        tpu.wait_dma2 semaphore(%run_scoped3A_7 : memref<!tpu.dma_semaphore, #tpu.memory_space<semaphore_mem>>) src(%dma_wait3A_179 : memref<128xi32, #tpu.memory_space<hbm>>) dst(%run_scoped3A_1 : memref<128xi32, #tpu.memory_space<vmem>>)
        %dma_wait3A_180 = arith.constant 0 : i32
        %dma_wait3A_181 = arith.constant 0 : i32
        %dma_wait3A_182 = tpu.memref_slice %arg4[%add3A, %dma_wait3A_180, %dma_wait3A_181] : memref<32x80x128xi32, #tpu.memory_space<hbm>> -> memref<1x1x128xi32, #tpu.memory_space<hbm>>
        %dma_wait3A_183 = tpu.memref_squeeze %dma_wait3A_182 : memref<1x1x128xi32, #tpu.memory_space<hbm>> -> memref<128xi32, #tpu.memory_space<hbm>>
        %dma_wait3A_184 = arith.constant 0 : i32
        %dma_wait3A_185 = tpu.memref_slice %arg4[%add3A, %dma_wait3A_180, %dma_wait3A_184] : memref<32x80x128xi32, #tpu.memory_space<hbm>> -> memref<1x1x128xi32, #tpu.memory_space<hbm>>
        %dma_wait3A_186 = tpu.memref_squeeze %dma_wait3A_185 : memref<1x1x128xi32, #tpu.memory_space<hbm>> -> memref<128xi32, #tpu.memory_space<hbm>>
        tpu.wait_dma2 semaphore(%run_scoped3A_7 : memref<!tpu.dma_semaphore, #tpu.memory_space<semaphore_mem>>) src(%dma_wait3A_186 : memref<128xi32, #tpu.memory_space<hbm>>) dst(%run_scoped3A_3 : memref<128xi32, #tpu.memory_space<vmem>>)
        %dma_start3A_187 = arith.constant 0 : i32
        %dma_start3A_188 = arith.constant 0 : i32
        %dma_start3A_189 = tpu.memref_slice %arg2[%dma_start3A_187, %dma_start3A_188] : memref<10240x128xf32, #tpu.memory_space<hbm>> -> memref<10240x128xf32, #tpu.memory_space<hbm>>
        tpu.enqueue_indirect_dma source(%dma_start3A_189 : memref<10240x128xf32, #tpu.memory_space<hbm>>) target(%run_scoped3A_5 : memref<128x128xf32, #tpu.memory_space<vmem>>) offsets(%run_scoped3A_1 : memref<128xi32, #tpu.memory_space<vmem>>) semaphore(%run_scoped3A_9 : memref<!tpu.dma_semaphore, #tpu.memory_space<semaphore_mem>>)
      }
      %scan3A_79 = arith.constant 39 : i32
      %dma_wait3A_80 = arith.constant 0 : i32
      %dma_wait3A_81 = arith.constant 0 : i32
      %dma_wait3A_82 = tpu.memref_slice %arg2[%dma_wait3A_80, %dma_wait3A_81] : memref<10240x128xf32, #tpu.memory_space<hbm>> -> memref<10240x128xf32, #tpu.memory_space<hbm>>
      tpu.wait_indirect_dma semaphore(%run_scoped3A_8 : memref<!tpu.dma_semaphore, #tpu.memory_space<semaphore_mem>>) src(%dma_wait3A_82 : memref<10240x128xf32, #tpu.memory_space<hbm>>) dst(%run_scoped3A_4 : memref<128x128xf32, #tpu.memory_space<vmem>>)
      %dma_start3A_83 = arith.constant 0 : i32
      %dma_start3A_84 = arith.constant 0 : i32
      %dma_start3A_85 = tpu.memref_slice %arg7[%dma_start3A_83, %dma_start3A_84] : memref<10240x128xf32, #tpu.memory_space<vmem_shared>> -> memref<10240x128xf32, #tpu.memory_space<vmem_shared>>
      tpu.enqueue_indirect_dma source(%run_scoped3A_4 : memref<128x128xf32, #tpu.memory_space<vmem>>) target(%dma_start3A_85 : memref<10240x128xf32, #tpu.memory_space<vmem_shared>>) offsets(%run_scoped3A_2 : memref<128xi32, #tpu.memory_space<vmem>>) semaphore(%run_scoped3A_10 : memref<!tpu.dma_semaphore, #tpu.memory_space<semaphore_mem>>) {add = true}
      %dma_wait3A_86 = arith.constant 0 : i32
      %dma_wait3A_87 = arith.constant 0 : i32
      %dma_wait3A_88 = tpu.memref_slice %arg2[%dma_wait3A_86, %dma_wait3A_87] : memref<10240x128xf32, #tpu.memory_space<hbm>> -> memref<10240x128xf32, #tpu.memory_space<hbm>>
      tpu.wait_indirect_dma semaphore(%run_scoped3A_9 : memref<!tpu.dma_semaphore, #tpu.memory_space<semaphore_mem>>) src(%dma_wait3A_88 : memref<10240x128xf32, #tpu.memory_space<hbm>>) dst(%run_scoped3A_5 : memref<128x128xf32, #tpu.memory_space<vmem>>)
      %dma_start3A_89 = arith.constant 0 : i32
      %dma_start3A_90 = arith.constant 0 : i32
      %dma_start3A_91 = tpu.memref_slice %arg7[%dma_start3A_89, %dma_start3A_90] : memref<10240x128xf32, #tpu.memory_space<vmem_shared>> -> memref<10240x128xf32, #tpu.memory_space<vmem_shared>>
      tpu.enqueue_indirect_dma source(%run_scoped3A_5 : memref<128x128xf32, #tpu.memory_space<vmem>>) target(%dma_start3A_91 : memref<10240x128xf32, #tpu.memory_space<vmem_shared>>) offsets(%run_scoped3A_3 : memref<128xi32, #tpu.memory_space<vmem>>) semaphore(%run_scoped3A_11 : memref<!tpu.dma_semaphore, #tpu.memory_space<semaphore_mem>>) {add = true}
      %dma_wait3A_92 = arith.constant 0 : i32
      %dma_wait3A_93 = arith.constant 0 : i32
      %dma_wait3A_94 = tpu.memref_slice %arg7[%dma_wait3A_92, %dma_wait3A_93] : memref<10240x128xf32, #tpu.memory_space<vmem_shared>> -> memref<10240x128xf32, #tpu.memory_space<vmem_shared>>
      tpu.wait_indirect_dma semaphore(%run_scoped3A_10 : memref<!tpu.dma_semaphore, #tpu.memory_space<semaphore_mem>>) src(%run_scoped3A_4 : memref<128x128xf32, #tpu.memory_space<vmem>>) dst(%dma_wait3A_94 : memref<10240x128xf32, #tpu.memory_space<vmem_shared>>)
      %dma_wait3A_95 = arith.constant 0 : i32
      %dma_wait3A_96 = arith.constant 0 : i32
      %dma_wait3A_97 = tpu.memref_slice %arg7[%dma_wait3A_95, %dma_wait3A_96] : memref<10240x128xf32, #tpu.memory_space<vmem_shared>> -> memref<10240x128xf32, #tpu.memory_space<vmem_shared>>
      tpu.wait_indirect_dma semaphore(%run_scoped3A_11 : memref<!tpu.dma_semaphore, #tpu.memory_space<semaphore_mem>>) src(%run_scoped3A_5 : memref<128x128xf32, #tpu.memory_space<vmem>>) dst(%dma_wait3A_97 : memref<10240x128xf32, #tpu.memory_space<vmem_shared>>)
      %barrier3A_98 = arith.constant 0 : index
      tpu.barrier barrier_id(%barrier3A_98)
      %mul3A_99 = arith.constant 640 : i32
      %mul3A_100 = arith.muli %arg1, %mul3A_99 : i32
      %mul3A_101 = arith.constant 640 : i32
      %mul3A_102 = arith.muli %arg1, %mul3A_101 : i32
      "tpu.region"() ({
        %run_scoped3A_103 = tpu.sem_alloc : memref<!tpu.dma_semaphore, #tpu.memory_space<semaphore_mem>>
        %dma_start3A_104 = arith.constant 0 : i32
        %dma_start3A_105 = tpu.memref_slice %arg6[%arg0, %mul3A_102, %dma_start3A_104] : memref<2x10240x128xf32, #tpu.memory_space<hbm>> -> memref<1x640x128xf32, #tpu.memory_space<hbm>>
        %dma_start3A_106 = tpu.memref_squeeze %dma_start3A_105 : memref<1x640x128xf32, #tpu.memory_space<hbm>> -> memref<640x128xf32, #tpu.memory_space<hbm>>
        %dma_start3A_107 = arith.constant 0 : i32
        %dma_start3A_108 = tpu.memref_slice %arg7[%mul3A_100, %dma_start3A_107] : memref<10240x128xf32, #tpu.memory_space<vmem_shared>> -> memref<640x128xf32, #tpu.memory_space<vmem_shared>>
        tpu.enqueue_dma source(%dma_start3A_108 : memref<640x128xf32, #tpu.memory_space<vmem_shared>>) target(%dma_start3A_106 : memref<640x128xf32, #tpu.memory_space<hbm>>) target_semaphore(%run_scoped3A_103 : memref<!tpu.dma_semaphore, #tpu.memory_space<semaphore_mem>>)
        %dma_wait3A_109 = arith.constant 0 : i32
        %dma_wait3A_110 = tpu.memref_slice %arg6[%arg0, %mul3A_102, %dma_wait3A_109] : memref<2x10240x128xf32, #tpu.memory_space<hbm>> -> memref<1x640x128xf32, #tpu.memory_space<hbm>>
        %dma_wait3A_111 = tpu.memref_squeeze %dma_wait3A_110 : memref<1x640x128xf32, #tpu.memory_space<hbm>> -> memref<640x128xf32, #tpu.memory_space<hbm>>
        %dma_wait3A_112 = arith.constant 0 : i32
        %dma_wait3A_113 = tpu.memref_slice %arg7[%mul3A_100, %dma_wait3A_112] : memref<10240x128xf32, #tpu.memory_space<vmem_shared>> -> memref<640x128xf32, #tpu.memory_space<vmem_shared>>
        tpu.wait_dma2 semaphore(%run_scoped3A_103 : memref<!tpu.dma_semaphore, #tpu.memory_space<semaphore_mem>>) src(%dma_wait3A_113 : memref<640x128xf32, #tpu.memory_space<vmem_shared>>) dst(%dma_wait3A_111 : memref<640x128xf32, #tpu.memory_space<hbm>>)
        tpu.yield
      }) : () -> ()
      tpu.yield
    }) : () -> ()
    return
  }
}

#map = affine_map<(d0, d1) -> (0, 0)>
#map1 = affine_map<(d0, d1) -> (0, 0, 0)>
module attributes {stable_mosaic.version = 14 : i64} {
  func.func @_agg_body(%arg0: i32, %arg1: i32, %arg2: memref<10240x128xf32, #tpu.memory_space<hbm>>, %arg3: memref<32x80x128xi32, #tpu.memory_space<hbm>>, %arg4: memref<32x80x128xi32, #tpu.memory_space<hbm>>, %arg5: memref<10240x128xf32, #tpu.memory_space<hbm>>, %arg6: memref<2x10240x128xf32, #tpu.memory_space<hbm>>, %arg7: memref<10240x128xf32, #tpu.memory_space<vmem_shared>>) attributes {dimension_semantics = [#tpu.dimension_semantics<core_parallel>, #tpu.dimension_semantics<subcore_parallel>], iteration_bounds = array<i64: 2, 16>, scalar_prefetch = 0 : i64, scratch_operands = 1 : i64, tpu.core_type = #tpu.core_type<sc_vector_subcore>, window_params = [{transform_indices = #map}, {transform_indices = #map1}, {transform_indices = #map1}, {transform_indices = #map}, {transform_indices = #map1}]} {
    %mul3A = arith.constant 16 : i32
    %mul3A_0 = arith.muli %arg0, %mul3A : i32
    %add3A = arith.addi %mul3A_0, %arg1 : i32
    "tpu.region"() ({
      %run_scoped3A = memref.alloca() : memref<128xi32, #tpu.memory_space<vmem>>
      %run_scoped3A_1 = memref.alloca() : memref<128xi32, #tpu.memory_space<vmem>>
      %run_scoped3A_2 = memref.alloca() : memref<128xi32, #tpu.memory_space<vmem>>
      %run_scoped3A_3 = memref.alloca() : memref<128xi32, #tpu.memory_space<vmem>>
      %run_scoped3A_4 = memref.alloca() : memref<128x128xf32, #tpu.memory_space<vmem>>
      %run_scoped3A_5 = memref.alloca() : memref<128x128xf32, #tpu.memory_space<vmem>>
      %run_scoped3A_6 = tpu.sem_alloc : memref<!tpu.dma_semaphore, #tpu.memory_space<semaphore_mem>>
      %run_scoped3A_7 = tpu.sem_alloc : memref<!tpu.dma_semaphore, #tpu.memory_space<semaphore_mem>>
      %run_scoped3A_8 = tpu.sem_alloc : memref<!tpu.dma_semaphore, #tpu.memory_space<semaphore_mem>>
      %run_scoped3A_9 = tpu.sem_alloc : memref<!tpu.dma_semaphore, #tpu.memory_space<semaphore_mem>>
      %run_scoped3A_10 = tpu.sem_alloc : memref<!tpu.dma_semaphore, #tpu.memory_space<semaphore_mem>>
      %run_scoped3A_11 = tpu.sem_alloc : memref<!tpu.dma_semaphore, #tpu.memory_space<semaphore_mem>>
      %mul3A_12 = arith.constant 640 : i32
      %mul3A_13 = arith.muli %arg1, %mul3A_12 : i32
      %mul3A_14 = arith.constant 640 : i32
      %mul3A_15 = arith.muli %arg1, %mul3A_14 : i32
      "tpu.region"() ({
        %run_scoped3A_103 = tpu.sem_alloc : memref<!tpu.dma_semaphore, #tpu.memory_space<semaphore_mem>>
        %dma_start3A_104 = arith.constant 0 : i32
        %dma_start3A_105 = tpu.memref_slice %arg7[%mul3A_15, %dma_start3A_104] : memref<10240x128xf32, #tpu.memory_space<vmem_shared>> -> memref<640x128xf32, #tpu.memory_space<vmem_shared>>
        %dma_start3A_106 = arith.constant 0 : i32
        %dma_start3A_107 = tpu.memref_slice %arg5[%mul3A_13, %dma_start3A_106] : memref<10240x128xf32, #tpu.memory_space<hbm>> -> memref<640x128xf32, #tpu.memory_space<hbm>>
        tpu.enqueue_dma source(%dma_start3A_107 : memref<640x128xf32, #tpu.memory_space<hbm>>) target(%dma_start3A_105 : memref<640x128xf32, #tpu.memory_space<vmem_shared>>) target_semaphore(%run_scoped3A_103 : memref<!tpu.dma_semaphore, #tpu.memory_space<semaphore_mem>>)
        %dma_wait3A_108 = arith.constant 0 : i32
        %dma_wait3A_109 = tpu.memref_slice %arg7[%mul3A_15, %dma_wait3A_108] : memref<10240x128xf32, #tpu.memory_space<vmem_shared>> -> memref<640x128xf32, #tpu.memory_space<vmem_shared>>
        %dma_wait3A_110 = arith.constant 0 : i32
        %dma_wait3A_111 = tpu.memref_slice %arg5[%mul3A_13, %dma_wait3A_110] : memref<10240x128xf32, #tpu.memory_space<hbm>> -> memref<640x128xf32, #tpu.memory_space<hbm>>
        tpu.wait_dma2 semaphore(%run_scoped3A_103 : memref<!tpu.dma_semaphore, #tpu.memory_space<semaphore_mem>>) src(%dma_wait3A_111 : memref<640x128xf32, #tpu.memory_space<hbm>>) dst(%dma_wait3A_109 : memref<640x128xf32, #tpu.memory_space<vmem_shared>>)
        tpu.yield
      }) : () -> ()
      %barrier3A = arith.constant 0 : index
      tpu.barrier barrier_id(%barrier3A)
      %dma_start3A = arith.constant 0 : i32
      %dma_start3A_16 = arith.constant 0 : i32
      %dma_start3A_17 = tpu.memref_slice %arg3[%add3A, %dma_start3A, %dma_start3A_16] : memref<32x80x128xi32, #tpu.memory_space<hbm>> -> memref<1x1x128xi32, #tpu.memory_space<hbm>>
      %dma_start3A_18 = tpu.memref_squeeze %dma_start3A_17 : memref<1x1x128xi32, #tpu.memory_space<hbm>> -> memref<128xi32, #tpu.memory_space<hbm>>
      %dma_start3A_19 = arith.constant 0 : i32
      %dma_start3A_20 = tpu.memref_slice %arg3[%add3A, %dma_start3A, %dma_start3A_19] : memref<32x80x128xi32, #tpu.memory_space<hbm>> -> memref<1x1x128xi32, #tpu.memory_space<hbm>>
      %dma_start3A_21 = tpu.memref_squeeze %dma_start3A_20 : memref<1x1x128xi32, #tpu.memory_space<hbm>> -> memref<128xi32, #tpu.memory_space<hbm>>
      tpu.enqueue_dma source(%dma_start3A_21 : memref<128xi32, #tpu.memory_space<hbm>>) target(%run_scoped3A : memref<128xi32, #tpu.memory_space<vmem>>) target_semaphore(%run_scoped3A_6 : memref<!tpu.dma_semaphore, #tpu.memory_space<semaphore_mem>>)
      %dma_start3A_22 = arith.constant 0 : i32
      %dma_start3A_23 = arith.constant 0 : i32
      %dma_start3A_24 = tpu.memref_slice %arg4[%add3A, %dma_start3A_22, %dma_start3A_23] : memref<32x80x128xi32, #tpu.memory_space<hbm>> -> memref<1x1x128xi32, #tpu.memory_space<hbm>>
      %dma_start3A_25 = tpu.memref_squeeze %dma_start3A_24 : memref<1x1x128xi32, #tpu.memory_space<hbm>> -> memref<128xi32, #tpu.memory_space<hbm>>
      %dma_start3A_26 = arith.constant 0 : i32
      %dma_start3A_27 = tpu.memref_slice %arg4[%add3A, %dma_start3A_22, %dma_start3A_26] : memref<32x80x128xi32, #tpu.memory_space<hbm>> -> memref<1x1x128xi32, #tpu.memory_space<hbm>>
      %dma_start3A_28 = tpu.memref_squeeze %dma_start3A_27 : memref<1x1x128xi32, #tpu.memory_space<hbm>> -> memref<128xi32, #tpu.memory_space<hbm>>
      tpu.enqueue_dma source(%dma_start3A_28 : memref<128xi32, #tpu.memory_space<hbm>>) target(%run_scoped3A_2 : memref<128xi32, #tpu.memory_space<vmem>>) target_semaphore(%run_scoped3A_6 : memref<!tpu.dma_semaphore, #tpu.memory_space<semaphore_mem>>)
      %dma_start3A_29 = arith.constant 1 : i32
      %dma_start3A_30 = arith.constant 0 : i32
      %dma_start3A_31 = tpu.memref_slice %arg3[%add3A, %dma_start3A_29, %dma_start3A_30] : memref<32x80x128xi32, #tpu.memory_space<hbm>> -> memref<1x1x128xi32, #tpu.memory_space<hbm>>
      %dma_start3A_32 = tpu.memref_squeeze %dma_start3A_31 : memref<1x1x128xi32, #tpu.memory_space<hbm>> -> memref<128xi32, #tpu.memory_space<hbm>>
      %dma_start3A_33 = arith.constant 0 : i32
      %dma_start3A_34 = tpu.memref_slice %arg3[%add3A, %dma_start3A_29, %dma_start3A_33] : memref<32x80x128xi32, #tpu.memory_space<hbm>> -> memref<1x1x128xi32, #tpu.memory_space<hbm>>
      %dma_start3A_35 = tpu.memref_squeeze %dma_start3A_34 : memref<1x1x128xi32, #tpu.memory_space<hbm>> -> memref<128xi32, #tpu.memory_space<hbm>>
      tpu.enqueue_dma source(%dma_start3A_35 : memref<128xi32, #tpu.memory_space<hbm>>) target(%run_scoped3A_1 : memref<128xi32, #tpu.memory_space<vmem>>) target_semaphore(%run_scoped3A_7 : memref<!tpu.dma_semaphore, #tpu.memory_space<semaphore_mem>>)
      %dma_start3A_36 = arith.constant 1 : i32
      %dma_start3A_37 = arith.constant 0 : i32
      %dma_start3A_38 = tpu.memref_slice %arg4[%add3A, %dma_start3A_36, %dma_start3A_37] : memref<32x80x128xi32, #tpu.memory_space<hbm>> -> memref<1x1x128xi32, #tpu.memory_space<hbm>>
      %dma_start3A_39 = tpu.memref_squeeze %dma_start3A_38 : memref<1x1x128xi32, #tpu.memory_space<hbm>> -> memref<128xi32, #tpu.memory_space<hbm>>
      %dma_start3A_40 = arith.constant 0 : i32
      %dma_start3A_41 = tpu.memref_slice %arg4[%add3A, %dma_start3A_36, %dma_start3A_40] : memref<32x80x128xi32, #tpu.memory_space<hbm>> -> memref<1x1x128xi32, #tpu.memory_space<hbm>>
      %dma_start3A_42 = tpu.memref_squeeze %dma_start3A_41 : memref<1x1x128xi32, #tpu.memory_space<hbm>> -> memref<128xi32, #tpu.memory_space<hbm>>
      tpu.enqueue_dma source(%dma_start3A_42 : memref<128xi32, #tpu.memory_space<hbm>>) target(%run_scoped3A_3 : memref<128xi32, #tpu.memory_space<vmem>>) target_semaphore(%run_scoped3A_7 : memref<!tpu.dma_semaphore, #tpu.memory_space<semaphore_mem>>)
      %dma_wait3A = arith.constant 0 : i32
      %dma_wait3A_43 = arith.constant 0 : i32
      %dma_wait3A_44 = tpu.memref_slice %arg3[%add3A, %dma_wait3A, %dma_wait3A_43] : memref<32x80x128xi32, #tpu.memory_space<hbm>> -> memref<1x1x128xi32, #tpu.memory_space<hbm>>
      %dma_wait3A_45 = tpu.memref_squeeze %dma_wait3A_44 : memref<1x1x128xi32, #tpu.memory_space<hbm>> -> memref<128xi32, #tpu.memory_space<hbm>>
      %dma_wait3A_46 = arith.constant 0 : i32
      %dma_wait3A_47 = tpu.memref_slice %arg3[%add3A, %dma_wait3A, %dma_wait3A_46] : memref<32x80x128xi32, #tpu.memory_space<hbm>> -> memref<1x1x128xi32, #tpu.memory_space<hbm>>
      %dma_wait3A_48 = tpu.memref_squeeze %dma_wait3A_47 : memref<1x1x128xi32, #tpu.memory_space<hbm>> -> memref<128xi32, #tpu.memory_space<hbm>>
      tpu.wait_dma2 semaphore(%run_scoped3A_6 : memref<!tpu.dma_semaphore, #tpu.memory_space<semaphore_mem>>) src(%dma_wait3A_48 : memref<128xi32, #tpu.memory_space<hbm>>) dst(%run_scoped3A : memref<128xi32, #tpu.memory_space<vmem>>)
      %dma_wait3A_49 = arith.constant 0 : i32
      %dma_wait3A_50 = arith.constant 0 : i32
      %dma_wait3A_51 = tpu.memref_slice %arg4[%add3A, %dma_wait3A_49, %dma_wait3A_50] : memref<32x80x128xi32, #tpu.memory_space<hbm>> -> memref<1x1x128xi32, #tpu.memory_space<hbm>>
      %dma_wait3A_52 = tpu.memref_squeeze %dma_wait3A_51 : memref<1x1x128xi32, #tpu.memory_space<hbm>> -> memref<128xi32, #tpu.memory_space<hbm>>
      %dma_wait3A_53 = arith.constant 0 : i32
      %dma_wait3A_54 = tpu.memref_slice %arg4[%add3A, %dma_wait3A_49, %dma_wait3A_53] : memref<32x80x128xi32, #tpu.memory_space<hbm>> -> memref<1x1x128xi32, #tpu.memory_space<hbm>>
      %dma_wait3A_55 = tpu.memref_squeeze %dma_wait3A_54 : memref<1x1x128xi32, #tpu.memory_space<hbm>> -> memref<128xi32, #tpu.memory_space<hbm>>
      tpu.wait_dma2 semaphore(%run_scoped3A_6 : memref<!tpu.dma_semaphore, #tpu.memory_space<semaphore_mem>>) src(%dma_wait3A_55 : memref<128xi32, #tpu.memory_space<hbm>>) dst(%run_scoped3A_2 : memref<128xi32, #tpu.memory_space<vmem>>)
      %dma_start3A_56 = arith.constant 0 : i32
      %dma_start3A_57 = arith.constant 0 : i32
      %dma_start3A_58 = tpu.memref_slice %arg2[%dma_start3A_56, %dma_start3A_57] : memref<10240x128xf32, #tpu.memory_space<hbm>> -> memref<10240x128xf32, #tpu.memory_space<hbm>>
      tpu.enqueue_indirect_dma source(%dma_start3A_58 : memref<10240x128xf32, #tpu.memory_space<hbm>>) target(%run_scoped3A_4 : memref<128x128xf32, #tpu.memory_space<vmem>>) offsets(%run_scoped3A : memref<128xi32, #tpu.memory_space<vmem>>) semaphore(%run_scoped3A_8 : memref<!tpu.dma_semaphore, #tpu.memory_space<semaphore_mem>>)
      %dma_wait3A_59 = arith.constant 0 : i32
      %dma_wait3A_60 = arith.constant 0 : i32
      %dma_wait3A_61 = tpu.memref_slice %arg3[%add3A, %dma_wait3A_59, %dma_wait3A_60] : memref<32x80x128xi32, #tpu.memory_space<hbm>> -> memref<1x1x128xi32, #tpu.memory_space<hbm>>
      %dma_wait3A_62 = tpu.memref_squeeze %dma_wait3A_61 : memref<1x1x128xi32, #tpu.memory_space<hbm>> -> memref<128xi32, #tpu.memory_space<hbm>>
      %dma_wait3A_63 = arith.constant 0 : i32
      %dma_wait3A_64 = tpu.memref_slice %arg3[%add3A, %dma_wait3A_59, %dma_wait3A_63] : memref<32x80x128xi32, #tpu.memory_space<hbm>> -> memref<1x1x128xi32, #tpu.memory_space<hbm>>
      %dma_wait3A_65 = tpu.memref_squeeze %dma_wait3A_64 : memref<1x1x128xi32, #tpu.memory_space<hbm>> -> memref<128xi32, #tpu.memory_space<hbm>>
      tpu.wait_dma2 semaphore(%run_scoped3A_7 : memref<!tpu.dma_semaphore, #tpu.memory_space<semaphore_mem>>) src(%dma_wait3A_65 : memref<128xi32, #tpu.memory_space<hbm>>) dst(%run_scoped3A_1 : memref<128xi32, #tpu.memory_space<vmem>>)
      %dma_wait3A_66 = arith.constant 0 : i32
      %dma_wait3A_67 = arith.constant 0 : i32
      %dma_wait3A_68 = tpu.memref_slice %arg4[%add3A, %dma_wait3A_66, %dma_wait3A_67] : memref<32x80x128xi32, #tpu.memory_space<hbm>> -> memref<1x1x128xi32, #tpu.memory_space<hbm>>
      %dma_wait3A_69 = tpu.memref_squeeze %dma_wait3A_68 : memref<1x1x128xi32, #tpu.memory_space<hbm>> -> memref<128xi32, #tpu.memory_space<hbm>>
      %dma_wait3A_70 = arith.constant 0 : i32
      %dma_wait3A_71 = tpu.memref_slice %arg4[%add3A, %dma_wait3A_66, %dma_wait3A_70] : memref<32x80x128xi32, #tpu.memory_space<hbm>> -> memref<1x1x128xi32, #tpu.memory_space<hbm>>
      %dma_wait3A_72 = tpu.memref_squeeze %dma_wait3A_71 : memref<1x1x128xi32, #tpu.memory_space<hbm>> -> memref<128xi32, #tpu.memory_space<hbm>>
      tpu.wait_dma2 semaphore(%run_scoped3A_7 : memref<!tpu.dma_semaphore, #tpu.memory_space<semaphore_mem>>) src(%dma_wait3A_72 : memref<128xi32, #tpu.memory_space<hbm>>) dst(%run_scoped3A_3 : memref<128xi32, #tpu.memory_space<vmem>>)
      %dma_start3A_73 = arith.constant 0 : i32
      %dma_start3A_74 = arith.constant 0 : i32
      %dma_start3A_75 = tpu.memref_slice %arg2[%dma_start3A_73, %dma_start3A_74] : memref<10240x128xf32, #tpu.memory_space<hbm>> -> memref<10240x128xf32, #tpu.memory_space<hbm>>
      tpu.enqueue_indirect_dma source(%dma_start3A_75 : memref<10240x128xf32, #tpu.memory_space<hbm>>) target(%run_scoped3A_5 : memref<128x128xf32, #tpu.memory_space<vmem>>) offsets(%run_scoped3A_1 : memref<128xi32, #tpu.memory_space<vmem>>) semaphore(%run_scoped3A_9 : memref<!tpu.dma_semaphore, #tpu.memory_space<semaphore_mem>>)
      %scan3A = arith.constant 0 : i32
      %scan3A_76 = arith.constant 39 : i32
      %scan3A_77 = arith.addi %scan3A, %scan3A_76 : i32
      %scan3A_78 = arith.constant 1 : i32
      scf.for %scan3A_103 = %scan3A to %scan3A_77 step %scan3A_78  : i32 {
        %mul3A_104 = arith.constant 2 : i32
        %mul3A_105 = arith.muli %scan3A_103, %mul3A_104 : i32
        %dma_wait3A_106 = arith.constant 0 : i32
        %dma_wait3A_107 = arith.constant 0 : i32
        %dma_wait3A_108 = tpu.memref_slice %arg2[%dma_wait3A_106, %dma_wait3A_107] : memref<10240x128xf32, #tpu.memory_space<hbm>> -> memref<10240x128xf32, #tpu.memory_space<hbm>>
        tpu.wait_indirect_dma semaphore(%run_scoped3A_8 : memref<!tpu.dma_semaphore, #tpu.memory_space<semaphore_mem>>) src(%dma_wait3A_108 : memref<10240x128xf32, #tpu.memory_space<hbm>>) dst(%run_scoped3A_4 : memref<128x128xf32, #tpu.memory_space<vmem>>)
        %dma_start3A_109 = arith.constant 0 : i32
        %dma_start3A_110 = arith.constant 0 : i32
        %dma_start3A_111 = tpu.memref_slice %arg7[%dma_start3A_109, %dma_start3A_110] : memref<10240x128xf32, #tpu.memory_space<vmem_shared>> -> memref<10240x128xf32, #tpu.memory_space<vmem_shared>>
        tpu.enqueue_indirect_dma source(%run_scoped3A_4 : memref<128x128xf32, #tpu.memory_space<vmem>>) target(%dma_start3A_111 : memref<10240x128xf32, #tpu.memory_space<vmem_shared>>) offsets(%run_scoped3A_2 : memref<128xi32, #tpu.memory_space<vmem>>) semaphore(%run_scoped3A_10 : memref<!tpu.dma_semaphore, #tpu.memory_space<semaphore_mem>>) {add = true}
        %dma_wait3A_112 = arith.constant 0 : i32
        %dma_wait3A_113 = arith.constant 0 : i32
        %dma_wait3A_114 = tpu.memref_slice %arg2[%dma_wait3A_112, %dma_wait3A_113] : memref<10240x128xf32, #tpu.memory_space<hbm>> -> memref<10240x128xf32, #tpu.memory_space<hbm>>
        tpu.wait_indirect_dma semaphore(%run_scoped3A_9 : memref<!tpu.dma_semaphore, #tpu.memory_space<semaphore_mem>>) src(%dma_wait3A_114 : memref<10240x128xf32, #tpu.memory_space<hbm>>) dst(%run_scoped3A_5 : memref<128x128xf32, #tpu.memory_space<vmem>>)
        %dma_start3A_115 = arith.constant 0 : i32
        %dma_start3A_116 = arith.constant 0 : i32
        %dma_start3A_117 = tpu.memref_slice %arg7[%dma_start3A_115, %dma_start3A_116] : memref<10240x128xf32, #tpu.memory_space<vmem_shared>> -> memref<10240x128xf32, #tpu.memory_space<vmem_shared>>
        tpu.enqueue_indirect_dma source(%run_scoped3A_5 : memref<128x128xf32, #tpu.memory_space<vmem>>) target(%dma_start3A_117 : memref<10240x128xf32, #tpu.memory_space<vmem_shared>>) offsets(%run_scoped3A_3 : memref<128xi32, #tpu.memory_space<vmem>>) semaphore(%run_scoped3A_11 : memref<!tpu.dma_semaphore, #tpu.memory_space<semaphore_mem>>) {add = true}
        %dma_wait3A_118 = arith.constant 0 : i32
        %dma_wait3A_119 = arith.constant 0 : i32
        %dma_wait3A_120 = tpu.memref_slice %arg7[%dma_wait3A_118, %dma_wait3A_119] : memref<10240x128xf32, #tpu.memory_space<vmem_shared>> -> memref<10240x128xf32, #tpu.memory_space<vmem_shared>>
        tpu.wait_indirect_dma semaphore(%run_scoped3A_10 : memref<!tpu.dma_semaphore, #tpu.memory_space<semaphore_mem>>) src(%run_scoped3A_4 : memref<128x128xf32, #tpu.memory_space<vmem>>) dst(%dma_wait3A_120 : memref<10240x128xf32, #tpu.memory_space<vmem_shared>>)
        %add3A_121 = arith.constant 2 : i32
        %add3A_122 = arith.addi %mul3A_105, %add3A_121 : i32
        %add3A_123 = arith.constant 0 : i32
        %add3A_124 = arith.addi %add3A_122, %add3A_123 : i32
        %dma_start3A_125 = arith.constant 0 : i32
        %dma_start3A_126 = tpu.memref_slice %arg3[%add3A, %add3A_124, %dma_start3A_125] : memref<32x80x128xi32, #tpu.memory_space<hbm>> -> memref<1x1x128xi32, #tpu.memory_space<hbm>>
        %dma_start3A_127 = tpu.memref_squeeze %dma_start3A_126 : memref<1x1x128xi32, #tpu.memory_space<hbm>> -> memref<128xi32, #tpu.memory_space<hbm>>
        %dma_start3A_128 = arith.constant 0 : i32
        %dma_start3A_129 = tpu.memref_slice %arg3[%add3A, %add3A_124, %dma_start3A_128] : memref<32x80x128xi32, #tpu.memory_space<hbm>> -> memref<1x1x128xi32, #tpu.memory_space<hbm>>
        %dma_start3A_130 = tpu.memref_squeeze %dma_start3A_129 : memref<1x1x128xi32, #tpu.memory_space<hbm>> -> memref<128xi32, #tpu.memory_space<hbm>>
        tpu.enqueue_dma source(%dma_start3A_130 : memref<128xi32, #tpu.memory_space<hbm>>) target(%run_scoped3A : memref<128xi32, #tpu.memory_space<vmem>>) target_semaphore(%run_scoped3A_6 : memref<!tpu.dma_semaphore, #tpu.memory_space<semaphore_mem>>)
        %dma_start3A_131 = arith.constant 0 : i32
        %dma_start3A_132 = tpu.memref_slice %arg4[%add3A, %add3A_124, %dma_start3A_131] : memref<32x80x128xi32, #tpu.memory_space<hbm>> -> memref<1x1x128xi32, #tpu.memory_space<hbm>>
        %dma_start3A_133 = tpu.memref_squeeze %dma_start3A_132 : memref<1x1x128xi32, #tpu.memory_space<hbm>> -> memref<128xi32, #tpu.memory_space<hbm>>
        %dma_start3A_134 = arith.constant 0 : i32
        %dma_start3A_135 = tpu.memref_slice %arg4[%add3A, %add3A_124, %dma_start3A_134] : memref<32x80x128xi32, #tpu.memory_space<hbm>> -> memref<1x1x128xi32, #tpu.memory_space<hbm>>
        %dma_start3A_136 = tpu.memref_squeeze %dma_start3A_135 : memref<1x1x128xi32, #tpu.memory_space<hbm>> -> memref<128xi32, #tpu.memory_space<hbm>>
        tpu.enqueue_dma source(%dma_start3A_136 : memref<128xi32, #tpu.memory_space<hbm>>) target(%run_scoped3A_2 : memref<128xi32, #tpu.memory_space<vmem>>) target_semaphore(%run_scoped3A_6 : memref<!tpu.dma_semaphore, #tpu.memory_space<semaphore_mem>>)
        %dma_wait3A_137 = arith.constant 0 : i32
        %dma_wait3A_138 = arith.constant 0 : i32
        %dma_wait3A_139 = tpu.memref_slice %arg7[%dma_wait3A_137, %dma_wait3A_138] : memref<10240x128xf32, #tpu.memory_space<vmem_shared>> -> memref<10240x128xf32, #tpu.memory_space<vmem_shared>>
        tpu.wait_indirect_dma semaphore(%run_scoped3A_11 : memref<!tpu.dma_semaphore, #tpu.memory_space<semaphore_mem>>) src(%run_scoped3A_5 : memref<128x128xf32, #tpu.memory_space<vmem>>) dst(%dma_wait3A_139 : memref<10240x128xf32, #tpu.memory_space<vmem_shared>>)
        %add3A_140 = arith.constant 2 : i32
        %add3A_141 = arith.addi %mul3A_105, %add3A_140 : i32
        %add3A_142 = arith.constant 1 : i32
        %add3A_143 = arith.addi %add3A_141, %add3A_142 : i32
        %dma_start3A_144 = arith.constant 0 : i32
        %dma_start3A_145 = tpu.memref_slice %arg3[%add3A, %add3A_143, %dma_start3A_144] : memref<32x80x128xi32, #tpu.memory_space<hbm>> -> memref<1x1x128xi32, #tpu.memory_space<hbm>>
        %dma_start3A_146 = tpu.memref_squeeze %dma_start3A_145 : memref<1x1x128xi32, #tpu.memory_space<hbm>> -> memref<128xi32, #tpu.memory_space<hbm>>
        %dma_start3A_147 = arith.constant 0 : i32
        %dma_start3A_148 = tpu.memref_slice %arg3[%add3A, %add3A_143, %dma_start3A_147] : memref<32x80x128xi32, #tpu.memory_space<hbm>> -> memref<1x1x128xi32, #tpu.memory_space<hbm>>
        %dma_start3A_149 = tpu.memref_squeeze %dma_start3A_148 : memref<1x1x128xi32, #tpu.memory_space<hbm>> -> memref<128xi32, #tpu.memory_space<hbm>>
        tpu.enqueue_dma source(%dma_start3A_149 : memref<128xi32, #tpu.memory_space<hbm>>) target(%run_scoped3A_1 : memref<128xi32, #tpu.memory_space<vmem>>) target_semaphore(%run_scoped3A_7 : memref<!tpu.dma_semaphore, #tpu.memory_space<semaphore_mem>>)
        %dma_start3A_150 = arith.constant 0 : i32
        %dma_start3A_151 = tpu.memref_slice %arg4[%add3A, %add3A_143, %dma_start3A_150] : memref<32x80x128xi32, #tpu.memory_space<hbm>> -> memref<1x1x128xi32, #tpu.memory_space<hbm>>
        %dma_start3A_152 = tpu.memref_squeeze %dma_start3A_151 : memref<1x1x128xi32, #tpu.memory_space<hbm>> -> memref<128xi32, #tpu.memory_space<hbm>>
        %dma_start3A_153 = arith.constant 0 : i32
        %dma_start3A_154 = tpu.memref_slice %arg4[%add3A, %add3A_143, %dma_start3A_153] : memref<32x80x128xi32, #tpu.memory_space<hbm>> -> memref<1x1x128xi32, #tpu.memory_space<hbm>>
        %dma_start3A_155 = tpu.memref_squeeze %dma_start3A_154 : memref<1x1x128xi32, #tpu.memory_space<hbm>> -> memref<128xi32, #tpu.memory_space<hbm>>
        tpu.enqueue_dma source(%dma_start3A_155 : memref<128xi32, #tpu.memory_space<hbm>>) target(%run_scoped3A_3 : memref<128xi32, #tpu.memory_space<vmem>>) target_semaphore(%run_scoped3A_7 : memref<!tpu.dma_semaphore, #tpu.memory_space<semaphore_mem>>)
        %dma_wait3A_156 = arith.constant 0 : i32
        %dma_wait3A_157 = arith.constant 0 : i32
        %dma_wait3A_158 = tpu.memref_slice %arg3[%add3A, %dma_wait3A_156, %dma_wait3A_157] : memref<32x80x128xi32, #tpu.memory_space<hbm>> -> memref<1x1x128xi32, #tpu.memory_space<hbm>>
        %dma_wait3A_159 = tpu.memref_squeeze %dma_wait3A_158 : memref<1x1x128xi32, #tpu.memory_space<hbm>> -> memref<128xi32, #tpu.memory_space<hbm>>
        %dma_wait3A_160 = arith.constant 0 : i32
        %dma_wait3A_161 = tpu.memref_slice %arg3[%add3A, %dma_wait3A_156, %dma_wait3A_160] : memref<32x80x128xi32, #tpu.memory_space<hbm>> -> memref<1x1x128xi32, #tpu.memory_space<hbm>>
        %dma_wait3A_162 = tpu.memref_squeeze %dma_wait3A_161 : memref<1x1x128xi32, #tpu.memory_space<hbm>> -> memref<128xi32, #tpu.memory_space<hbm>>
        tpu.wait_dma2 semaphore(%run_scoped3A_6 : memref<!tpu.dma_semaphore, #tpu.memory_space<semaphore_mem>>) src(%dma_wait3A_162 : memref<128xi32, #tpu.memory_space<hbm>>) dst(%run_scoped3A : memref<128xi32, #tpu.memory_space<vmem>>)
        %dma_wait3A_163 = arith.constant 0 : i32
        %dma_wait3A_164 = arith.constant 0 : i32
        %dma_wait3A_165 = tpu.memref_slice %arg4[%add3A, %dma_wait3A_163, %dma_wait3A_164] : memref<32x80x128xi32, #tpu.memory_space<hbm>> -> memref<1x1x128xi32, #tpu.memory_space<hbm>>
        %dma_wait3A_166 = tpu.memref_squeeze %dma_wait3A_165 : memref<1x1x128xi32, #tpu.memory_space<hbm>> -> memref<128xi32, #tpu.memory_space<hbm>>
        %dma_wait3A_167 = arith.constant 0 : i32
        %dma_wait3A_168 = tpu.memref_slice %arg4[%add3A, %dma_wait3A_163, %dma_wait3A_167] : memref<32x80x128xi32, #tpu.memory_space<hbm>> -> memref<1x1x128xi32, #tpu.memory_space<hbm>>
        %dma_wait3A_169 = tpu.memref_squeeze %dma_wait3A_168 : memref<1x1x128xi32, #tpu.memory_space<hbm>> -> memref<128xi32, #tpu.memory_space<hbm>>
        tpu.wait_dma2 semaphore(%run_scoped3A_6 : memref<!tpu.dma_semaphore, #tpu.memory_space<semaphore_mem>>) src(%dma_wait3A_169 : memref<128xi32, #tpu.memory_space<hbm>>) dst(%run_scoped3A_2 : memref<128xi32, #tpu.memory_space<vmem>>)
        %dma_start3A_170 = arith.constant 0 : i32
        %dma_start3A_171 = arith.constant 0 : i32
        %dma_start3A_172 = tpu.memref_slice %arg2[%dma_start3A_170, %dma_start3A_171] : memref<10240x128xf32, #tpu.memory_space<hbm>> -> memref<10240x128xf32, #tpu.memory_space<hbm>>
        tpu.enqueue_indirect_dma source(%dma_start3A_172 : memref<10240x128xf32, #tpu.memory_space<hbm>>) target(%run_scoped3A_4 : memref<128x128xf32, #tpu.memory_space<vmem>>) offsets(%run_scoped3A : memref<128xi32, #tpu.memory_space<vmem>>) semaphore(%run_scoped3A_8 : memref<!tpu.dma_semaphore, #tpu.memory_space<semaphore_mem>>)
        %dma_wait3A_173 = arith.constant 0 : i32
        %dma_wait3A_174 = arith.constant 0 : i32
        %dma_wait3A_175 = tpu.memref_slice %arg3[%add3A, %dma_wait3A_173, %dma_wait3A_174] : memref<32x80x128xi32, #tpu.memory_space<hbm>> -> memref<1x1x128xi32, #tpu.memory_space<hbm>>
        %dma_wait3A_176 = tpu.memref_squeeze %dma_wait3A_175 : memref<1x1x128xi32, #tpu.memory_space<hbm>> -> memref<128xi32, #tpu.memory_space<hbm>>
        %dma_wait3A_177 = arith.constant 0 : i32
        %dma_wait3A_178 = tpu.memref_slice %arg3[%add3A, %dma_wait3A_173, %dma_wait3A_177] : memref<32x80x128xi32, #tpu.memory_space<hbm>> -> memref<1x1x128xi32, #tpu.memory_space<hbm>>
        %dma_wait3A_179 = tpu.memref_squeeze %dma_wait3A_178 : memref<1x1x128xi32, #tpu.memory_space<hbm>> -> memref<128xi32, #tpu.memory_space<hbm>>
        tpu.wait_dma2 semaphore(%run_scoped3A_7 : memref<!tpu.dma_semaphore, #tpu.memory_space<semaphore_mem>>) src(%dma_wait3A_179 : memref<128xi32, #tpu.memory_space<hbm>>) dst(%run_scoped3A_1 : memref<128xi32, #tpu.memory_space<vmem>>)
        %dma_wait3A_180 = arith.constant 0 : i32
        %dma_wait3A_181 = arith.constant 0 : i32
        %dma_wait3A_182 = tpu.memref_slice %arg4[%add3A, %dma_wait3A_180, %dma_wait3A_181] : memref<32x80x128xi32, #tpu.memory_space<hbm>> -> memref<1x1x128xi32, #tpu.memory_space<hbm>>
        %dma_wait3A_183 = tpu.memref_squeeze %dma_wait3A_182 : memref<1x1x128xi32, #tpu.memory_space<hbm>> -> memref<128xi32, #tpu.memory_space<hbm>>
        %dma_wait3A_184 = arith.constant 0 : i32
        %dma_wait3A_185 = tpu.memref_slice %arg4[%add3A, %dma_wait3A_180, %dma_wait3A_184] : memref<32x80x128xi32, #tpu.memory_space<hbm>> -> memref<1x1x128xi32, #tpu.memory_space<hbm>>
        %dma_wait3A_186 = tpu.memref_squeeze %dma_wait3A_185 : memref<1x1x128xi32, #tpu.memory_space<hbm>> -> memref<128xi32, #tpu.memory_space<hbm>>
        tpu.wait_dma2 semaphore(%run_scoped3A_7 : memref<!tpu.dma_semaphore, #tpu.memory_space<semaphore_mem>>) src(%dma_wait3A_186 : memref<128xi32, #tpu.memory_space<hbm>>) dst(%run_scoped3A_3 : memref<128xi32, #tpu.memory_space<vmem>>)
        %dma_start3A_187 = arith.constant 0 : i32
        %dma_start3A_188 = arith.constant 0 : i32
        %dma_start3A_189 = tpu.memref_slice %arg2[%dma_start3A_187, %dma_start3A_188] : memref<10240x128xf32, #tpu.memory_space<hbm>> -> memref<10240x128xf32, #tpu.memory_space<hbm>>
        tpu.enqueue_indirect_dma source(%dma_start3A_189 : memref<10240x128xf32, #tpu.memory_space<hbm>>) target(%run_scoped3A_5 : memref<128x128xf32, #tpu.memory_space<vmem>>) offsets(%run_scoped3A_1 : memref<128xi32, #tpu.memory_space<vmem>>) semaphore(%run_scoped3A_9 : memref<!tpu.dma_semaphore, #tpu.memory_space<semaphore_mem>>)
      }
      %scan3A_79 = arith.constant 39 : i32
      %dma_wait3A_80 = arith.constant 0 : i32
      %dma_wait3A_81 = arith.constant 0 : i32
      %dma_wait3A_82 = tpu.memref_slice %arg2[%dma_wait3A_80, %dma_wait3A_81] : memref<10240x128xf32, #tpu.memory_space<hbm>> -> memref<10240x128xf32, #tpu.memory_space<hbm>>
      tpu.wait_indirect_dma semaphore(%run_scoped3A_8 : memref<!tpu.dma_semaphore, #tpu.memory_space<semaphore_mem>>) src(%dma_wait3A_82 : memref<10240x128xf32, #tpu.memory_space<hbm>>) dst(%run_scoped3A_4 : memref<128x128xf32, #tpu.memory_space<vmem>>)
      %dma_start3A_83 = arith.constant 0 : i32
      %dma_start3A_84 = arith.constant 0 : i32
      %dma_start3A_85 = tpu.memref_slice %arg7[%dma_start3A_83, %dma_start3A_84] : memref<10240x128xf32, #tpu.memory_space<vmem_shared>> -> memref<10240x128xf32, #tpu.memory_space<vmem_shared>>
      tpu.enqueue_indirect_dma source(%run_scoped3A_4 : memref<128x128xf32, #tpu.memory_space<vmem>>) target(%dma_start3A_85 : memref<10240x128xf32, #tpu.memory_space<vmem_shared>>) offsets(%run_scoped3A_2 : memref<128xi32, #tpu.memory_space<vmem>>) semaphore(%run_scoped3A_10 : memref<!tpu.dma_semaphore, #tpu.memory_space<semaphore_mem>>) {add = true}
      %dma_wait3A_86 = arith.constant 0 : i32
      %dma_wait3A_87 = arith.constant 0 : i32
      %dma_wait3A_88 = tpu.memref_slice %arg2[%dma_wait3A_86, %dma_wait3A_87] : memref<10240x128xf32, #tpu.memory_space<hbm>> -> memref<10240x128xf32, #tpu.memory_space<hbm>>
      tpu.wait_indirect_dma semaphore(%run_scoped3A_9 : memref<!tpu.dma_semaphore, #tpu.memory_space<semaphore_mem>>) src(%dma_wait3A_88 : memref<10240x128xf32, #tpu.memory_space<hbm>>) dst(%run_scoped3A_5 : memref<128x128xf32, #tpu.memory_space<vmem>>)
      %dma_start3A_89 = arith.constant 0 : i32
      %dma_start3A_90 = arith.constant 0 : i32
      %dma_start3A_91 = tpu.memref_slice %arg7[%dma_start3A_89, %dma_start3A_90] : memref<10240x128xf32, #tpu.memory_space<vmem_shared>> -> memref<10240x128xf32, #tpu.memory_space<vmem_shared>>
      tpu.enqueue_indirect_dma source(%run_scoped3A_5 : memref<128x128xf32, #tpu.memory_space<vmem>>) target(%dma_start3A_91 : memref<10240x128xf32, #tpu.memory_space<vmem_shared>>) offsets(%run_scoped3A_3 : memref<128xi32, #tpu.memory_space<vmem>>) semaphore(%run_scoped3A_11 : memref<!tpu.dma_semaphore, #tpu.memory_space<semaphore_mem>>) {add = true}
      %dma_wait3A_92 = arith.constant 0 : i32
      %dma_wait3A_93 = arith.constant 0 : i32
      %dma_wait3A_94 = tpu.memref_slice %arg7[%dma_wait3A_92, %dma_wait3A_93] : memref<10240x128xf32, #tpu.memory_space<vmem_shared>> -> memref<10240x128xf32, #tpu.memory_space<vmem_shared>>
      tpu.wait_indirect_dma semaphore(%run_scoped3A_10 : memref<!tpu.dma_semaphore, #tpu.memory_space<semaphore_mem>>) src(%run_scoped3A_4 : memref<128x128xf32, #tpu.memory_space<vmem>>) dst(%dma_wait3A_94 : memref<10240x128xf32, #tpu.memory_space<vmem_shared>>)
      %dma_wait3A_95 = arith.constant 0 : i32
      %dma_wait3A_96 = arith.constant 0 : i32
      %dma_wait3A_97 = tpu.memref_slice %arg7[%dma_wait3A_95, %dma_wait3A_96] : memref<10240x128xf32, #tpu.memory_space<vmem_shared>> -> memref<10240x128xf32, #tpu.memory_space<vmem_shared>>
      tpu.wait_indirect_dma semaphore(%run_scoped3A_11 : memref<!tpu.dma_semaphore, #tpu.memory_space<semaphore_mem>>) src(%run_scoped3A_5 : memref<128x128xf32, #tpu.memory_space<vmem>>) dst(%dma_wait3A_97 : memref<10240x128xf32, #tpu.memory_space<vmem_shared>>)
      %barrier3A_98 = arith.constant 0 : index
      tpu.barrier barrier_id(%barrier3A_98)
      %mul3A_99 = arith.constant 640 : i32
      %mul3A_100 = arith.muli %arg1, %mul3A_99 : i32
      %mul3A_101 = arith.constant 640 : i32
      %mul3A_102 = arith.muli %arg1, %mul3A_101 : i32
      "tpu.region"() ({
        %run_scoped3A_103 = tpu.sem_alloc : memref<!tpu.dma_semaphore, #tpu.memory_space<semaphore_mem>>
        %dma_start3A_104 = arith.constant 0 : i32
        %dma_start3A_105 = tpu.memref_slice %arg6[%arg0, %mul3A_102, %dma_start3A_104] : memref<2x10240x128xf32, #tpu.memory_space<hbm>> -> memref<1x640x128xf32, #tpu.memory_space<hbm>>
        %dma_start3A_106 = tpu.memref_squeeze %dma_start3A_105 : memref<1x640x128xf32, #tpu.memory_space<hbm>> -> memref<640x128xf32, #tpu.memory_space<hbm>>
        %dma_start3A_107 = arith.constant 0 : i32
        %dma_start3A_108 = tpu.memref_slice %arg7[%mul3A_100, %dma_start3A_107] : memref<10240x128xf32, #tpu.memory_space<vmem_shared>> -> memref<640x128xf32, #tpu.memory_space<vmem_shared>>
        tpu.enqueue_dma source(%dma_start3A_108 : memref<640x128xf32, #tpu.memory_space<vmem_shared>>) target(%dma_start3A_106 : memref<640x128xf32, #tpu.memory_space<hbm>>) target_semaphore(%run_scoped3A_103 : memref<!tpu.dma_semaphore, #tpu.memory_space<semaphore_mem>>)
        %dma_wait3A_109 = arith.constant 0 : i32
        %dma_wait3A_110 = tpu.memref_slice %arg6[%arg0, %mul3A_102, %dma_wait3A_109] : memref<2x10240x128xf32, #tpu.memory_space<hbm>> -> memref<1x640x128xf32, #tpu.memory_space<hbm>>
        %dma_wait3A_111 = tpu.memref_squeeze %dma_wait3A_110 : memref<1x640x128xf32, #tpu.memory_space<hbm>> -> memref<640x128xf32, #tpu.memory_space<hbm>>
        %dma_wait3A_112 = arith.constant 0 : i32
        %dma_wait3A_113 = tpu.memref_slice %arg7[%mul3A_100, %dma_wait3A_112] : memref<10240x128xf32, #tpu.memory_space<vmem_shared>> -> memref<640x128xf32, #tpu.memory_space<vmem_shared>>
        tpu.wait_dma2 semaphore(%run_scoped3A_103 : memref<!tpu.dma_semaphore, #tpu.memory_space<semaphore_mem>>) src(%dma_wait3A_113 : memref<640x128xf32, #tpu.memory_space<vmem_shared>>) dst(%dma_wait3A_111 : memref<640x128xf32, #tpu.memory_space<hbm>>)
        tpu.yield
      }) : () -> ()
      tpu.yield
    }) : () -> ()
    return
  }
}

#map = affine_map<(d0, d1) -> (0, 0, 0)>
#map1 = affine_map<(d0, d1) -> (0)>
#map2 = affine_map<(d0, d1) -> (0, 0)>
module attributes {stable_mosaic.version = 14 : i64} {
  func.func @_deg_body(%arg0: i32, %arg1: i32, %arg2: memref<320x8x128xi32, #tpu.memory_space<hbm>>, %arg3: memref<10240xf32, #tpu.memory_space<hbm>>, %arg4: memref<2x10240xf32, #tpu.memory_space<hbm>>, %arg5: memref<10240xf32, #tpu.memory_space<vmem_shared>>) attributes {dimension_semantics = [#tpu.dimension_semantics<core_parallel>, #tpu.dimension_semantics<subcore_parallel>], iteration_bounds = array<i64: 2, 16>, scalar_prefetch = 0 : i64, scratch_operands = 1 : i64, tpu.core_type = #tpu.core_type<sc_vector_subcore>, window_params = [{transform_indices = #map}, {transform_indices = #map1}, {transform_indices = #map2}]} {
    %mul3A = arith.constant 16 : i32
    %mul3A_0 = arith.muli %arg0, %mul3A : i32
    %add3A = arith.addi %mul3A_0, %arg1 : i32
    "tpu.region"() ({
      %run_scoped3A = memref.alloca() : memref<8x128xi32, #tpu.memory_space<vmem>>
      %run_scoped3A_1 = memref.alloca() : memref<128xf32, #tpu.memory_space<vmem>>
      %run_scoped3A_2 = tpu.sem_alloc : memref<!tpu.dma_semaphore, #tpu.memory_space<semaphore_mem>>
      %mul3A_3 = arith.constant 640 : i32
      %mul3A_4 = arith.muli %arg1, %mul3A_3 : i32
      %mul3A_5 = arith.constant 640 : i32
      %mul3A_6 = arith.muli %arg1, %mul3A_5 : i32
      "tpu.region"() ({
        %run_scoped3A_62 = tpu.sem_alloc : memref<!tpu.dma_semaphore, #tpu.memory_space<semaphore_mem>>
        %dma_start3A = tpu.memref_slice %arg5[%mul3A_6] : memref<10240xf32, #tpu.memory_space<vmem_shared>> -> memref<640xf32, #tpu.memory_space<vmem_shared>>
        %dma_start3A_63 = tpu.memref_slice %arg3[%mul3A_4] : memref<10240xf32, #tpu.memory_space<hbm>> -> memref<640xf32, #tpu.memory_space<hbm>>
        tpu.enqueue_dma source(%dma_start3A_63 : memref<640xf32, #tpu.memory_space<hbm>>) target(%dma_start3A : memref<640xf32, #tpu.memory_space<vmem_shared>>) target_semaphore(%run_scoped3A_62 : memref<!tpu.dma_semaphore, #tpu.memory_space<semaphore_mem>>)
        %dma_wait3A = tpu.memref_slice %arg5[%mul3A_6] : memref<10240xf32, #tpu.memory_space<vmem_shared>> -> memref<640xf32, #tpu.memory_space<vmem_shared>>
        %dma_wait3A_64 = tpu.memref_slice %arg3[%mul3A_4] : memref<10240xf32, #tpu.memory_space<hbm>> -> memref<640xf32, #tpu.memory_space<hbm>>
        tpu.wait_dma2 semaphore(%run_scoped3A_62 : memref<!tpu.dma_semaphore, #tpu.memory_space<semaphore_mem>>) src(%dma_wait3A_64 : memref<640xf32, #tpu.memory_space<hbm>>) dst(%dma_wait3A : memref<640xf32, #tpu.memory_space<vmem_shared>>)
        tpu.yield
      }) : () -> ()
      %broadcast_in_dim3A = arith.constant 1.000000e+00 : f32
      %broadcast_in_dim3A_7 = vector.broadcast %broadcast_in_dim3A : f32 to vector<16xf32>
      %swap3A = arith.constant 0 : index
      %swap3A_8 = tpu.vector_load %run_scoped3A_1[%swap3A] {strides = array<i32>} : memref<128xf32, #tpu.memory_space<vmem>>, vector<16xf32>,
      %swap3A_9 = vector.shape_cast %swap3A_8 : vector<16xf32> to vector<16xf32>
      %swap3A_10 = vector.shape_cast %broadcast_in_dim3A_7 : vector<16xf32> to vector<16xf32>
      tpu.vector_store %run_scoped3A_1[%swap3A], %swap3A_10 {strides = array<i32>} : memref<128xf32, #tpu.memory_space<vmem>>, vector<16xf32>,
      %broadcast_in_dim3A_11 = arith.constant 1.000000e+00 : f32
      %broadcast_in_dim3A_12 = vector.broadcast %broadcast_in_dim3A_11 : f32 to vector<16xf32>
      %swap3A_13 = arith.constant 16 : index
      %swap3A_14 = tpu.vector_load %run_scoped3A_1[%swap3A_13] {strides = array<i32>} : memref<128xf32, #tpu.memory_space<vmem>>, vector<16xf32>,
      %swap3A_15 = vector.shape_cast %swap3A_14 : vector<16xf32> to vector<16xf32>
      %swap3A_16 = vector.shape_cast %broadcast_in_dim3A_12 : vector<16xf32> to vector<16xf32>
      tpu.vector_store %run_scoped3A_1[%swap3A_13], %swap3A_16 {strides = array<i32>} : memref<128xf32, #tpu.memory_space<vmem>>, vector<16xf32>,
      %broadcast_in_dim3A_17 = arith.constant 1.000000e+00 : f32
      %broadcast_in_dim3A_18 = vector.broadcast %broadcast_in_dim3A_17 : f32 to vector<16xf32>
      %swap3A_19 = arith.constant 32 : index
      %swap3A_20 = tpu.vector_load %run_scoped3A_1[%swap3A_19] {strides = array<i32>} : memref<128xf32, #tpu.memory_space<vmem>>, vector<16xf32>,
      %swap3A_21 = vector.shape_cast %swap3A_20 : vector<16xf32> to vector<16xf32>
      %swap3A_22 = vector.shape_cast %broadcast_in_dim3A_18 : vector<16xf32> to vector<16xf32>
      tpu.vector_store %run_scoped3A_1[%swap3A_19], %swap3A_22 {strides = array<i32>} : memref<128xf32, #tpu.memory_space<vmem>>, vector<16xf32>,
      %broadcast_in_dim3A_23 = arith.constant 1.000000e+00 : f32
      %broadcast_in_dim3A_24 = vector.broadcast %broadcast_in_dim3A_23 : f32 to vector<16xf32>
      %swap3A_25 = arith.constant 48 : index
      %swap3A_26 = tpu.vector_load %run_scoped3A_1[%swap3A_25] {strides = array<i32>} : memref<128xf32, #tpu.memory_space<vmem>>, vector<16xf32>,
      %swap3A_27 = vector.shape_cast %swap3A_26 : vector<16xf32> to vector<16xf32>
      %swap3A_28 = vector.shape_cast %broadcast_in_dim3A_24 : vector<16xf32> to vector<16xf32>
      tpu.vector_store %run_scoped3A_1[%swap3A_25], %swap3A_28 {strides = array<i32>} : memref<128xf32, #tpu.memory_space<vmem>>, vector<16xf32>,
      %broadcast_in_dim3A_29 = arith.constant 1.000000e+00 : f32
      %broadcast_in_dim3A_30 = vector.broadcast %broadcast_in_dim3A_29 : f32 to vector<16xf32>
      %swap3A_31 = arith.constant 64 : index
      %swap3A_32 = tpu.vector_load %run_scoped3A_1[%swap3A_31] {strides = array<i32>} : memref<128xf32, #tpu.memory_space<vmem>>, vector<16xf32>,
      %swap3A_33 = vector.shape_cast %swap3A_32 : vector<16xf32> to vector<16xf32>
      %swap3A_34 = vector.shape_cast %broadcast_in_dim3A_30 : vector<16xf32> to vector<16xf32>
      tpu.vector_store %run_scoped3A_1[%swap3A_31], %swap3A_34 {strides = array<i32>} : memref<128xf32, #tpu.memory_space<vmem>>, vector<16xf32>,
      %broadcast_in_dim3A_35 = arith.constant 1.000000e+00 : f32
      %broadcast_in_dim3A_36 = vector.broadcast %broadcast_in_dim3A_35 : f32 to vector<16xf32>
      %swap3A_37 = arith.constant 80 : index
      %swap3A_38 = tpu.vector_load %run_scoped3A_1[%swap3A_37] {strides = array<i32>} : memref<128xf32, #tpu.memory_space<vmem>>, vector<16xf32>,
      %swap3A_39 = vector.shape_cast %swap3A_38 : vector<16xf32> to vector<16xf32>
      %swap3A_40 = vector.shape_cast %broadcast_in_dim3A_36 : vector<16xf32> to vector<16xf32>
      tpu.vector_store %run_scoped3A_1[%swap3A_37], %swap3A_40 {strides = array<i32>} : memref<128xf32, #tpu.memory_space<vmem>>, vector<16xf32>,
      %broadcast_in_dim3A_41 = arith.constant 1.000000e+00 : f32
      %broadcast_in_dim3A_42 = vector.broadcast %broadcast_in_dim3A_41 : f32 to vector<16xf32>
      %swap3A_43 = arith.constant 96 : index
      %swap3A_44 = tpu.vector_load %run_scoped3A_1[%swap3A_43] {strides = array<i32>} : memref<128xf32, #tpu.memory_space<vmem>>, vector<16xf32>,
      %swap3A_45 = vector.shape_cast %swap3A_44 : vector<16xf32> to vector<16xf32>
      %swap3A_46 = vector.shape_cast %broadcast_in_dim3A_42 : vector<16xf32> to vector<16xf32>
      tpu.vector_store %run_scoped3A_1[%swap3A_43], %swap3A_46 {strides = array<i32>} : memref<128xf32, #tpu.memory_space<vmem>>, vector<16xf32>,
      %broadcast_in_dim3A_47 = arith.constant 1.000000e+00 : f32
      %broadcast_in_dim3A_48 = vector.broadcast %broadcast_in_dim3A_47 : f32 to vector<16xf32>
      %swap3A_49 = arith.constant 112 : index
      %swap3A_50 = tpu.vector_load %run_scoped3A_1[%swap3A_49] {strides = array<i32>} : memref<128xf32, #tpu.memory_space<vmem>>, vector<16xf32>,
      %swap3A_51 = vector.shape_cast %swap3A_50 : vector<16xf32> to vector<16xf32>
      %swap3A_52 = vector.shape_cast %broadcast_in_dim3A_48 : vector<16xf32> to vector<16xf32>
      tpu.vector_store %run_scoped3A_1[%swap3A_49], %swap3A_52 {strides = array<i32>} : memref<128xf32, #tpu.memory_space<vmem>>, vector<16xf32>,
      %barrier3A = arith.constant 0 : index
      tpu.barrier barrier_id(%barrier3A)
      %scan3A = arith.constant 0 : i32
      %scan3A_53 = arith.constant 10 : i32
      %scan3A_54 = arith.addi %scan3A, %scan3A_53 : i32
      %scan3A_55 = arith.constant 1 : i32
      scf.for %scan3A_62 = %scan3A to %scan3A_54 step %scan3A_55  : i32 {
        %mul3A_63 = arith.constant 10 : i32
        %mul3A_64 = arith.muli %add3A, %mul3A_63 : i32
        %add3A_65 = arith.addi %mul3A_64, %scan3A_62 : i32
        "tpu.region"() ({
          %run_scoped3A_160 = tpu.sem_alloc : memref<!tpu.dma_semaphore, #tpu.memory_space<semaphore_mem>>
          %dma_start3A_161 = arith.constant 0 : i32
          %dma_start3A_162 = arith.constant 0 : i32
          %dma_start3A_163 = tpu.memref_slice %arg2[%add3A_65, %dma_start3A_161, %dma_start3A_162] : memref<320x8x128xi32, #tpu.memory_space<hbm>> -> memref<1x8x128xi32, #tpu.memory_space<hbm>>
          %dma_start3A_164 = tpu.memref_squeeze %dma_start3A_163 : memref<1x8x128xi32, #tpu.memory_space<hbm>> -> memref<8x128xi32, #tpu.memory_space<hbm>>
          %dma_start3A_165 = arith.constant 0 : i32
          %dma_start3A_166 = arith.constant 0 : i32
          %dma_start3A_167 = tpu.memref_slice %arg2[%add3A_65, %dma_start3A_165, %dma_start3A_166] : memref<320x8x128xi32, #tpu.memory_space<hbm>> -> memref<1x8x128xi32, #tpu.memory_space<hbm>>
          %dma_start3A_168 = tpu.memref_squeeze %dma_start3A_167 : memref<1x8x128xi32, #tpu.memory_space<hbm>> -> memref<8x128xi32, #tpu.memory_space<hbm>>
          tpu.enqueue_dma source(%dma_start3A_168 : memref<8x128xi32, #tpu.memory_space<hbm>>) target(%run_scoped3A : memref<8x128xi32, #tpu.memory_space<vmem>>) target_semaphore(%run_scoped3A_160 : memref<!tpu.dma_semaphore, #tpu.memory_space<semaphore_mem>>)
          %dma_wait3A_169 = arith.constant 0 : i32
          %dma_wait3A_170 = arith.constant 0 : i32
          %dma_wait3A_171 = tpu.memref_slice %arg2[%add3A_65, %dma_wait3A_169, %dma_wait3A_170] : memref<320x8x128xi32, #tpu.memory_space<hbm>> -> memref<1x8x128xi32, #tpu.memory_space<hbm>>
          %dma_wait3A_172 = tpu.memref_squeeze %dma_wait3A_171 : memref<1x8x128xi32, #tpu.memory_space<hbm>> -> memref<8x128xi32, #tpu.memory_space<hbm>>
          %dma_wait3A_173 = arith.constant 0 : i32
          %dma_wait3A_174 = arith.constant 0 : i32
          %dma_wait3A_175 = tpu.memref_slice %arg2[%add3A_65, %dma_wait3A_173, %dma_wait3A_174] : memref<320x8x128xi32, #tpu.memory_space<hbm>> -> memref<1x8x128xi32, #tpu.memory_space<hbm>>
          %dma_wait3A_176 = tpu.memref_squeeze %dma_wait3A_175 : memref<1x8x128xi32, #tpu.memory_space<hbm>> -> memref<8x128xi32, #tpu.memory_space<hbm>>
          tpu.wait_dma2 semaphore(%run_scoped3A_160 : memref<!tpu.dma_semaphore, #tpu.memory_space<semaphore_mem>>) src(%dma_wait3A_176 : memref<8x128xi32, #tpu.memory_space<hbm>>) dst(%run_scoped3A : memref<8x128xi32, #tpu.memory_space<vmem>>)
          tpu.yield
        }) : () -> ()
        %dma_start3A = arith.constant 0 : i32
        %dma_start3A_66 = arith.constant 0 : i32
        %dma_start3A_67 = tpu.memref_slice %run_scoped3A[%dma_start3A, %dma_start3A_66] : memref<8x128xi32, #tpu.memory_space<vmem>> -> memref<1x128xi32, #tpu.memory_space<vmem>>
        %dma_start3A_68 = tpu.memref_squeeze %dma_start3A_67 : memref<1x128xi32, #tpu.memory_space<vmem>> -> memref<128xi32, #tpu.memory_space<vmem>>
        %dma_start3A_69 = arith.constant 0 : i32
        %dma_start3A_70 = tpu.memref_slice %arg5[%dma_start3A_69] : memref<10240xf32, #tpu.memory_space<vmem_shared>> -> memref<10240xf32, #tpu.memory_space<vmem_shared>>
        tpu.enqueue_indirect_dma source(%run_scoped3A_1 : memref<128xf32, #tpu.memory_space<vmem>>) target(%dma_start3A_70 : memref<10240xf32, #tpu.memory_space<vmem_shared>>) offsets(%dma_start3A_68 : memref<128xi32, #tpu.memory_space<vmem>>) semaphore(%run_scoped3A_2 : memref<!tpu.dma_semaphore, #tpu.memory_space<semaphore_mem>>) {add = true}
        %dma_start3A_71 = arith.constant 1 : i32
        %dma_start3A_72 = arith.constant 0 : i32
        %dma_start3A_73 = tpu.memref_slice %run_scoped3A[%dma_start3A_71, %dma_start3A_72] : memref<8x128xi32, #tpu.memory_space<vmem>> -> memref<1x128xi32, #tpu.memory_space<vmem>>
        %dma_start3A_74 = tpu.memref_squeeze %dma_start3A_73 : memref<1x128xi32, #tpu.memory_space<vmem>> -> memref<128xi32, #tpu.memory_space<vmem>>
        %dma_start3A_75 = arith.constant 0 : i32
        %dma_start3A_76 = tpu.memref_slice %arg5[%dma_start3A_75] : memref<10240xf32, #tpu.memory_space<vmem_shared>> -> memref<10240xf32, #tpu.memory_space<vmem_shared>>
        tpu.enqueue_indirect_dma source(%run_scoped3A_1 : memref<128xf32, #tpu.memory_space<vmem>>) target(%dma_start3A_76 : memref<10240xf32, #tpu.memory_space<vmem_shared>>) offsets(%dma_start3A_74 : memref<128xi32, #tpu.memory_space<vmem>>) semaphore(%run_scoped3A_2 : memref<!tpu.dma_semaphore, #tpu.memory_space<semaphore_mem>>) {add = true}
        %dma_start3A_77 = arith.constant 2 : i32
        %dma_start3A_78 = arith.constant 0 : i32
        %dma_start3A_79 = tpu.memref_slice %run_scoped3A[%dma_start3A_77, %dma_start3A_78] : memref<8x128xi32, #tpu.memory_space<vmem>> -> memref<1x128xi32, #tpu.memory_space<vmem>>
        %dma_start3A_80 = tpu.memref_squeeze %dma_start3A_79 : memref<1x128xi32, #tpu.memory_space<vmem>> -> memref<128xi32, #tpu.memory_space<vmem>>
        %dma_start3A_81 = arith.constant 0 : i32
        %dma_start3A_82 = tpu.memref_slice %arg5[%dma_start3A_81] : memref<10240xf32, #tpu.memory_space<vmem_shared>> -> memref<10240xf32, #tpu.memory_space<vmem_shared>>
        tpu.enqueue_indirect_dma source(%run_scoped3A_1 : memref<128xf32, #tpu.memory_space<vmem>>) target(%dma_start3A_82 : memref<10240xf32, #tpu.memory_space<vmem_shared>>) offsets(%dma_start3A_80 : memref<128xi32, #tpu.memory_space<vmem>>) semaphore(%run_scoped3A_2 : memref<!tpu.dma_semaphore, #tpu.memory_space<semaphore_mem>>) {add = true}
        %dma_start3A_83 = arith.constant 3 : i32
        %dma_start3A_84 = arith.constant 0 : i32
        %dma_start3A_85 = tpu.memref_slice %run_scoped3A[%dma_start3A_83, %dma_start3A_84] : memref<8x128xi32, #tpu.memory_space<vmem>> -> memref<1x128xi32, #tpu.memory_space<vmem>>
        %dma_start3A_86 = tpu.memref_squeeze %dma_start3A_85 : memref<1x128xi32, #tpu.memory_space<vmem>> -> memref<128xi32, #tpu.memory_space<vmem>>
        %dma_start3A_87 = arith.constant 0 : i32
        %dma_start3A_88 = tpu.memref_slice %arg5[%dma_start3A_87] : memref<10240xf32, #tpu.memory_space<vmem_shared>> -> memref<10240xf32, #tpu.memory_space<vmem_shared>>
        tpu.enqueue_indirect_dma source(%run_scoped3A_1 : memref<128xf32, #tpu.memory_space<vmem>>) target(%dma_start3A_88 : memref<10240xf32, #tpu.memory_space<vmem_shared>>) offsets(%dma_start3A_86 : memref<128xi32, #tpu.memory_space<vmem>>) semaphore(%run_scoped3A_2 : memref<!tpu.dma_semaphore, #tpu.memory_space<semaphore_mem>>) {add = true}
        %dma_start3A_89 = arith.constant 4 : i32
        %dma_start3A_90 = arith.constant 0 : i32
        %dma_start3A_91 = tpu.memref_slice %run_scoped3A[%dma_start3A_89, %dma_start3A_90] : memref<8x128xi32, #tpu.memory_space<vmem>> -> memref<1x128xi32, #tpu.memory_space<vmem>>
        %dma_start3A_92 = tpu.memref_squeeze %dma_start3A_91 : memref<1x128xi32, #tpu.memory_space<vmem>> -> memref<128xi32, #tpu.memory_space<vmem>>
        %dma_start3A_93 = arith.constant 0 : i32
        %dma_start3A_94 = tpu.memref_slice %arg5[%dma_start3A_93] : memref<10240xf32, #tpu.memory_space<vmem_shared>> -> memref<10240xf32, #tpu.memory_space<vmem_shared>>
        tpu.enqueue_indirect_dma source(%run_scoped3A_1 : memref<128xf32, #tpu.memory_space<vmem>>) target(%dma_start3A_94 : memref<10240xf32, #tpu.memory_space<vmem_shared>>) offsets(%dma_start3A_92 : memref<128xi32, #tpu.memory_space<vmem>>) semaphore(%run_scoped3A_2 : memref<!tpu.dma_semaphore, #tpu.memory_space<semaphore_mem>>) {add = true}
        %dma_start3A_95 = arith.constant 5 : i32
        %dma_start3A_96 = arith.constant 0 : i32
        %dma_start3A_97 = tpu.memref_slice %run_scoped3A[%dma_start3A_95, %dma_start3A_96] : memref<8x128xi32, #tpu.memory_space<vmem>> -> memref<1x128xi32, #tpu.memory_space<vmem>>
        %dma_start3A_98 = tpu.memref_squeeze %dma_start3A_97 : memref<1x128xi32, #tpu.memory_space<vmem>> -> memref<128xi32, #tpu.memory_space<vmem>>
        %dma_start3A_99 = arith.constant 0 : i32
        %dma_start3A_100 = tpu.memref_slice %arg5[%dma_start3A_99] : memref<10240xf32, #tpu.memory_space<vmem_shared>> -> memref<10240xf32, #tpu.memory_space<vmem_shared>>
        tpu.enqueue_indirect_dma source(%run_scoped3A_1 : memref<128xf32, #tpu.memory_space<vmem>>) target(%dma_start3A_100 : memref<10240xf32, #tpu.memory_space<vmem_shared>>) offsets(%dma_start3A_98 : memref<128xi32, #tpu.memory_space<vmem>>) semaphore(%run_scoped3A_2 : memref<!tpu.dma_semaphore, #tpu.memory_space<semaphore_mem>>) {add = true}
        %dma_start3A_101 = arith.constant 6 : i32
        %dma_start3A_102 = arith.constant 0 : i32
        %dma_start3A_103 = tpu.memref_slice %run_scoped3A[%dma_start3A_101, %dma_start3A_102] : memref<8x128xi32, #tpu.memory_space<vmem>> -> memref<1x128xi32, #tpu.memory_space<vmem>>
        %dma_start3A_104 = tpu.memref_squeeze %dma_start3A_103 : memref<1x128xi32, #tpu.memory_space<vmem>> -> memref<128xi32, #tpu.memory_space<vmem>>
        %dma_start3A_105 = arith.constant 0 : i32
        %dma_start3A_106 = tpu.memref_slice %arg5[%dma_start3A_105] : memref<10240xf32, #tpu.memory_space<vmem_shared>> -> memref<10240xf32, #tpu.memory_space<vmem_shared>>
        tpu.enqueue_indirect_dma source(%run_scoped3A_1 : memref<128xf32, #tpu.memory_space<vmem>>) target(%dma_start3A_106 : memref<10240xf32, #tpu.memory_space<vmem_shared>>) offsets(%dma_start3A_104 : memref<128xi32, #tpu.memory_space<vmem>>) semaphore(%run_scoped3A_2 : memref<!tpu.dma_semaphore, #tpu.memory_space<semaphore_mem>>) {add = true}
        %dma_start3A_107 = arith.constant 7 : i32
        %dma_start3A_108 = arith.constant 0 : i32
        %dma_start3A_109 = tpu.memref_slice %run_scoped3A[%dma_start3A_107, %dma_start3A_108] : memref<8x128xi32, #tpu.memory_space<vmem>> -> memref<1x128xi32, #tpu.memory_space<vmem>>
        %dma_start3A_110 = tpu.memref_squeeze %dma_start3A_109 : memref<1x128xi32, #tpu.memory_space<vmem>> -> memref<128xi32, #tpu.memory_space<vmem>>
        %dma_start3A_111 = arith.constant 0 : i32
        %dma_start3A_112 = tpu.memref_slice %arg5[%dma_start3A_111] : memref<10240xf32, #tpu.memory_space<vmem_shared>> -> memref<10240xf32, #tpu.memory_space<vmem_shared>>
        tpu.enqueue_indirect_dma source(%run_scoped3A_1 : memref<128xf32, #tpu.memory_space<vmem>>) target(%dma_start3A_112 : memref<10240xf32, #tpu.memory_space<vmem_shared>>) offsets(%dma_start3A_110 : memref<128xi32, #tpu.memory_space<vmem>>) semaphore(%run_scoped3A_2 : memref<!tpu.dma_semaphore, #tpu.memory_space<semaphore_mem>>) {add = true}
        %dma_wait3A = arith.constant 0 : i32
        %dma_wait3A_113 = arith.constant 0 : i32
        %dma_wait3A_114 = tpu.memref_slice %run_scoped3A[%dma_wait3A, %dma_wait3A_113] : memref<8x128xi32, #tpu.memory_space<vmem>> -> memref<1x128xi32, #tpu.memory_space<vmem>>
        %dma_wait3A_115 = tpu.memref_squeeze %dma_wait3A_114 : memref<1x128xi32, #tpu.memory_space<vmem>> -> memref<128xi32, #tpu.memory_space<vmem>>
        %dma_wait3A_116 = arith.constant 0 : i32
        %dma_wait3A_117 = tpu.memref_slice %arg5[%dma_wait3A_116] : memref<10240xf32, #tpu.memory_space<vmem_shared>> -> memref<10240xf32, #tpu.memory_space<vmem_shared>>
        tpu.wait_indirect_dma semaphore(%run_scoped3A_2 : memref<!tpu.dma_semaphore, #tpu.memory_space<semaphore_mem>>) src(%run_scoped3A_1 : memref<128xf32, #tpu.memory_space<vmem>>) dst(%dma_wait3A_117 : memref<10240xf32, #tpu.memory_space<vmem_shared>>)
        %dma_wait3A_118 = arith.constant 1 : i32
        %dma_wait3A_119 = arith.constant 0 : i32
        %dma_wait3A_120 = tpu.memref_slice %run_scoped3A[%dma_wait3A_118, %dma_wait3A_119] : memref<8x128xi32, #tpu.memory_space<vmem>> -> memref<1x128xi32, #tpu.memory_space<vmem>>
        %dma_wait3A_121 = tpu.memref_squeeze %dma_wait3A_120 : memref<1x128xi32, #tpu.memory_space<vmem>> -> memref<128xi32, #tpu.memory_space<vmem>>
        %dma_wait3A_122 = arith.constant 0 : i32
        %dma_wait3A_123 = tpu.memref_slice %arg5[%dma_wait3A_122] : memref<10240xf32, #tpu.memory_space<vmem_shared>> -> memref<10240xf32, #tpu.memory_space<vmem_shared>>
        tpu.wait_indirect_dma semaphore(%run_scoped3A_2 : memref<!tpu.dma_semaphore, #tpu.memory_space<semaphore_mem>>) src(%run_scoped3A_1 : memref<128xf32, #tpu.memory_space<vmem>>) dst(%dma_wait3A_123 : memref<10240xf32, #tpu.memory_space<vmem_shared>>)
        %dma_wait3A_124 = arith.constant 2 : i32
        %dma_wait3A_125 = arith.constant 0 : i32
        %dma_wait3A_126 = tpu.memref_slice %run_scoped3A[%dma_wait3A_124, %dma_wait3A_125] : memref<8x128xi32, #tpu.memory_space<vmem>> -> memref<1x128xi32, #tpu.memory_space<vmem>>
        %dma_wait3A_127 = tpu.memref_squeeze %dma_wait3A_126 : memref<1x128xi32, #tpu.memory_space<vmem>> -> memref<128xi32, #tpu.memory_space<vmem>>
        %dma_wait3A_128 = arith.constant 0 : i32
        %dma_wait3A_129 = tpu.memref_slice %arg5[%dma_wait3A_128] : memref<10240xf32, #tpu.memory_space<vmem_shared>> -> memref<10240xf32, #tpu.memory_space<vmem_shared>>
        tpu.wait_indirect_dma semaphore(%run_scoped3A_2 : memref<!tpu.dma_semaphore, #tpu.memory_space<semaphore_mem>>) src(%run_scoped3A_1 : memref<128xf32, #tpu.memory_space<vmem>>) dst(%dma_wait3A_129 : memref<10240xf32, #tpu.memory_space<vmem_shared>>)
        %dma_wait3A_130 = arith.constant 3 : i32
        %dma_wait3A_131 = arith.constant 0 : i32
        %dma_wait3A_132 = tpu.memref_slice %run_scoped3A[%dma_wait3A_130, %dma_wait3A_131] : memref<8x128xi32, #tpu.memory_space<vmem>> -> memref<1x128xi32, #tpu.memory_space<vmem>>
        %dma_wait3A_133 = tpu.memref_squeeze %dma_wait3A_132 : memref<1x128xi32, #tpu.memory_space<vmem>> -> memref<128xi32, #tpu.memory_space<vmem>>
        %dma_wait3A_134 = arith.constant 0 : i32
        %dma_wait3A_135 = tpu.memref_slice %arg5[%dma_wait3A_134] : memref<10240xf32, #tpu.memory_space<vmem_shared>> -> memref<10240xf32, #tpu.memory_space<vmem_shared>>
        tpu.wait_indirect_dma semaphore(%run_scoped3A_2 : memref<!tpu.dma_semaphore, #tpu.memory_space<semaphore_mem>>) src(%run_scoped3A_1 : memref<128xf32, #tpu.memory_space<vmem>>) dst(%dma_wait3A_135 : memref<10240xf32, #tpu.memory_space<vmem_shared>>)
        %dma_wait3A_136 = arith.constant 4 : i32
        %dma_wait3A_137 = arith.constant 0 : i32
        %dma_wait3A_138 = tpu.memref_slice %run_scoped3A[%dma_wait3A_136, %dma_wait3A_137] : memref<8x128xi32, #tpu.memory_space<vmem>> -> memref<1x128xi32, #tpu.memory_space<vmem>>
        %dma_wait3A_139 = tpu.memref_squeeze %dma_wait3A_138 : memref<1x128xi32, #tpu.memory_space<vmem>> -> memref<128xi32, #tpu.memory_space<vmem>>
        %dma_wait3A_140 = arith.constant 0 : i32
        %dma_wait3A_141 = tpu.memref_slice %arg5[%dma_wait3A_140] : memref<10240xf32, #tpu.memory_space<vmem_shared>> -> memref<10240xf32, #tpu.memory_space<vmem_shared>>
        tpu.wait_indirect_dma semaphore(%run_scoped3A_2 : memref<!tpu.dma_semaphore, #tpu.memory_space<semaphore_mem>>) src(%run_scoped3A_1 : memref<128xf32, #tpu.memory_space<vmem>>) dst(%dma_wait3A_141 : memref<10240xf32, #tpu.memory_space<vmem_shared>>)
        %dma_wait3A_142 = arith.constant 5 : i32
        %dma_wait3A_143 = arith.constant 0 : i32
        %dma_wait3A_144 = tpu.memref_slice %run_scoped3A[%dma_wait3A_142, %dma_wait3A_143] : memref<8x128xi32, #tpu.memory_space<vmem>> -> memref<1x128xi32, #tpu.memory_space<vmem>>
        %dma_wait3A_145 = tpu.memref_squeeze %dma_wait3A_144 : memref<1x128xi32, #tpu.memory_space<vmem>> -> memref<128xi32, #tpu.memory_space<vmem>>
        %dma_wait3A_146 = arith.constant 0 : i32
        %dma_wait3A_147 = tpu.memref_slice %arg5[%dma_wait3A_146] : memref<10240xf32, #tpu.memory_space<vmem_shared>> -> memref<10240xf32, #tpu.memory_space<vmem_shared>>
        tpu.wait_indirect_dma semaphore(%run_scoped3A_2 : memref<!tpu.dma_semaphore, #tpu.memory_space<semaphore_mem>>) src(%run_scoped3A_1 : memref<128xf32, #tpu.memory_space<vmem>>) dst(%dma_wait3A_147 : memref<10240xf32, #tpu.memory_space<vmem_shared>>)
        %dma_wait3A_148 = arith.constant 6 : i32
        %dma_wait3A_149 = arith.constant 0 : i32
        %dma_wait3A_150 = tpu.memref_slice %run_scoped3A[%dma_wait3A_148, %dma_wait3A_149] : memref<8x128xi32, #tpu.memory_space<vmem>> -> memref<1x128xi32, #tpu.memory_space<vmem>>
        %dma_wait3A_151 = tpu.memref_squeeze %dma_wait3A_150 : memref<1x128xi32, #tpu.memory_space<vmem>> -> memref<128xi32, #tpu.memory_space<vmem>>
        %dma_wait3A_152 = arith.constant 0 : i32
        %dma_wait3A_153 = tpu.memref_slice %arg5[%dma_wait3A_152] : memref<10240xf32, #tpu.memory_space<vmem_shared>> -> memref<10240xf32, #tpu.memory_space<vmem_shared>>
        tpu.wait_indirect_dma semaphore(%run_scoped3A_2 : memref<!tpu.dma_semaphore, #tpu.memory_space<semaphore_mem>>) src(%run_scoped3A_1 : memref<128xf32, #tpu.memory_space<vmem>>) dst(%dma_wait3A_153 : memref<10240xf32, #tpu.memory_space<vmem_shared>>)
        %dma_wait3A_154 = arith.constant 7 : i32
        %dma_wait3A_155 = arith.constant 0 : i32
        %dma_wait3A_156 = tpu.memref_slice %run_scoped3A[%dma_wait3A_154, %dma_wait3A_155] : memref<8x128xi32, #tpu.memory_space<vmem>> -> memref<1x128xi32, #tpu.memory_space<vmem>>
        %dma_wait3A_157 = tpu.memref_squeeze %dma_wait3A_156 : memref<1x128xi32, #tpu.memory_space<vmem>> -> memref<128xi32, #tpu.memory_space<vmem>>
        %dma_wait3A_158 = arith.constant 0 : i32
        %dma_wait3A_159 = tpu.memref_slice %arg5[%dma_wait3A_158] : memref<10240xf32, #tpu.memory_space<vmem_shared>> -> memref<10240xf32, #tpu.memory_space<vmem_shared>>
        tpu.wait_indirect_dma semaphore(%run_scoped3A_2 : memref<!tpu.dma_semaphore, #tpu.memory_space<semaphore_mem>>) src(%run_scoped3A_1 : memref<128xf32, #tpu.memory_space<vmem>>) dst(%dma_wait3A_159 : memref<10240xf32, #tpu.memory_space<vmem_shared>>)
      }
      %scan3A_56 = arith.constant 10 : i32
      %barrier3A_57 = arith.constant 0 : index
      tpu.barrier barrier_id(%barrier3A_57)
      %mul3A_58 = arith.constant 640 : i32
      %mul3A_59 = arith.muli %arg1, %mul3A_58 : i32
      %mul3A_60 = arith.constant 640 : i32
      %mul3A_61 = arith.muli %arg1, %mul3A_60 : i32
      "tpu.region"() ({
        %run_scoped3A_62 = tpu.sem_alloc : memref<!tpu.dma_semaphore, #tpu.memory_space<semaphore_mem>>
        %dma_start3A = tpu.memref_slice %arg4[%arg0, %mul3A_61] : memref<2x10240xf32, #tpu.memory_space<hbm>> -> memref<1x640xf32, #tpu.memory_space<hbm>>
        %dma_start3A_63 = tpu.memref_squeeze %dma_start3A : memref<1x640xf32, #tpu.memory_space<hbm>> -> memref<640xf32, #tpu.memory_space<hbm>>
        %dma_start3A_64 = tpu.memref_slice %arg5[%mul3A_59] : memref<10240xf32, #tpu.memory_space<vmem_shared>> -> memref<640xf32, #tpu.memory_space<vmem_shared>>
        tpu.enqueue_dma source(%dma_start3A_64 : memref<640xf32, #tpu.memory_space<vmem_shared>>) target(%dma_start3A_63 : memref<640xf32, #tpu.memory_space<hbm>>) target_semaphore(%run_scoped3A_62 : memref<!tpu.dma_semaphore, #tpu.memory_space<semaphore_mem>>)
        %dma_wait3A = tpu.memref_slice %arg4[%arg0, %mul3A_61] : memref<2x10240xf32, #tpu.memory_space<hbm>> -> memref<1x640xf32, #tpu.memory_space<hbm>>
        %dma_wait3A_65 = tpu.memref_squeeze %dma_wait3A : memref<1x640xf32, #tpu.memory_space<hbm>> -> memref<640xf32, #tpu.memory_space<hbm>>
        %dma_wait3A_66 = tpu.memref_slice %arg5[%mul3A_59] : memref<10240xf32, #tpu.memory_space<vmem_shared>> -> memref<640xf32, #tpu.memory_space<vmem_shared>>
        tpu.wait_dma2 semaphore(%run_scoped3A_62 : memref<!tpu.dma_semaphore, #tpu.memory_space<semaphore_mem>>) src(%dma_wait3A_66 : memref<640xf32, #tpu.memory_space<vmem_shared>>) dst(%dma_wait3A_65 : memref<640xf32, #tpu.memory_space<hbm>>)
        tpu.yield
      }) : () -> ()
      tpu.yield
    }) : () -> ()
    return
  }
}

#map = affine_map<(d0, d1) -> (0, 0)>
#map1 = affine_map<(d0, d1) -> (0, 0, 0)>
module attributes {stable_mosaic.version = 14 : i64} {
  func.func @_agg_body(%arg0: i32, %arg1: i32, %arg2: memref<10240x128xf32, #tpu.memory_space<hbm>>, %arg3: memref<32x80x128xi32, #tpu.memory_space<hbm>>, %arg4: memref<32x80x128xi32, #tpu.memory_space<hbm>>, %arg5: memref<10240x128xf32, #tpu.memory_space<hbm>>, %arg6: memref<2x10240x128xf32, #tpu.memory_space<hbm>>, %arg7: memref<10240x128xf32, #tpu.memory_space<vmem_shared>>) attributes {dimension_semantics = [#tpu.dimension_semantics<core_parallel>, #tpu.dimension_semantics<subcore_parallel>], iteration_bounds = array<i64: 2, 16>, scalar_prefetch = 0 : i64, scratch_operands = 1 : i64, tpu.core_type = #tpu.core_type<sc_vector_subcore>, window_params = [{transform_indices = #map}, {transform_indices = #map1}, {transform_indices = #map1}, {transform_indices = #map}, {transform_indices = #map1}]} {
    %mul3A = arith.constant 16 : i32
    %mul3A_0 = arith.muli %arg0, %mul3A : i32
    %add3A = arith.addi %mul3A_0, %arg1 : i32
    "tpu.region"() ({
      %run_scoped3A = memref.alloca() : memref<128xi32, #tpu.memory_space<vmem>>
      %run_scoped3A_1 = memref.alloca() : memref<128xi32, #tpu.memory_space<vmem>>
      %run_scoped3A_2 = memref.alloca() : memref<128xi32, #tpu.memory_space<vmem>>
      %run_scoped3A_3 = memref.alloca() : memref<128xi32, #tpu.memory_space<vmem>>
      %run_scoped3A_4 = memref.alloca() : memref<128x128xf32, #tpu.memory_space<vmem>>
      %run_scoped3A_5 = memref.alloca() : memref<128x128xf32, #tpu.memory_space<vmem>>
      %run_scoped3A_6 = tpu.sem_alloc : memref<!tpu.dma_semaphore, #tpu.memory_space<semaphore_mem>>
      %run_scoped3A_7 = tpu.sem_alloc : memref<!tpu.dma_semaphore, #tpu.memory_space<semaphore_mem>>
      %run_scoped3A_8 = tpu.sem_alloc : memref<!tpu.dma_semaphore, #tpu.memory_space<semaphore_mem>>
      %run_scoped3A_9 = tpu.sem_alloc : memref<!tpu.dma_semaphore, #tpu.memory_space<semaphore_mem>>
      %run_scoped3A_10 = tpu.sem_alloc : memref<!tpu.dma_semaphore, #tpu.memory_space<semaphore_mem>>
      %run_scoped3A_11 = tpu.sem_alloc : memref<!tpu.dma_semaphore, #tpu.memory_space<semaphore_mem>>
      %mul3A_12 = arith.constant 640 : i32
      %mul3A_13 = arith.muli %arg1, %mul3A_12 : i32
      %mul3A_14 = arith.constant 640 : i32
      %mul3A_15 = arith.muli %arg1, %mul3A_14 : i32
      "tpu.region"() ({
        %run_scoped3A_103 = tpu.sem_alloc : memref<!tpu.dma_semaphore, #tpu.memory_space<semaphore_mem>>
        %dma_start3A_104 = arith.constant 0 : i32
        %dma_start3A_105 = tpu.memref_slice %arg7[%mul3A_15, %dma_start3A_104] : memref<10240x128xf32, #tpu.memory_space<vmem_shared>> -> memref<640x128xf32, #tpu.memory_space<vmem_shared>>
        %dma_start3A_106 = arith.constant 0 : i32
        %dma_start3A_107 = tpu.memref_slice %arg5[%mul3A_13, %dma_start3A_106] : memref<10240x128xf32, #tpu.memory_space<hbm>> -> memref<640x128xf32, #tpu.memory_space<hbm>>
        tpu.enqueue_dma source(%dma_start3A_107 : memref<640x128xf32, #tpu.memory_space<hbm>>) target(%dma_start3A_105 : memref<640x128xf32, #tpu.memory_space<vmem_shared>>) target_semaphore(%run_scoped3A_103 : memref<!tpu.dma_semaphore, #tpu.memory_space<semaphore_mem>>)
        %dma_wait3A_108 = arith.constant 0 : i32
        %dma_wait3A_109 = tpu.memref_slice %arg7[%mul3A_15, %dma_wait3A_108] : memref<10240x128xf32, #tpu.memory_space<vmem_shared>> -> memref<640x128xf32, #tpu.memory_space<vmem_shared>>
        %dma_wait3A_110 = arith.constant 0 : i32
        %dma_wait3A_111 = tpu.memref_slice %arg5[%mul3A_13, %dma_wait3A_110] : memref<10240x128xf32, #tpu.memory_space<hbm>> -> memref<640x128xf32, #tpu.memory_space<hbm>>
        tpu.wait_dma2 semaphore(%run_scoped3A_103 : memref<!tpu.dma_semaphore, #tpu.memory_space<semaphore_mem>>) src(%dma_wait3A_111 : memref<640x128xf32, #tpu.memory_space<hbm>>) dst(%dma_wait3A_109 : memref<640x128xf32, #tpu.memory_space<vmem_shared>>)
        tpu.yield
      }) : () -> ()
      %barrier3A = arith.constant 0 : index
      tpu.barrier barrier_id(%barrier3A)
      %dma_start3A = arith.constant 0 : i32
      %dma_start3A_16 = arith.constant 0 : i32
      %dma_start3A_17 = tpu.memref_slice %arg3[%add3A, %dma_start3A, %dma_start3A_16] : memref<32x80x128xi32, #tpu.memory_space<hbm>> -> memref<1x1x128xi32, #tpu.memory_space<hbm>>
      %dma_start3A_18 = tpu.memref_squeeze %dma_start3A_17 : memref<1x1x128xi32, #tpu.memory_space<hbm>> -> memref<128xi32, #tpu.memory_space<hbm>>
      %dma_start3A_19 = arith.constant 0 : i32
      %dma_start3A_20 = tpu.memref_slice %arg3[%add3A, %dma_start3A, %dma_start3A_19] : memref<32x80x128xi32, #tpu.memory_space<hbm>> -> memref<1x1x128xi32, #tpu.memory_space<hbm>>
      %dma_start3A_21 = tpu.memref_squeeze %dma_start3A_20 : memref<1x1x128xi32, #tpu.memory_space<hbm>> -> memref<128xi32, #tpu.memory_space<hbm>>
      tpu.enqueue_dma source(%dma_start3A_21 : memref<128xi32, #tpu.memory_space<hbm>>) target(%run_scoped3A : memref<128xi32, #tpu.memory_space<vmem>>) target_semaphore(%run_scoped3A_6 : memref<!tpu.dma_semaphore, #tpu.memory_space<semaphore_mem>>)
      %dma_start3A_22 = arith.constant 0 : i32
      %dma_start3A_23 = arith.constant 0 : i32
      %dma_start3A_24 = tpu.memref_slice %arg4[%add3A, %dma_start3A_22, %dma_start3A_23] : memref<32x80x128xi32, #tpu.memory_space<hbm>> -> memref<1x1x128xi32, #tpu.memory_space<hbm>>
      %dma_start3A_25 = tpu.memref_squeeze %dma_start3A_24 : memref<1x1x128xi32, #tpu.memory_space<hbm>> -> memref<128xi32, #tpu.memory_space<hbm>>
      %dma_start3A_26 = arith.constant 0 : i32
      %dma_start3A_27 = tpu.memref_slice %arg4[%add3A, %dma_start3A_22, %dma_start3A_26] : memref<32x80x128xi32, #tpu.memory_space<hbm>> -> memref<1x1x128xi32, #tpu.memory_space<hbm>>
      %dma_start3A_28 = tpu.memref_squeeze %dma_start3A_27 : memref<1x1x128xi32, #tpu.memory_space<hbm>> -> memref<128xi32, #tpu.memory_space<hbm>>
      tpu.enqueue_dma source(%dma_start3A_28 : memref<128xi32, #tpu.memory_space<hbm>>) target(%run_scoped3A_2 : memref<128xi32, #tpu.memory_space<vmem>>) target_semaphore(%run_scoped3A_6 : memref<!tpu.dma_semaphore, #tpu.memory_space<semaphore_mem>>)
      %dma_start3A_29 = arith.constant 1 : i32
      %dma_start3A_30 = arith.constant 0 : i32
      %dma_start3A_31 = tpu.memref_slice %arg3[%add3A, %dma_start3A_29, %dma_start3A_30] : memref<32x80x128xi32, #tpu.memory_space<hbm>> -> memref<1x1x128xi32, #tpu.memory_space<hbm>>
      %dma_start3A_32 = tpu.memref_squeeze %dma_start3A_31 : memref<1x1x128xi32, #tpu.memory_space<hbm>> -> memref<128xi32, #tpu.memory_space<hbm>>
      %dma_start3A_33 = arith.constant 0 : i32
      %dma_start3A_34 = tpu.memref_slice %arg3[%add3A, %dma_start3A_29, %dma_start3A_33] : memref<32x80x128xi32, #tpu.memory_space<hbm>> -> memref<1x1x128xi32, #tpu.memory_space<hbm>>
      %dma_start3A_35 = tpu.memref_squeeze %dma_start3A_34 : memref<1x1x128xi32, #tpu.memory_space<hbm>> -> memref<128xi32, #tpu.memory_space<hbm>>
      tpu.enqueue_dma source(%dma_start3A_35 : memref<128xi32, #tpu.memory_space<hbm>>) target(%run_scoped3A_1 : memref<128xi32, #tpu.memory_space<vmem>>) target_semaphore(%run_scoped3A_7 : memref<!tpu.dma_semaphore, #tpu.memory_space<semaphore_mem>>)
      %dma_start3A_36 = arith.constant 1 : i32
      %dma_start3A_37 = arith.constant 0 : i32
      %dma_start3A_38 = tpu.memref_slice %arg4[%add3A, %dma_start3A_36, %dma_start3A_37] : memref<32x80x128xi32, #tpu.memory_space<hbm>> -> memref<1x1x128xi32, #tpu.memory_space<hbm>>
      %dma_start3A_39 = tpu.memref_squeeze %dma_start3A_38 : memref<1x1x128xi32, #tpu.memory_space<hbm>> -> memref<128xi32, #tpu.memory_space<hbm>>
      %dma_start3A_40 = arith.constant 0 : i32
      %dma_start3A_41 = tpu.memref_slice %arg4[%add3A, %dma_start3A_36, %dma_start3A_40] : memref<32x80x128xi32, #tpu.memory_space<hbm>> -> memref<1x1x128xi32, #tpu.memory_space<hbm>>
      %dma_start3A_42 = tpu.memref_squeeze %dma_start3A_41 : memref<1x1x128xi32, #tpu.memory_space<hbm>> -> memref<128xi32, #tpu.memory_space<hbm>>
      tpu.enqueue_dma source(%dma_start3A_42 : memref<128xi32, #tpu.memory_space<hbm>>) target(%run_scoped3A_3 : memref<128xi32, #tpu.memory_space<vmem>>) target_semaphore(%run_scoped3A_7 : memref<!tpu.dma_semaphore, #tpu.memory_space<semaphore_mem>>)
      %dma_wait3A = arith.constant 0 : i32
      %dma_wait3A_43 = arith.constant 0 : i32
      %dma_wait3A_44 = tpu.memref_slice %arg3[%add3A, %dma_wait3A, %dma_wait3A_43] : memref<32x80x128xi32, #tpu.memory_space<hbm>> -> memref<1x1x128xi32, #tpu.memory_space<hbm>>
      %dma_wait3A_45 = tpu.memref_squeeze %dma_wait3A_44 : memref<1x1x128xi32, #tpu.memory_space<hbm>> -> memref<128xi32, #tpu.memory_space<hbm>>
      %dma_wait3A_46 = arith.constant 0 : i32
      %dma_wait3A_47 = tpu.memref_slice %arg3[%add3A, %dma_wait3A, %dma_wait3A_46] : memref<32x80x128xi32, #tpu.memory_space<hbm>> -> memref<1x1x128xi32, #tpu.memory_space<hbm>>
      %dma_wait3A_48 = tpu.memref_squeeze %dma_wait3A_47 : memref<1x1x128xi32, #tpu.memory_space<hbm>> -> memref<128xi32, #tpu.memory_space<hbm>>
      tpu.wait_dma2 semaphore(%run_scoped3A_6 : memref<!tpu.dma_semaphore, #tpu.memory_space<semaphore_mem>>) src(%dma_wait3A_48 : memref<128xi32, #tpu.memory_space<hbm>>) dst(%run_scoped3A : memref<128xi32, #tpu.memory_space<vmem>>)
      %dma_wait3A_49 = arith.constant 0 : i32
      %dma_wait3A_50 = arith.constant 0 : i32
      %dma_wait3A_51 = tpu.memref_slice %arg4[%add3A, %dma_wait3A_49, %dma_wait3A_50] : memref<32x80x128xi32, #tpu.memory_space<hbm>> -> memref<1x1x128xi32, #tpu.memory_space<hbm>>
      %dma_wait3A_52 = tpu.memref_squeeze %dma_wait3A_51 : memref<1x1x128xi32, #tpu.memory_space<hbm>> -> memref<128xi32, #tpu.memory_space<hbm>>
      %dma_wait3A_53 = arith.constant 0 : i32
      %dma_wait3A_54 = tpu.memref_slice %arg4[%add3A, %dma_wait3A_49, %dma_wait3A_53] : memref<32x80x128xi32, #tpu.memory_space<hbm>> -> memref<1x1x128xi32, #tpu.memory_space<hbm>>
      %dma_wait3A_55 = tpu.memref_squeeze %dma_wait3A_54 : memref<1x1x128xi32, #tpu.memory_space<hbm>> -> memref<128xi32, #tpu.memory_space<hbm>>
      tpu.wait_dma2 semaphore(%run_scoped3A_6 : memref<!tpu.dma_semaphore, #tpu.memory_space<semaphore_mem>>) src(%dma_wait3A_55 : memref<128xi32, #tpu.memory_space<hbm>>) dst(%run_scoped3A_2 : memref<128xi32, #tpu.memory_space<vmem>>)
      %dma_start3A_56 = arith.constant 0 : i32
      %dma_start3A_57 = arith.constant 0 : i32
      %dma_start3A_58 = tpu.memref_slice %arg2[%dma_start3A_56, %dma_start3A_57] : memref<10240x128xf32, #tpu.memory_space<hbm>> -> memref<10240x128xf32, #tpu.memory_space<hbm>>
      tpu.enqueue_indirect_dma source(%dma_start3A_58 : memref<10240x128xf32, #tpu.memory_space<hbm>>) target(%run_scoped3A_4 : memref<128x128xf32, #tpu.memory_space<vmem>>) offsets(%run_scoped3A : memref<128xi32, #tpu.memory_space<vmem>>) semaphore(%run_scoped3A_8 : memref<!tpu.dma_semaphore, #tpu.memory_space<semaphore_mem>>)
      %dma_wait3A_59 = arith.constant 0 : i32
      %dma_wait3A_60 = arith.constant 0 : i32
      %dma_wait3A_61 = tpu.memref_slice %arg3[%add3A, %dma_wait3A_59, %dma_wait3A_60] : memref<32x80x128xi32, #tpu.memory_space<hbm>> -> memref<1x1x128xi32, #tpu.memory_space<hbm>>
      %dma_wait3A_62 = tpu.memref_squeeze %dma_wait3A_61 : memref<1x1x128xi32, #tpu.memory_space<hbm>> -> memref<128xi32, #tpu.memory_space<hbm>>
      %dma_wait3A_63 = arith.constant 0 : i32
      %dma_wait3A_64 = tpu.memref_slice %arg3[%add3A, %dma_wait3A_59, %dma_wait3A_63] : memref<32x80x128xi32, #tpu.memory_space<hbm>> -> memref<1x1x128xi32, #tpu.memory_space<hbm>>
      %dma_wait3A_65 = tpu.memref_squeeze %dma_wait3A_64 : memref<1x1x128xi32, #tpu.memory_space<hbm>> -> memref<128xi32, #tpu.memory_space<hbm>>
      tpu.wait_dma2 semaphore(%run_scoped3A_7 : memref<!tpu.dma_semaphore, #tpu.memory_space<semaphore_mem>>) src(%dma_wait3A_65 : memref<128xi32, #tpu.memory_space<hbm>>) dst(%run_scoped3A_1 : memref<128xi32, #tpu.memory_space<vmem>>)
      %dma_wait3A_66 = arith.constant 0 : i32
      %dma_wait3A_67 = arith.constant 0 : i32
      %dma_wait3A_68 = tpu.memref_slice %arg4[%add3A, %dma_wait3A_66, %dma_wait3A_67] : memref<32x80x128xi32, #tpu.memory_space<hbm>> -> memref<1x1x128xi32, #tpu.memory_space<hbm>>
      %dma_wait3A_69 = tpu.memref_squeeze %dma_wait3A_68 : memref<1x1x128xi32, #tpu.memory_space<hbm>> -> memref<128xi32, #tpu.memory_space<hbm>>
      %dma_wait3A_70 = arith.constant 0 : i32
      %dma_wait3A_71 = tpu.memref_slice %arg4[%add3A, %dma_wait3A_66, %dma_wait3A_70] : memref<32x80x128xi32, #tpu.memory_space<hbm>> -> memref<1x1x128xi32, #tpu.memory_space<hbm>>
      %dma_wait3A_72 = tpu.memref_squeeze %dma_wait3A_71 : memref<1x1x128xi32, #tpu.memory_space<hbm>> -> memref<128xi32, #tpu.memory_space<hbm>>
      tpu.wait_dma2 semaphore(%run_scoped3A_7 : memref<!tpu.dma_semaphore, #tpu.memory_space<semaphore_mem>>) src(%dma_wait3A_72 : memref<128xi32, #tpu.memory_space<hbm>>) dst(%run_scoped3A_3 : memref<128xi32, #tpu.memory_space<vmem>>)
      %dma_start3A_73 = arith.constant 0 : i32
      %dma_start3A_74 = arith.constant 0 : i32
      %dma_start3A_75 = tpu.memref_slice %arg2[%dma_start3A_73, %dma_start3A_74] : memref<10240x128xf32, #tpu.memory_space<hbm>> -> memref<10240x128xf32, #tpu.memory_space<hbm>>
      tpu.enqueue_indirect_dma source(%dma_start3A_75 : memref<10240x128xf32, #tpu.memory_space<hbm>>) target(%run_scoped3A_5 : memref<128x128xf32, #tpu.memory_space<vmem>>) offsets(%run_scoped3A_1 : memref<128xi32, #tpu.memory_space<vmem>>) semaphore(%run_scoped3A_9 : memref<!tpu.dma_semaphore, #tpu.memory_space<semaphore_mem>>)
      %scan3A = arith.constant 0 : i32
      %scan3A_76 = arith.constant 39 : i32
      %scan3A_77 = arith.addi %scan3A, %scan3A_76 : i32
      %scan3A_78 = arith.constant 1 : i32
      scf.for %scan3A_103 = %scan3A to %scan3A_77 step %scan3A_78  : i32 {
        %mul3A_104 = arith.constant 2 : i32
        %mul3A_105 = arith.muli %scan3A_103, %mul3A_104 : i32
        %dma_wait3A_106 = arith.constant 0 : i32
        %dma_wait3A_107 = arith.constant 0 : i32
        %dma_wait3A_108 = tpu.memref_slice %arg2[%dma_wait3A_106, %dma_wait3A_107] : memref<10240x128xf32, #tpu.memory_space<hbm>> -> memref<10240x128xf32, #tpu.memory_space<hbm>>
        tpu.wait_indirect_dma semaphore(%run_scoped3A_8 : memref<!tpu.dma_semaphore, #tpu.memory_space<semaphore_mem>>) src(%dma_wait3A_108 : memref<10240x128xf32, #tpu.memory_space<hbm>>) dst(%run_scoped3A_4 : memref<128x128xf32, #tpu.memory_space<vmem>>)
        %dma_start3A_109 = arith.constant 0 : i32
        %dma_start3A_110 = arith.constant 0 : i32
        %dma_start3A_111 = tpu.memref_slice %arg7[%dma_start3A_109, %dma_start3A_110] : memref<10240x128xf32, #tpu.memory_space<vmem_shared>> -> memref<10240x128xf32, #tpu.memory_space<vmem_shared>>
        tpu.enqueue_indirect_dma source(%run_scoped3A_4 : memref<128x128xf32, #tpu.memory_space<vmem>>) target(%dma_start3A_111 : memref<10240x128xf32, #tpu.memory_space<vmem_shared>>) offsets(%run_scoped3A_2 : memref<128xi32, #tpu.memory_space<vmem>>) semaphore(%run_scoped3A_10 : memref<!tpu.dma_semaphore, #tpu.memory_space<semaphore_mem>>) {add = true}
        %dma_wait3A_112 = arith.constant 0 : i32
        %dma_wait3A_113 = arith.constant 0 : i32
        %dma_wait3A_114 = tpu.memref_slice %arg2[%dma_wait3A_112, %dma_wait3A_113] : memref<10240x128xf32, #tpu.memory_space<hbm>> -> memref<10240x128xf32, #tpu.memory_space<hbm>>
        tpu.wait_indirect_dma semaphore(%run_scoped3A_9 : memref<!tpu.dma_semaphore, #tpu.memory_space<semaphore_mem>>) src(%dma_wait3A_114 : memref<10240x128xf32, #tpu.memory_space<hbm>>) dst(%run_scoped3A_5 : memref<128x128xf32, #tpu.memory_space<vmem>>)
        %dma_start3A_115 = arith.constant 0 : i32
        %dma_start3A_116 = arith.constant 0 : i32
        %dma_start3A_117 = tpu.memref_slice %arg7[%dma_start3A_115, %dma_start3A_116] : memref<10240x128xf32, #tpu.memory_space<vmem_shared>> -> memref<10240x128xf32, #tpu.memory_space<vmem_shared>>
        tpu.enqueue_indirect_dma source(%run_scoped3A_5 : memref<128x128xf32, #tpu.memory_space<vmem>>) target(%dma_start3A_117 : memref<10240x128xf32, #tpu.memory_space<vmem_shared>>) offsets(%run_scoped3A_3 : memref<128xi32, #tpu.memory_space<vmem>>) semaphore(%run_scoped3A_11 : memref<!tpu.dma_semaphore, #tpu.memory_space<semaphore_mem>>) {add = true}
        %dma_wait3A_118 = arith.constant 0 : i32
        %dma_wait3A_119 = arith.constant 0 : i32
        %dma_wait3A_120 = tpu.memref_slice %arg7[%dma_wait3A_118, %dma_wait3A_119] : memref<10240x128xf32, #tpu.memory_space<vmem_shared>> -> memref<10240x128xf32, #tpu.memory_space<vmem_shared>>
        tpu.wait_indirect_dma semaphore(%run_scoped3A_10 : memref<!tpu.dma_semaphore, #tpu.memory_space<semaphore_mem>>) src(%run_scoped3A_4 : memref<128x128xf32, #tpu.memory_space<vmem>>) dst(%dma_wait3A_120 : memref<10240x128xf32, #tpu.memory_space<vmem_shared>>)
        %add3A_121 = arith.constant 2 : i32
        %add3A_122 = arith.addi %mul3A_105, %add3A_121 : i32
        %add3A_123 = arith.constant 0 : i32
        %add3A_124 = arith.addi %add3A_122, %add3A_123 : i32
        %dma_start3A_125 = arith.constant 0 : i32
        %dma_start3A_126 = tpu.memref_slice %arg3[%add3A, %add3A_124, %dma_start3A_125] : memref<32x80x128xi32, #tpu.memory_space<hbm>> -> memref<1x1x128xi32, #tpu.memory_space<hbm>>
        %dma_start3A_127 = tpu.memref_squeeze %dma_start3A_126 : memref<1x1x128xi32, #tpu.memory_space<hbm>> -> memref<128xi32, #tpu.memory_space<hbm>>
        %dma_start3A_128 = arith.constant 0 : i32
        %dma_start3A_129 = tpu.memref_slice %arg3[%add3A, %add3A_124, %dma_start3A_128] : memref<32x80x128xi32, #tpu.memory_space<hbm>> -> memref<1x1x128xi32, #tpu.memory_space<hbm>>
        %dma_start3A_130 = tpu.memref_squeeze %dma_start3A_129 : memref<1x1x128xi32, #tpu.memory_space<hbm>> -> memref<128xi32, #tpu.memory_space<hbm>>
        tpu.enqueue_dma source(%dma_start3A_130 : memref<128xi32, #tpu.memory_space<hbm>>) target(%run_scoped3A : memref<128xi32, #tpu.memory_space<vmem>>) target_semaphore(%run_scoped3A_6 : memref<!tpu.dma_semaphore, #tpu.memory_space<semaphore_mem>>)
        %dma_start3A_131 = arith.constant 0 : i32
        %dma_start3A_132 = tpu.memref_slice %arg4[%add3A, %add3A_124, %dma_start3A_131] : memref<32x80x128xi32, #tpu.memory_space<hbm>> -> memref<1x1x128xi32, #tpu.memory_space<hbm>>
        %dma_start3A_133 = tpu.memref_squeeze %dma_start3A_132 : memref<1x1x128xi32, #tpu.memory_space<hbm>> -> memref<128xi32, #tpu.memory_space<hbm>>
        %dma_start3A_134 = arith.constant 0 : i32
        %dma_start3A_135 = tpu.memref_slice %arg4[%add3A, %add3A_124, %dma_start3A_134] : memref<32x80x128xi32, #tpu.memory_space<hbm>> -> memref<1x1x128xi32, #tpu.memory_space<hbm>>
        %dma_start3A_136 = tpu.memref_squeeze %dma_start3A_135 : memref<1x1x128xi32, #tpu.memory_space<hbm>> -> memref<128xi32, #tpu.memory_space<hbm>>
        tpu.enqueue_dma source(%dma_start3A_136 : memref<128xi32, #tpu.memory_space<hbm>>) target(%run_scoped3A_2 : memref<128xi32, #tpu.memory_space<vmem>>) target_semaphore(%run_scoped3A_6 : memref<!tpu.dma_semaphore, #tpu.memory_space<semaphore_mem>>)
        %dma_wait3A_137 = arith.constant 0 : i32
        %dma_wait3A_138 = arith.constant 0 : i32
        %dma_wait3A_139 = tpu.memref_slice %arg7[%dma_wait3A_137, %dma_wait3A_138] : memref<10240x128xf32, #tpu.memory_space<vmem_shared>> -> memref<10240x128xf32, #tpu.memory_space<vmem_shared>>
        tpu.wait_indirect_dma semaphore(%run_scoped3A_11 : memref<!tpu.dma_semaphore, #tpu.memory_space<semaphore_mem>>) src(%run_scoped3A_5 : memref<128x128xf32, #tpu.memory_space<vmem>>) dst(%dma_wait3A_139 : memref<10240x128xf32, #tpu.memory_space<vmem_shared>>)
        %add3A_140 = arith.constant 2 : i32
        %add3A_141 = arith.addi %mul3A_105, %add3A_140 : i32
        %add3A_142 = arith.constant 1 : i32
        %add3A_143 = arith.addi %add3A_141, %add3A_142 : i32
        %dma_start3A_144 = arith.constant 0 : i32
        %dma_start3A_145 = tpu.memref_slice %arg3[%add3A, %add3A_143, %dma_start3A_144] : memref<32x80x128xi32, #tpu.memory_space<hbm>> -> memref<1x1x128xi32, #tpu.memory_space<hbm>>
        %dma_start3A_146 = tpu.memref_squeeze %dma_start3A_145 : memref<1x1x128xi32, #tpu.memory_space<hbm>> -> memref<128xi32, #tpu.memory_space<hbm>>
        %dma_start3A_147 = arith.constant 0 : i32
        %dma_start3A_148 = tpu.memref_slice %arg3[%add3A, %add3A_143, %dma_start3A_147] : memref<32x80x128xi32, #tpu.memory_space<hbm>> -> memref<1x1x128xi32, #tpu.memory_space<hbm>>
        %dma_start3A_149 = tpu.memref_squeeze %dma_start3A_148 : memref<1x1x128xi32, #tpu.memory_space<hbm>> -> memref<128xi32, #tpu.memory_space<hbm>>
        tpu.enqueue_dma source(%dma_start3A_149 : memref<128xi32, #tpu.memory_space<hbm>>) target(%run_scoped3A_1 : memref<128xi32, #tpu.memory_space<vmem>>) target_semaphore(%run_scoped3A_7 : memref<!tpu.dma_semaphore, #tpu.memory_space<semaphore_mem>>)
        %dma_start3A_150 = arith.constant 0 : i32
        %dma_start3A_151 = tpu.memref_slice %arg4[%add3A, %add3A_143, %dma_start3A_150] : memref<32x80x128xi32, #tpu.memory_space<hbm>> -> memref<1x1x128xi32, #tpu.memory_space<hbm>>
        %dma_start3A_152 = tpu.memref_squeeze %dma_start3A_151 : memref<1x1x128xi32, #tpu.memory_space<hbm>> -> memref<128xi32, #tpu.memory_space<hbm>>
        %dma_start3A_153 = arith.constant 0 : i32
        %dma_start3A_154 = tpu.memref_slice %arg4[%add3A, %add3A_143, %dma_start3A_153] : memref<32x80x128xi32, #tpu.memory_space<hbm>> -> memref<1x1x128xi32, #tpu.memory_space<hbm>>
        %dma_start3A_155 = tpu.memref_squeeze %dma_start3A_154 : memref<1x1x128xi32, #tpu.memory_space<hbm>> -> memref<128xi32, #tpu.memory_space<hbm>>
        tpu.enqueue_dma source(%dma_start3A_155 : memref<128xi32, #tpu.memory_space<hbm>>) target(%run_scoped3A_3 : memref<128xi32, #tpu.memory_space<vmem>>) target_semaphore(%run_scoped3A_7 : memref<!tpu.dma_semaphore, #tpu.memory_space<semaphore_mem>>)
        %dma_wait3A_156 = arith.constant 0 : i32
        %dma_wait3A_157 = arith.constant 0 : i32
        %dma_wait3A_158 = tpu.memref_slice %arg3[%add3A, %dma_wait3A_156, %dma_wait3A_157] : memref<32x80x128xi32, #tpu.memory_space<hbm>> -> memref<1x1x128xi32, #tpu.memory_space<hbm>>
        %dma_wait3A_159 = tpu.memref_squeeze %dma_wait3A_158 : memref<1x1x128xi32, #tpu.memory_space<hbm>> -> memref<128xi32, #tpu.memory_space<hbm>>
        %dma_wait3A_160 = arith.constant 0 : i32
        %dma_wait3A_161 = tpu.memref_slice %arg3[%add3A, %dma_wait3A_156, %dma_wait3A_160] : memref<32x80x128xi32, #tpu.memory_space<hbm>> -> memref<1x1x128xi32, #tpu.memory_space<hbm>>
        %dma_wait3A_162 = tpu.memref_squeeze %dma_wait3A_161 : memref<1x1x128xi32, #tpu.memory_space<hbm>> -> memref<128xi32, #tpu.memory_space<hbm>>
        tpu.wait_dma2 semaphore(%run_scoped3A_6 : memref<!tpu.dma_semaphore, #tpu.memory_space<semaphore_mem>>) src(%dma_wait3A_162 : memref<128xi32, #tpu.memory_space<hbm>>) dst(%run_scoped3A : memref<128xi32, #tpu.memory_space<vmem>>)
        %dma_wait3A_163 = arith.constant 0 : i32
        %dma_wait3A_164 = arith.constant 0 : i32
        %dma_wait3A_165 = tpu.memref_slice %arg4[%add3A, %dma_wait3A_163, %dma_wait3A_164] : memref<32x80x128xi32, #tpu.memory_space<hbm>> -> memref<1x1x128xi32, #tpu.memory_space<hbm>>
        %dma_wait3A_166 = tpu.memref_squeeze %dma_wait3A_165 : memref<1x1x128xi32, #tpu.memory_space<hbm>> -> memref<128xi32, #tpu.memory_space<hbm>>
        %dma_wait3A_167 = arith.constant 0 : i32
        %dma_wait3A_168 = tpu.memref_slice %arg4[%add3A, %dma_wait3A_163, %dma_wait3A_167] : memref<32x80x128xi32, #tpu.memory_space<hbm>> -> memref<1x1x128xi32, #tpu.memory_space<hbm>>
        %dma_wait3A_169 = tpu.memref_squeeze %dma_wait3A_168 : memref<1x1x128xi32, #tpu.memory_space<hbm>> -> memref<128xi32, #tpu.memory_space<hbm>>
        tpu.wait_dma2 semaphore(%run_scoped3A_6 : memref<!tpu.dma_semaphore, #tpu.memory_space<semaphore_mem>>) src(%dma_wait3A_169 : memref<128xi32, #tpu.memory_space<hbm>>) dst(%run_scoped3A_2 : memref<128xi32, #tpu.memory_space<vmem>>)
        %dma_start3A_170 = arith.constant 0 : i32
        %dma_start3A_171 = arith.constant 0 : i32
        %dma_start3A_172 = tpu.memref_slice %arg2[%dma_start3A_170, %dma_start3A_171] : memref<10240x128xf32, #tpu.memory_space<hbm>> -> memref<10240x128xf32, #tpu.memory_space<hbm>>
        tpu.enqueue_indirect_dma source(%dma_start3A_172 : memref<10240x128xf32, #tpu.memory_space<hbm>>) target(%run_scoped3A_4 : memref<128x128xf32, #tpu.memory_space<vmem>>) offsets(%run_scoped3A : memref<128xi32, #tpu.memory_space<vmem>>) semaphore(%run_scoped3A_8 : memref<!tpu.dma_semaphore, #tpu.memory_space<semaphore_mem>>)
        %dma_wait3A_173 = arith.constant 0 : i32
        %dma_wait3A_174 = arith.constant 0 : i32
        %dma_wait3A_175 = tpu.memref_slice %arg3[%add3A, %dma_wait3A_173, %dma_wait3A_174] : memref<32x80x128xi32, #tpu.memory_space<hbm>> -> memref<1x1x128xi32, #tpu.memory_space<hbm>>
        %dma_wait3A_176 = tpu.memref_squeeze %dma_wait3A_175 : memref<1x1x128xi32, #tpu.memory_space<hbm>> -> memref<128xi32, #tpu.memory_space<hbm>>
        %dma_wait3A_177 = arith.constant 0 : i32
        %dma_wait3A_178 = tpu.memref_slice %arg3[%add3A, %dma_wait3A_173, %dma_wait3A_177] : memref<32x80x128xi32, #tpu.memory_space<hbm>> -> memref<1x1x128xi32, #tpu.memory_space<hbm>>
        %dma_wait3A_179 = tpu.memref_squeeze %dma_wait3A_178 : memref<1x1x128xi32, #tpu.memory_space<hbm>> -> memref<128xi32, #tpu.memory_space<hbm>>
        tpu.wait_dma2 semaphore(%run_scoped3A_7 : memref<!tpu.dma_semaphore, #tpu.memory_space<semaphore_mem>>) src(%dma_wait3A_179 : memref<128xi32, #tpu.memory_space<hbm>>) dst(%run_scoped3A_1 : memref<128xi32, #tpu.memory_space<vmem>>)
        %dma_wait3A_180 = arith.constant 0 : i32
        %dma_wait3A_181 = arith.constant 0 : i32
        %dma_wait3A_182 = tpu.memref_slice %arg4[%add3A, %dma_wait3A_180, %dma_wait3A_181] : memref<32x80x128xi32, #tpu.memory_space<hbm>> -> memref<1x1x128xi32, #tpu.memory_space<hbm>>
        %dma_wait3A_183 = tpu.memref_squeeze %dma_wait3A_182 : memref<1x1x128xi32, #tpu.memory_space<hbm>> -> memref<128xi32, #tpu.memory_space<hbm>>
        %dma_wait3A_184 = arith.constant 0 : i32
        %dma_wait3A_185 = tpu.memref_slice %arg4[%add3A, %dma_wait3A_180, %dma_wait3A_184] : memref<32x80x128xi32, #tpu.memory_space<hbm>> -> memref<1x1x128xi32, #tpu.memory_space<hbm>>
        %dma_wait3A_186 = tpu.memref_squeeze %dma_wait3A_185 : memref<1x1x128xi32, #tpu.memory_space<hbm>> -> memref<128xi32, #tpu.memory_space<hbm>>
        tpu.wait_dma2 semaphore(%run_scoped3A_7 : memref<!tpu.dma_semaphore, #tpu.memory_space<semaphore_mem>>) src(%dma_wait3A_186 : memref<128xi32, #tpu.memory_space<hbm>>) dst(%run_scoped3A_3 : memref<128xi32, #tpu.memory_space<vmem>>)
        %dma_start3A_187 = arith.constant 0 : i32
        %dma_start3A_188 = arith.constant 0 : i32
        %dma_start3A_189 = tpu.memref_slice %arg2[%dma_start3A_187, %dma_start3A_188] : memref<10240x128xf32, #tpu.memory_space<hbm>> -> memref<10240x128xf32, #tpu.memory_space<hbm>>
        tpu.enqueue_indirect_dma source(%dma_start3A_189 : memref<10240x128xf32, #tpu.memory_space<hbm>>) target(%run_scoped3A_5 : memref<128x128xf32, #tpu.memory_space<vmem>>) offsets(%run_scoped3A_1 : memref<128xi32, #tpu.memory_space<vmem>>) semaphore(%run_scoped3A_9 : memref<!tpu.dma_semaphore, #tpu.memory_space<semaphore_mem>>)
      }
      %scan3A_79 = arith.constant 39 : i32
      %dma_wait3A_80 = arith.constant 0 : i32
      %dma_wait3A_81 = arith.constant 0 : i32
      %dma_wait3A_82 = tpu.memref_slice %arg2[%dma_wait3A_80, %dma_wait3A_81] : memref<10240x128xf32, #tpu.memory_space<hbm>> -> memref<10240x128xf32, #tpu.memory_space<hbm>>
      tpu.wait_indirect_dma semaphore(%run_scoped3A_8 : memref<!tpu.dma_semaphore, #tpu.memory_space<semaphore_mem>>) src(%dma_wait3A_82 : memref<10240x128xf32, #tpu.memory_space<hbm>>) dst(%run_scoped3A_4 : memref<128x128xf32, #tpu.memory_space<vmem>>)
      %dma_start3A_83 = arith.constant 0 : i32
      %dma_start3A_84 = arith.constant 0 : i32
      %dma_start3A_85 = tpu.memref_slice %arg7[%dma_start3A_83, %dma_start3A_84] : memref<10240x128xf32, #tpu.memory_space<vmem_shared>> -> memref<10240x128xf32, #tpu.memory_space<vmem_shared>>
      tpu.enqueue_indirect_dma source(%run_scoped3A_4 : memref<128x128xf32, #tpu.memory_space<vmem>>) target(%dma_start3A_85 : memref<10240x128xf32, #tpu.memory_space<vmem_shared>>) offsets(%run_scoped3A_2 : memref<128xi32, #tpu.memory_space<vmem>>) semaphore(%run_scoped3A_10 : memref<!tpu.dma_semaphore, #tpu.memory_space<semaphore_mem>>) {add = true}
      %dma_wait3A_86 = arith.constant 0 : i32
      %dma_wait3A_87 = arith.constant 0 : i32
      %dma_wait3A_88 = tpu.memref_slice %arg2[%dma_wait3A_86, %dma_wait3A_87] : memref<10240x128xf32, #tpu.memory_space<hbm>> -> memref<10240x128xf32, #tpu.memory_space<hbm>>
      tpu.wait_indirect_dma semaphore(%run_scoped3A_9 : memref<!tpu.dma_semaphore, #tpu.memory_space<semaphore_mem>>) src(%dma_wait3A_88 : memref<10240x128xf32, #tpu.memory_space<hbm>>) dst(%run_scoped3A_5 : memref<128x128xf32, #tpu.memory_space<vmem>>)
      %dma_start3A_89 = arith.constant 0 : i32
      %dma_start3A_90 = arith.constant 0 : i32
      %dma_start3A_91 = tpu.memref_slice %arg7[%dma_start3A_89, %dma_start3A_90] : memref<10240x128xf32, #tpu.memory_space<vmem_shared>> -> memref<10240x128xf32, #tpu.memory_space<vmem_shared>>
      tpu.enqueue_indirect_dma source(%run_scoped3A_5 : memref<128x128xf32, #tpu.memory_space<vmem>>) target(%dma_start3A_91 : memref<10240x128xf32, #tpu.memory_space<vmem_shared>>) offsets(%run_scoped3A_3 : memref<128xi32, #tpu.memory_space<vmem>>) semaphore(%run_scoped3A_11 : memref<!tpu.dma_semaphore, #tpu.memory_space<semaphore_mem>>) {add = true}
      %dma_wait3A_92 = arith.constant 0 : i32
      %dma_wait3A_93 = arith.constant 0 : i32
      %dma_wait3A_94 = tpu.memref_slice %arg7[%dma_wait3A_92, %dma_wait3A_93] : memref<10240x128xf32, #tpu.memory_space<vmem_shared>> -> memref<10240x128xf32, #tpu.memory_space<vmem_shared>>
      tpu.wait_indirect_dma semaphore(%run_scoped3A_10 : memref<!tpu.dma_semaphore, #tpu.memory_space<semaphore_mem>>) src(%run_scoped3A_4 : memref<128x128xf32, #tpu.memory_space<vmem>>) dst(%dma_wait3A_94 : memref<10240x128xf32, #tpu.memory_space<vmem_shared>>)
      %dma_wait3A_95 = arith.constant 0 : i32
      %dma_wait3A_96 = arith.constant 0 : i32
      %dma_wait3A_97 = tpu.memref_slice %arg7[%dma_wait3A_95, %dma_wait3A_96] : memref<10240x128xf32, #tpu.memory_space<vmem_shared>> -> memref<10240x128xf32, #tpu.memory_space<vmem_shared>>
      tpu.wait_indirect_dma semaphore(%run_scoped3A_11 : memref<!tpu.dma_semaphore, #tpu.memory_space<semaphore_mem>>) src(%run_scoped3A_5 : memref<128x128xf32, #tpu.memory_space<vmem>>) dst(%dma_wait3A_97 : memref<10240x128xf32, #tpu.memory_space<vmem_shared>>)
      %barrier3A_98 = arith.constant 0 : index
      tpu.barrier barrier_id(%barrier3A_98)
      %mul3A_99 = arith.constant 640 : i32
      %mul3A_100 = arith.muli %arg1, %mul3A_99 : i32
      %mul3A_101 = arith.constant 640 : i32
      %mul3A_102 = arith.muli %arg1, %mul3A_101 : i32
      "tpu.region"() ({
        %run_scoped3A_103 = tpu.sem_alloc : memref<!tpu.dma_semaphore, #tpu.memory_space<semaphore_mem>>
        %dma_start3A_104 = arith.constant 0 : i32
        %dma_start3A_105 = tpu.memref_slice %arg6[%arg0, %mul3A_102, %dma_start3A_104] : memref<2x10240x128xf32, #tpu.memory_space<hbm>> -> memref<1x640x128xf32, #tpu.memory_space<hbm>>
        %dma_start3A_106 = tpu.memref_squeeze %dma_start3A_105 : memref<1x640x128xf32, #tpu.memory_space<hbm>> -> memref<640x128xf32, #tpu.memory_space<hbm>>
        %dma_start3A_107 = arith.constant 0 : i32
        %dma_start3A_108 = tpu.memref_slice %arg7[%mul3A_100, %dma_start3A_107] : memref<10240x128xf32, #tpu.memory_space<vmem_shared>> -> memref<640x128xf32, #tpu.memory_space<vmem_shared>>
        tpu.enqueue_dma source(%dma_start3A_108 : memref<640x128xf32, #tpu.memory_space<vmem_shared>>) target(%dma_start3A_106 : memref<640x128xf32, #tpu.memory_space<hbm>>) target_semaphore(%run_scoped3A_103 : memref<!tpu.dma_semaphore, #tpu.memory_space<semaphore_mem>>)
        %dma_wait3A_109 = arith.constant 0 : i32
        %dma_wait3A_110 = tpu.memref_slice %arg6[%arg0, %mul3A_102, %dma_wait3A_109] : memref<2x10240x128xf32, #tpu.memory_space<hbm>> -> memref<1x640x128xf32, #tpu.memory_space<hbm>>
        %dma_wait3A_111 = tpu.memref_squeeze %dma_wait3A_110 : memref<1x640x128xf32, #tpu.memory_space<hbm>> -> memref<640x128xf32, #tpu.memory_space<hbm>>
        %dma_wait3A_112 = arith.constant 0 : i32
        %dma_wait3A_113 = tpu.memref_slice %arg7[%mul3A_100, %dma_wait3A_112] : memref<10240x128xf32, #tpu.memory_space<vmem_shared>> -> memref<640x128xf32, #tpu.memory_space<vmem_shared>>
        tpu.wait_dma2 semaphore(%run_scoped3A_103 : memref<!tpu.dma_semaphore, #tpu.memory_space<semaphore_mem>>) src(%dma_wait3A_113 : memref<640x128xf32, #tpu.memory_space<vmem_shared>>) dst(%dma_wait3A_111 : memref<640x128xf32, #tpu.memory_space<hbm>>)
        tpu.yield
      }) : () -> ()
      tpu.yield
    }) : () -> ()
    return
  }
}

module attributes {stable_mosaic.version = 14 : i64} {
  func.func @_lin1_body(%arg0: i32, %arg1: memref<1024x128xf32, #tpu.memory_space<vmem>>, %arg2: memref<128x128xf32, #tpu.memory_space<vmem>>, %arg3: memref<1024x1xf32, #tpu.memory_space<vmem>>, %arg4: memref<1024x1xf32, #tpu.memory_space<vmem>>, %arg5: memref<1024x128xf32, #tpu.memory_space<vmem>>, %arg6: memref<1024x1xf32, #tpu.memory_space<vmem>>) attributes {dimension_semantics = [#tpu.dimension_semantics<arbitrary>], iteration_bounds = array<i64: 10>, scalar_prefetch = 0 : i64, scratch_operands = 0 : i64, tpu.core_type = #tpu.core_type<tc>, window_params = [{transform_indices = @transform_0, window_bounds = array<i64: 1024, 128>}, {pipeline_mode = #tpu.pipeline_mode<synchronous>, transform_indices = @transform_1, window_bounds = array<i64: 128, 128>}, {transform_indices = @transform_2, window_bounds = array<i64: 1024, 1>}, {transform_indices = @transform_3, window_bounds = array<i64: 1024, 1>}, {transform_indices = @transform_4, window_bounds = array<i64: 1024, 128>}, {transform_indices = @transform_5, window_bounds = array<i64: 1024, 1>}]} {
    %get3A = arith.constant 0 : index
    %get3A_0 = arith.constant 0 : index
    %get3A_1 = vector.load %arg3[%get3A, %get3A_0] : memref<1024x1xf32, #tpu.memory_space<vmem>>, vector<1024x1xf32>
    %get3A_2 = arith.constant 0 : index
    %get3A_3 = arith.constant 0 : index
    %get3A_4 = vector.load %arg4[%get3A_2, %get3A_3] : memref<1024x1xf32, #tpu.memory_space<vmem>>, vector<1024x1xf32>
    %add3A = arith.addf %get3A_1, %get3A_4 : vector<1024x1xf32>
    %add3A_5 = arith.constant 1.000000e+00 : f32
    %add3A_6 = vector.broadcast %add3A_5 : f32 to vector<1024x1xf32>
    %add3A_7 = arith.addf %add3A, %add3A_6 : vector<1024x1xf32>
    %rsqrt3A = math.rsqrt %add3A_7 : vector<1024x1xf32>
    %swap3A = arith.constant 0 : index
    %swap3A_8 = arith.constant 0 : index
    %swap3A_9 = vector.load %arg6[%swap3A, %swap3A_8] : memref<1024x1xf32, #tpu.memory_space<vmem>>, vector<1024x1xf32>
    tpu.vector_store %arg6[%swap3A, %swap3A_8], %rsqrt3A {strides = array<i32>} : memref<1024x1xf32, #tpu.memory_space<vmem>>, vector<1024x1xf32>,
    %get3A_10 = arith.constant 0 : index
    %get3A_11 = arith.constant 0 : index
    %get3A_12 = vector.load %arg1[%get3A_10, %get3A_11] : memref<1024x128xf32, #tpu.memory_space<vmem>>, vector<1024x128xf32>
    %get3A_13 = arith.constant 0 : index
    %get3A_14 = arith.constant 0 : index
    %get3A_15 = vector.load %arg2[%get3A_13, %get3A_14] : memref<128x128xf32, #tpu.memory_space<vmem>>, vector<128x128xf32>
    %dot_general3A = arith.constant dense<0.000000e+00> : vector<1024x128xf32>
    %dot_general3A_16 = tpu.matmul %get3A_12, %get3A_15, %dot_general3A {dimension_numbers = #tpu.dot_dimension_numbers<[1], [0], [0], [1], [0, 0, 1, 1], [], []>, transpose_lhs_hint = false} : vector<1024x128xf32>, vector<128x128xf32>, vector<1024x128xf32> -> vector<1024x128xf32>
    %mul3A = vector.broadcast %rsqrt3A : vector<1024x1xf32> to vector<1024x128xf32>
    %mul3A_17 = arith.mulf %dot_general3A_16, %mul3A : vector<1024x128xf32>
    %swap3A_18 = arith.constant 0 : index
    %swap3A_19 = arith.constant 0 : index
    %swap3A_20 = vector.load %arg5[%swap3A_18, %swap3A_19] : memref<1024x128xf32, #tpu.memory_space<vmem>>, vector<1024x128xf32>
    tpu.vector_store %arg5[%swap3A_18, %swap3A_19], %mul3A_17 {strides = array<i32>} : memref<1024x128xf32, #tpu.memory_space<vmem>>, vector<1024x128xf32>,
    return
  }
  func.func @transform_0(%arg0: i32) -> (i32, i32) {
    %c0_i32 = arith.constant 0 : i32
    %c0_i32_0 = arith.constant 0 : i32
    return %arg0, %c0_i32 : i32, i32
  }
  func.func @transform_1(%arg0: i32) -> (i32, i32) {
    %c0_i32 = arith.constant 0 : i32
    %c0_i32_0 = arith.constant 0 : i32
    %c0_i32_1 = arith.constant 0 : i32
    return %c0_i32, %c0_i32_0 : i32, i32
  }
  func.func @transform_2(%arg0: i32) -> (i32, i32) {
    %c0_i32 = arith.constant 0 : i32
    %c0_i32_0 = arith.constant 0 : i32
    return %arg0, %c0_i32 : i32, i32
  }
  func.func @transform_3(%arg0: i32) -> (i32, i32) {
    %c0_i32 = arith.constant 0 : i32
    %c0_i32_0 = arith.constant 0 : i32
    return %arg0, %c0_i32 : i32, i32
  }
  func.func @transform_4(%arg0: i32) -> (i32, i32) {
    %c0_i32 = arith.constant 0 : i32
    %c0_i32_0 = arith.constant 0 : i32
    return %arg0, %c0_i32 : i32, i32
  }
  func.func @transform_5(%arg0: i32) -> (i32, i32) {
    %c0_i32 = arith.constant 0 : i32
    %c0_i32_0 = arith.constant 0 : i32
    return %arg0, %c0_i32 : i32, i32
  }
}

module attributes {stable_mosaic.version = 14 : i64} {
  func.func @_mid_body(%arg0: i32, %arg1: memref<1024x128xf32, #tpu.memory_space<vmem>>, %arg2: memref<1024x128xf32, #tpu.memory_space<vmem>>, %arg3: memref<1024x128xf32, #tpu.memory_space<vmem>>, %arg4: memref<1024x1xf32, #tpu.memory_space<vmem>>, %arg5: memref<1x128xf32, #tpu.memory_space<vmem>>, %arg6: memref<1x128xf32, #tpu.memory_space<vmem>>, %arg7: memref<1x128xf32, #tpu.memory_space<vmem>>, %arg8: memref<128x128xf32, #tpu.memory_space<vmem>>, %arg9: memref<1024x128xf32, #tpu.memory_space<vmem>>) attributes {dimension_semantics = [#tpu.dimension_semantics<arbitrary>], iteration_bounds = array<i64: 10>, scalar_prefetch = 0 : i64, scratch_operands = 0 : i64, tpu.core_type = #tpu.core_type<tc>, window_params = [{transform_indices = @transform_0, window_bounds = array<i64: 1024, 128>}, {transform_indices = @transform_1, window_bounds = array<i64: 1024, 128>}, {transform_indices = @transform_2, window_bounds = array<i64: 1024, 128>}, {transform_indices = @transform_3, window_bounds = array<i64: 1024, 1>}, {pipeline_mode = #tpu.pipeline_mode<synchronous>, transform_indices = @transform_4, window_bounds = array<i64: 1, 128>}, {pipeline_mode = #tpu.pipeline_mode<synchronous>, transform_indices = @transform_5, window_bounds = array<i64: 1, 128>}, {pipeline_mode = #tpu.pipeline_mode<synchronous>, transform_indices = @transform_6, window_bounds = array<i64: 1, 128>}, {pipeline_mode = #tpu.pipeline_mode<synchronous>, transform_indices = @transform_7, window_bounds = array<i64: 128, 128>}, {transform_indices = @transform_8, window_bounds = array<i64: 1024, 128>}]} {
    %get3A = arith.constant 0 : index
    %get3A_0 = arith.constant 0 : index
    %get3A_1 = vector.load %arg4[%get3A, %get3A_0] : memref<1024x1xf32, #tpu.memory_space<vmem>>, vector<1024x1xf32>
    %get3A_2 = arith.constant 0 : index
    %get3A_3 = arith.constant 0 : index
    %get3A_4 = vector.load %arg1[%get3A_2, %get3A_3] : memref<1024x128xf32, #tpu.memory_space<vmem>>, vector<1024x128xf32>
    %get3A_5 = arith.constant 0 : index
    %get3A_6 = arith.constant 0 : index
    %get3A_7 = vector.load %arg2[%get3A_5, %get3A_6] : memref<1024x128xf32, #tpu.memory_space<vmem>>, vector<1024x128xf32>
    %add3A = arith.addf %get3A_4, %get3A_7 : vector<1024x128xf32>
    %get3A_8 = arith.constant 0 : index
    %get3A_9 = arith.constant 0 : index
    %get3A_10 = vector.load %arg3[%get3A_8, %get3A_9] : memref<1024x128xf32, #tpu.memory_space<vmem>>, vector<1024x128xf32>
    %add3A_11 = arith.addf %add3A, %get3A_10 : vector<1024x128xf32>
    %mul3A = vector.broadcast %get3A_1 : vector<1024x1xf32> to vector<1024x128xf32>
    %mul3A_12 = arith.mulf %add3A_11, %mul3A : vector<1024x128xf32>
    %get3A_13 = arith.constant 0 : index
    %get3A_14 = arith.constant 0 : index
    %get3A_15 = vector.load %arg5[%get3A_13, %get3A_14] : memref<1x128xf32, #tpu.memory_space<vmem>>, vector<1x128xf32>
    %add3A_16 = vector.broadcast %get3A_15 : vector<1x128xf32> to vector<1024x128xf32>
    %add3A_17 = arith.addf %mul3A_12, %add3A_16 : vector<1024x128xf32>
    %get3A_18 = arith.constant 0 : index
    %get3A_19 = arith.constant 0 : index
    %get3A_20 = vector.load %arg6[%get3A_18, %get3A_19] : memref<1x128xf32, #tpu.memory_space<vmem>>, vector<1x128xf32>
    %mul3A_21 = vector.broadcast %get3A_20 : vector<1x128xf32> to vector<1024x128xf32>
    %mul3A_22 = arith.mulf %add3A_17, %mul3A_21 : vector<1024x128xf32>
    %get3A_23 = arith.constant 0 : index
    %get3A_24 = arith.constant 0 : index
    %get3A_25 = vector.load %arg7[%get3A_23, %get3A_24] : memref<1x128xf32, #tpu.memory_space<vmem>>, vector<1x128xf32>
    %add3A_26 = vector.broadcast %get3A_25 : vector<1x128xf32> to vector<1024x128xf32>
    %add3A_27 = arith.addf %mul3A_22, %add3A_26 : vector<1024x128xf32>
    %max3A = arith.constant 0.000000e+00 : f32
    %max3A_28 = vector.broadcast %max3A : f32 to vector<1024x128xf32>
    %max3A_29 = arith.maximumf %add3A_27, %max3A_28 : vector<1024x128xf32>
    %get3A_30 = arith.constant 0 : index
    %get3A_31 = arith.constant 0 : index
    %get3A_32 = vector.load %arg8[%get3A_30, %get3A_31] : memref<128x128xf32, #tpu.memory_space<vmem>>, vector<128x128xf32>
    %dot_general3A = arith.constant dense<0.000000e+00> : vector<1024x128xf32>
    %dot_general3A_33 = tpu.matmul %max3A_29, %get3A_32, %dot_general3A {dimension_numbers = #tpu.dot_dimension_numbers<[1], [0], [0], [1], [0, 0, 1, 1], [], []>, transpose_lhs_hint = false} : vector<1024x128xf32>, vector<128x128xf32>, vector<1024x128xf32> -> vector<1024x128xf32>
    %mul3A_34 = vector.broadcast %get3A_1 : vector<1024x1xf32> to vector<1024x128xf32>
    %mul3A_35 = arith.mulf %dot_general3A_33, %mul3A_34 : vector<1024x128xf32>
    %swap3A = arith.constant 0 : index
    %swap3A_36 = arith.constant 0 : index
    %swap3A_37 = vector.load %arg9[%swap3A, %swap3A_36] : memref<1024x128xf32, #tpu.memory_space<vmem>>, vector<1024x128xf32>
    tpu.vector_store %arg9[%swap3A, %swap3A_36], %mul3A_35 {strides = array<i32>} : memref<1024x128xf32, #tpu.memory_space<vmem>>, vector<1024x128xf32>,
    return
  }
  func.func @transform_0(%arg0: i32) -> (i32, i32) {
    %c0_i32 = arith.constant 0 : i32
    %c0_i32_0 = arith.constant 0 : i32
    return %arg0, %c0_i32 : i32, i32
  }
  func.func @transform_1(%arg0: i32) -> (i32, i32) {
    %c0_i32 = arith.constant 0 : i32
    %c0_i32_0 = arith.constant 0 : i32
    return %arg0, %c0_i32 : i32, i32
  }
  func.func @transform_2(%arg0: i32) -> (i32, i32) {
    %c0_i32 = arith.constant 0 : i32
    %c0_i32_0 = arith.constant 0 : i32
    return %arg0, %c0_i32 : i32, i32
  }
  func.func @transform_3(%arg0: i32) -> (i32, i32) {
    %c0_i32 = arith.constant 0 : i32
    %c0_i32_0 = arith.constant 0 : i32
    return %arg0, %c0_i32 : i32, i32
  }
  func.func @transform_4(%arg0: i32) -> (i32, i32) {
    %c0_i32 = arith.constant 0 : i32
    %c0_i32_0 = arith.constant 0 : i32
    %c0_i32_1 = arith.constant 0 : i32
    return %c0_i32, %c0_i32_0 : i32, i32
  }
  func.func @transform_5(%arg0: i32) -> (i32, i32) {
    %c0_i32 = arith.constant 0 : i32
    %c0_i32_0 = arith.constant 0 : i32
    %c0_i32_1 = arith.constant 0 : i32
    return %c0_i32, %c0_i32_0 : i32, i32
  }
  func.func @transform_6(%arg0: i32) -> (i32, i32) {
    %c0_i32 = arith.constant 0 : i32
    %c0_i32_0 = arith.constant 0 : i32
    %c0_i32_1 = arith.constant 0 : i32
    return %c0_i32, %c0_i32_0 : i32, i32
  }
  func.func @transform_7(%arg0: i32) -> (i32, i32) {
    %c0_i32 = arith.constant 0 : i32
    %c0_i32_0 = arith.constant 0 : i32
    %c0_i32_1 = arith.constant 0 : i32
    return %c0_i32, %c0_i32_0 : i32, i32
  }
  func.func @transform_8(%arg0: i32) -> (i32, i32) {
    %c0_i32 = arith.constant 0 : i32
    %c0_i32_0 = arith.constant 0 : i32
    return %arg0, %c0_i32 : i32, i32
  }
}

module attributes {stable_mosaic.version = 14 : i64} {
  func.func @_fin_body(%arg0: i32, %arg1: memref<1024x128xf32, #tpu.memory_space<vmem>>, %arg2: memref<1024x128xf32, #tpu.memory_space<vmem>>, %arg3: memref<1024x128xf32, #tpu.memory_space<vmem>>, %arg4: memref<1024x1xf32, #tpu.memory_space<vmem>>, %arg5: memref<1x128xf32, #tpu.memory_space<vmem>>, %arg6: memref<1024x128xf32, #tpu.memory_space<vmem>>) attributes {dimension_semantics = [#tpu.dimension_semantics<arbitrary>], iteration_bounds = array<i64: 10>, scalar_prefetch = 0 : i64, scratch_operands = 0 : i64, tpu.core_type = #tpu.core_type<tc>, window_params = [{transform_indices = @transform_0, window_bounds = array<i64: 1024, 128>}, {transform_indices = @transform_1, window_bounds = array<i64: 1024, 128>}, {transform_indices = @transform_2, window_bounds = array<i64: 1024, 128>}, {transform_indices = @transform_3, window_bounds = array<i64: 1024, 1>}, {pipeline_mode = #tpu.pipeline_mode<synchronous>, transform_indices = @transform_4, window_bounds = array<i64: 1, 128>}, {transform_indices = @transform_5, window_bounds = array<i64: 1024, 128>}]} {
    %get3A = arith.constant 0 : index
    %get3A_0 = arith.constant 0 : index
    %get3A_1 = vector.load %arg1[%get3A, %get3A_0] : memref<1024x128xf32, #tpu.memory_space<vmem>>, vector<1024x128xf32>
    %get3A_2 = arith.constant 0 : index
    %get3A_3 = arith.constant 0 : index
    %get3A_4 = vector.load %arg2[%get3A_2, %get3A_3] : memref<1024x128xf32, #tpu.memory_space<vmem>>, vector<1024x128xf32>
    %add3A = arith.addf %get3A_1, %get3A_4 : vector<1024x128xf32>
    %get3A_5 = arith.constant 0 : index
    %get3A_6 = arith.constant 0 : index
    %get3A_7 = vector.load %arg3[%get3A_5, %get3A_6] : memref<1024x128xf32, #tpu.memory_space<vmem>>, vector<1024x128xf32>
    %add3A_8 = arith.addf %add3A, %get3A_7 : vector<1024x128xf32>
    %get3A_9 = arith.constant 0 : index
    %get3A_10 = arith.constant 0 : index
    %get3A_11 = vector.load %arg4[%get3A_9, %get3A_10] : memref<1024x1xf32, #tpu.memory_space<vmem>>, vector<1024x1xf32>
    %mul3A = vector.broadcast %get3A_11 : vector<1024x1xf32> to vector<1024x128xf32>
    %mul3A_12 = arith.mulf %add3A_8, %mul3A : vector<1024x128xf32>
    %get3A_13 = arith.constant 0 : index
    %get3A_14 = arith.constant 0 : index
    %get3A_15 = vector.load %arg5[%get3A_13, %get3A_14] : memref<1x128xf32, #tpu.memory_space<vmem>>, vector<1x128xf32>
    %add3A_16 = vector.broadcast %get3A_15 : vector<1x128xf32> to vector<1024x128xf32>
    %add3A_17 = arith.addf %mul3A_12, %add3A_16 : vector<1024x128xf32>
    %swap3A = arith.constant 0 : index
    %swap3A_18 = arith.constant 0 : index
    %swap3A_19 = vector.load %arg6[%swap3A, %swap3A_18] : memref<1024x128xf32, #tpu.memory_space<vmem>>, vector<1024x128xf32>
    tpu.vector_store %arg6[%swap3A, %swap3A_18], %add3A_17 {strides = array<i32>} : memref<1024x128xf32, #tpu.memory_space<vmem>>, vector<1024x128xf32>,
    return
  }
  func.func @transform_0(%arg0: i32) -> (i32, i32) {
    %c0_i32 = arith.constant 0 : i32
    %c0_i32_0 = arith.constant 0 : i32
    return %arg0, %c0_i32 : i32, i32
  }
  func.func @transform_1(%arg0: i32) -> (i32, i32) {
    %c0_i32 = arith.constant 0 : i32
    %c0_i32_0 = arith.constant 0 : i32
    return %arg0, %c0_i32 : i32, i32
  }
  func.func @transform_2(%arg0: i32) -> (i32, i32) {
    %c0_i32 = arith.constant 0 : i32
    %c0_i32_0 = arith.constant 0 : i32
    return %arg0, %c0_i32 : i32, i32
  }
  func.func @transform_3(%arg0: i32) -> (i32, i32) {
    %c0_i32 = arith.constant 0 : i32
    %c0_i32_0 = arith.constant 0 : i32
    return %arg0, %c0_i32 : i32, i32
  }
  func.func @transform_4(%arg0: i32) -> (i32, i32) {
    %c0_i32 = arith.constant 0 : i32
    %c0_i32_0 = arith.constant 0 : i32
    %c0_i32_1 = arith.constant 0 : i32
    return %c0_i32, %c0_i32_0 : i32, i32
  }
  func.func @transform_5(%arg0: i32) -> (i32, i32) {
    %c0_i32 = arith.constant 0 : i32
    %c0_i32_0 = arith.constant 0 : i32
    return %arg0, %c0_i32 : i32, i32
  }
}

</mosaic_0001>

<sc_bundles>
// kernel: kernel.10.cloned.1.call-start
scs
__scs_entry_jumppad:
0x0: {  	(pc) =	sbr.rel $0x88, $3  }
0x1: {  	(tag) =	ssettag $0x0;
	lr =	simm.s32 $0x1  }
0x2: {  	[smem:$0x3F95] =	sst lr;
	_ =	strace $0xD0000000  }
0x3: {  	_ = 	snop  }
0x4: {  	_ = 	snop  }
0x5: {  	_ = 	snop  }
0x6: {  	_ = 	snop  }
0x7: {  	_ = 	snop  }
__scs_overlays_trampoline_lowered:
0x8: {  	[smem:$0x3FA4] =	sst s0  }
0x9: {  	[smem:$0x3FA5] =	sst s1  }
0xa: {  	[smem:$0x3FA6] =	sst s2  }
0xb: {  	[smem:$0x3FA7] =	sst s3  }
0xc: {  	[smem:$0x3FA8] =	sst s4  }
0xd: {  	[smem:$0x3FA9] =	sst s5  }
0xe: {  	[smem:$0x3FAA] =	sst s6  }
0xf: {  	[smem:$0x3FAB] =	sst s7  }
0x10: {  	[smem:$0x3FAC] =	sst s8  }
0x11: {  	[smem:$0x3FAD] =	sst s9;
	s0 =	simm.s32 @!p0 $0x0  }
0x12: {  	s1 =	sld [smem:$0x3F93];
	s0 =	simm.s32 @p0 $0x1  }
0x13: {  	[smem:$0x3FAE] =	sst s0;
	s0 =	simm.s32 @!p1 $0x0  }
0x14: {  	s2 =	sld [smem:$0x3F92];
	s0 =	simm.s32 @p1 $0x1  }
0x15: {  	[smem:$0x3FAF] =	sst s0;
	s0 =	simm.s32 @!p2 $0x0  }
0x16: {  	s3 =	sld [smem:$0x3FDB];
	s0 =	simm.s32 @p2 $0x1  }
0x17: {  	s4 =	simm.s32 $0x1BF5;
	[smem:$0x3FB1] =	sst s0  }
0x18: {  	s0 =	sld [smem:$0x3F94];
	_ =	swait.ge [sflag:s4], $0x0  }
0x19: {  	s7 =	sld [smem:$0x3F95]  }
0x1a: {  	s8 =	sadd.s32 $0xFFFFE003, lr  }
0x1b: {  	s9 =	sadd.s32 $0xFFFFFEF7, lr;
	s5 =	simm.s32 $0xFFFFFFFF;
	p2 =	slt.u32 s8, $0xFFFFF086  }
0x1c: {  	p1 =	slt.u32 s9, $0xF7A;
	s5 =	simm.s32 @!p2 $0x0  }
0x1d: {  	s5 =	simm.s32 @p1 $0x1;
	p0 =	seq.s32 s7, s2  }
0x1e: {  	s7 =	smul.u32 @!p0 $0xF7A, s2;
	p2 =	seq.s32 @!p0 s5, $0x0  }
0x1f: {  	s9 =	smul.u32 $0xF7A, s1;
	s8 =	simm.s32 @!p0 $0x1BF5;
	p2 =	por !p2, p0  }
0x20: {  	[sflag:s8] =	ssyncset.s32 @!p0 $0xFFFFF086;
	s6 =	sadd.s32 @!p0 s3, s7;
	s7 =	simm.s32 @!p0 $0x108  }
0x21: {  	s3 =	sadd.s32 s3, s9;
	s6 =	sadd.s32 @!p0 $0x88, s6;
	s7 =	simm.s32 @p2 $0x1082  }
0x22: {  	[simem:s7], [sflag:s8] =	dma.local @!p0 [hbm:s6], $0xF7A  }
0x23: {  	s9 =	sor.u32 $0xD0000000, s2;
	s6 =	simm.s32 $0x108;
	_ =	swait.ge @!p0 [sflag:s8], $0x0  }
0x24: {  	s3 =	sadd.s32 $0x88, s3;
	s6 =	simm.s32 @!p1 $0x1082;
	[sflag:s4] =	ssyncset.s32 $0xFFFFF086  }
0x25: {  	[simem:s6], [sflag:s4] =	dma.local [hbm:s3], $0xF7A  }
0x26: {  	[smem:$0x3F95] =	sst s1;
	(tag) =	ssettag s2;
	_ =	strace s9  }
0x27: {  	s1 =	sld [smem:$0x3FA5]  }
0x28: {  	s2 =	sld [smem:$0x3FA6]  }
0x29: {  	s4 =	sld [smem:$0x3FA8]  }
0x2a: {  	p0 =	seq.s32 s5, $0x0;
	s5 =	sld [smem:$0x3FA9]  }
0x2b: {  	s6 =	sld [smem:$0x3FAA]  }
0x2c: {  	s7 =	sld [smem:$0x3FAB]  }
0x2d: {  	s3 =	simm.s32 $0x108;
	s8 =	sld [smem:$0x3FAC]  }
0x2e: {  	s3 =	simm.s32 @!p0 $0x1082;
	s9 =	sld [smem:$0x3FAD]  }
0x2f: {  	lr =	sadd.s32 s0, s3;
	s0 =	sld [smem:$0x3FA4]  }
0x30: {  	s3 =	sld [smem:$0x3FA7]  }
0x31: {  	[smem:$0x3FB0] =	sst s10  }
0x32: {  	s10 =	sld [smem:$0x3FAE];
	_ =	sdelay $0x3  }
0x33: {  	p0 =	seq.s32 s10, $0x1;
	s10 =	sld [smem:$0x3FB0];
	_ =	sdelay $0x3  }
0x34: {  	[smem:$0x3FB0] =	sst s10  }
0x35: {  	s10 =	sld [smem:$0x3FAF];
	_ =	sdelay $0x3  }
0x36: {  	p1 =	seq.s32 s10, $0x1;
	s10 =	sld [smem:$0x3FB0];
	_ =	sdelay $0x3  }
0x37: {  	[smem:$0x3FB0] =	sst s10  }
0x38: {  	s10 =	sld [smem:$0x3FB1]  }
0x39: {  	_ = 	snop;
	(pc) =	sbr.ind lr, $3  }
0x3a: {  	_ = 	snop  }
0x3b: {  	_ = 	snop  }
0x3c: {  	p2 =	seq.s32 s10, $0x1;
	s10 =	sld [smem:$0x3FB0]  }
0x3d: {  	_ =	shalt  }
0x3e: {  	_ =	shalt  }
0x3f: {  	_ =	shalt  }
0x40: {  	_ =	shalt  }
0x41: {  	_ =	shalt  }
0x42: {  	_ =	shalt  }
0x43: {  	_ =	shalt  }
0x44: {  	_ =	shalt  }
0x45: {  	_ =	shalt  }
0x46: {  	_ =	shalt  }
0x47: {  	_ =	shalt  }
0x48: {  	_ =	shalt  }
0x49: {  	_ =	shalt  }
0x4a: {  	_ =	shalt  }
0x4b: {  	_ =	shalt  }
0x4c: {  	_ =	shalt  }
0x4d: {  	_ =	shalt  }
0x4e: {  	_ =	shalt  }
0x4f: {  	_ =	shalt  }
0x50: {  	_ =	shalt  }
0x51: {  	_ =	shalt  }
0x52: {  	_ =	shalt  }
0x53: {  	_ =	shalt  }
0x54: {  	_ =	shalt  }
0x55: {  	_ =	shalt  }
0x56: {  	_ =	shalt  }
0x57: {  	_ =	shalt  }
0x58: {  	_ =	shalt  }
0x59: {  	_ =	shalt  }
0x5a: {  	_ =	shalt  }
0x5b: {  	_ =	shalt  }
0x5c: {  	_ =	shalt  }
0x5d: {  	_ =	shalt  }
0x5e: {  	_ =	shalt  }
0x5f: {  	_ =	shalt  }
0x60: {  	_ =	shalt  }
0x61: {  	_ =	shalt  }
0x62: {  	_ =	shalt  }
0x63: {  	_ =	shalt  }
0x64: {  	_ =	shalt  }
0x65: {  	_ =	shalt  }
0x66: {  	_ =	shalt  }
0x67: {  	_ =	shalt  }
0x68: {  	_ =	shalt  }
0x69: {  	_ =	shalt  }
0x6a: {  	_ =	shalt  }
0x6b: {  	_ =	shalt  }
0x6c: {  	_ =	shalt  }
0x6d: {  	_ =	shalt  }
0x6e: {  	_ =	shalt  }
0x6f: {  	_ =	shalt  }
0x70: {  	_ =	shalt  }
0x71: {  	_ =	shalt  }
0x72: {  	_ =	shalt  }
0x73: {  	_ =	shalt  }
0x74: {  	_ =	shalt  }
0x75: {  	_ =	shalt  }
0x76: {  	_ =	shalt  }
0x77: {  	_ =	shalt  }
0x78: {  	_ =	shalt  }
0x79: {  	_ =	shalt  }
0x7a: {  	_ =	shalt  }
0x7b: {  	_ =	shalt  }
0x7c: {  	_ =	shalt  }
0x7d: {  	_ =	shalt  }
0x7e: {  	_ =	shalt  }
0x7f: {  	_ =	shalt  }
0x80: {  	_ =	shalt  }
0x81: {  	_ =	shalt  }
0x82: {  	_ =	shalt  }
0x83: {  	_ =	shalt  }
0x84: {  	_ =	shalt  }
0x85: {  	_ =	shalt  }
0x86: {  	_ =	shalt  }
0x87: {  	_ =	shalt  }
.Lfunc_end0:
.L_simem_size_0:
called_computation_lowered:
.L_overlay_start_0:
0x88: {  	s2 =	sld [smem:$0x3FD9]  }
0x89: {  	s3 =	sld [smem:$0x3FFE];
	_ =	sdelay $0x1  }
0x8a: {  	s1 =	srdreg.scid  }
0x8b: {  	s0 =	sand.u32 $0x1, s1  }
0x8c: {  	s16 =	sshll.u32 s0, $0xA;
	s2 =	sadd.s32 s3, s2  }
0x8d: {  	s2 =	sadd.s32 s2, s16  }
0x8e: {  	[smem:$0x3FBC] =	sst s2  }
0x8f: {  	_ = 	snop  }
0x90: {  	(tm) =	ssettm $0x1  }
0x91: {  	s17 =	sld [smem:$0x3FFB];
	_ =	sdelay $0x3  }
0x92: {  	_ =	strace s17  }
0x93: {  	s2 =	sld [smem:$0x3FFC];
	_ =	sdelay $0x3  }
0x94: {  	_ =	strace s2  }
0x95: {  	s2 =	sld [smem:$0x3FFD];
	_ =	sdelay $0x3  }
0x96: {  	_ =	strace s2  }
0x97: {  	_ =	strace $0x8FFFFFFF  }
0x98: {  	s18 =	sld [smem:$0x3FDB];
	_ =	sdelay $0x1  }
0x99: {  	s19 =	simm.s32 $_scs_section_size  }
0x9a: {  	s4 =	simm.s32 $_size__tile_overlayer_lowered;
	s5 =	simm.s32 $_tile_overlayer_lowered  }
0x9b: {  	s22 =	simm.s32 $0x1BFF;
	s21 =	sshll.u32 s5, $0x1;
	s2 =	sadd.s32 s19, s18  }
0x9c: {  	s6 =	simm.s32 $0x0;
	s20 =	sshll.u32 s4, $0x1;
	s4 =	sadd.s32 s21, s2  }
0x9d: {  	[timem:s6], [sflag:s22] =	dma.local [hbm:s4], s20  }
0x9e: {  	_ =	swait.ge [sflag:s22], s20  }
0x9f: {  	s3 =	ssub.s32 $0x0, s20;
	[sflag:s22] =	ssyncset.done $0x0  }
0xa0: {  	[sflag:s22] =	ssyncadd.s32 s3;
	_ =	sdelay $0x1  }
0xa1: {  	s23 =	simm.s32 $0x1B8B  }
0xa2: {  	_ =	swait.ge [sflag:s23], $0x1  }
0xa3: {  	[sflag:s23] =	ssyncset.done $0x0  }
0xa4: {  	s25 =	simm.s32 $0x1B8E;
	s24 =	sld [smem:$0x3FFE];
	[sflag:s23] =	ssyncadd.s32 $0xFFFFFFFF  }
0xa5: {  	s26 =	simm.s32 $execute0_lowered;
	[smem:$0x3FD2] =	sst s25  }
0xa6: {  	s4 =	sshll.u32 s26, $0x1;
	_ =	strace $0x80000046;
	[dreg:$0x1] =	wrdreg $0xFFFFFFFF  }
0xa7: {  	s28 =	simm.s32 $_size_execute0_lowered;
	s2 =	sadd.s32 s2, s4;
	[dreg:$0x0] =	wrdreg $0x0  }
0xa8: {  	s4 =	sshll.u32 s28, $0x1;
	[dreg:$0x2] =	wrdreg s2  }
0xa9: {  	[dreg:$0x3] =	wrdreg s4  }
0xaa: {  	[dreg:$0x4] =	wrdreg $0xC0  }
0xab: {  	_ =	task [dreg:s6], $0x5FFFF  }
0xac: {  	[dreg:$0x1] =	wrdreg $0xFFFFFFFF  }
0xad: {  	[dreg:$0x0] =	wrdreg $0x60  }
0xae: {  	[dreg:$0x2] =	wrdreg s24  }
0xaf: {  	[dreg:$0x3] =	wrdreg $0x0  }
0xb0: {  	[dreg:$0x4] =	wrdreg $0x9  }
0xb1: {  	_ =	task.clear_ibuf [dreg:s6], $0x5FFFF;
	_ =	strace $0x90000046  }
0xb2: {  	s29 =	simm.s32 $0x9;
	_ =	strace $0x80000048  }
0xb3: {  	_ =	swait.ge [sflag:s29], $0x1  }
0xb4: {  	[sflag:s29] =	ssyncadd.s32 $0xFFFFFFFF  }
0xb5: {  	_ =	strace $0x90000048  }
0xb6: {  	_ =	sfence  }
0xb7: {  	s30 =	sld [smem:$0x0];
	_ =	sdelay $0x2  }
0xb8: {  	s31 =	sshll.u32 s1, $0xD;
	s1 =	sshrl.u32 s1, $0x2  }
0xb9: {  	s3 =	sand.u32 $0x4000, s31;
	s1 =	sadd.s32 s1, s30  }
0xba: {  	s0 =	sor.u32 s3, s0;
	s1 =	sshll.u32 s1, $0x11  }
0xbb: {  	s0 =	sor.u32 s1, s0  }
0xbc: {  	s0 =	sadd.s32 $0x8F2B, s0  }
0xbd: {  	[sflag:s0] =	ssyncadd.remote.s32 $0x1  }
0xbe: {  	_ =	sfence.sel $0xFFFF  }
0xbf: {  	[dreg:$0x0] =	wrdreg $0xFFFFFFFF;
	(pc) =	sbr.abs _section_cstart, $3  }
0xc0: {  	[dreg:$0x1] =	wrdreg $0xFFFFFFFF  }
0xc1: {  	_ =	task.clear_ibuf [dreg:s6], $0x2FFFF;
	_ =	strace $0x9FFFFFFF  }
0xc2: {  	(tm) =	ssettm $0x7FFFFFFF  }
0xc3: {  	_ =	shalt  }
tec
execute0_lowered:
.L_overlay_start_1:
0x0: {  	(tag) =	ssettag $0x1  }
0x1: {  	s4 =	rddreg [dreg:$0x0]  }
0x2: {  	s1 =	rddreg [dreg:$0x1]  }
0x3: {  	s2 =	srdreg.scid;
	s0 =	rddreg [dreg:$0x2]  }
0x4: {  	s3 =	simm.s32 $0x0;
	s13 =	simm.s32 $0x680;
	s14 =	simm.s32 $0x300  }
0x5: {  	s15 =	simm.s32 $0x380;
	s16 =	simm.s32 $0x400;
	s17 =	simm.s32 $0x480  }
0x6: {  	s18 =	simm.s32 $0x500;
	s19 =	simm.s32 $0x580;
	s20 =	simm.s32 $0x600  }
0x7: {  	s21 =	simm.s32 $0x1;
	s22 =	simm.s32 $0x20;
	s5 =	sand.u32 $0x1, s2  }
0x8: {  	s23 =	simm.s32 $0x10;
	s2 =	stileid.u32;
	s6 =	smul.u32 $0x5000, s5  }
0x9: {  	s24 =	simm.s32 $0x0;
	[smem:$0x7FF] =	sst s3;
	s7 =	smul.u32 $0x500, s2  }
0xa: {  	s8 =	smul.u32 $0x280, s2;
	s9 =	sshll.u32 s5, $0x7;
	s5 =	ssub.s32 $0x2, s5  }
0xb: {  	_ =	strace $0x80000047;
	s30 =	sshll.u32 s2, $0x6;
	s11 =	sshrl.u32 s5, $0x1  }
0xc: {  	s10 =	sadd.s32 s6, s4;
	s28 =	sor.u32 s9, s7;
	s29 =	sshrl.u32 s8, $0x3  }
0xd: {  	s11 =	ssub.s32 s5, s11;
	s12 =	sadd.s32 s8, s1;
	s5 =	sor.u32 $0x1C02, s30  }
0xe: {  	s6 =	sshrl.u32 s28, $0x3;
	s9 =	sadd.s32 s29, s4;
	s31 =	sadd.s32 s7, s10  }
0xf: {  	s7 =	smax.u32 s11, $0x1;
	s10 =	simm.s32 $0x2;
	s11 =	simm.s32 $0x280  }
0x10: {  	s6 =	sadd.s32 s6, s4;
	s4 =	sadd.s32 $0xEA00, s9;
	s8 =	sadd.s32 $0x4A00, s31  }
0x11: {  	v0 =	vimm.f32 $1.000000000e+00;
	s9 =	sshrl.u32 s12, $0x3;
	s12 =	simm.s32 $0x80;
	s6 =	sadd.s32 $0xF000, s6  }
.LBB2_1:
0x12: {  	[spmem:s9], [sflag:s5] =	dma.local [hbm:s4], $0x50  }
0x13: {  	_ =	swait.ge [sflag:s10], $0x50  }
0x14: {  	[sflag:s10] =	ssyncset.done $0x0  }
0x15: {  	[sflag:s10] =	ssyncadd.s32 $0xFFFFFFB0  }
0x16: {  	[tilespmem:$0x680] =	vst v0  }
0x17: {  	[tilespmem:$0x690] =	vst v0  }
0x18: {  	[tilespmem:$0x6A0] =	vst v0  }
0x19: {  	[tilespmem:$0x6B0] =	vst v0  }
0x1a: {  	[tilespmem:$0x6C0] =	vst v0  }
0x1b: {  	[tilespmem:$0x6D0] =	vst v0  }
0x1c: {  	[tilespmem:$0x6E0] =	vst v0  }
0x1d: {  	[tilespmem:$0x6F0] =	vst v0  }
0x1e: {  	s25 =	sadd.s32 $0x0, s8;
	[bflag:$0x0] =	sbarrier.arrive $0xFFFF  }
0x1f: {  	[tilespmem:s11], [sflag:$0x2] =	stream.linear.gather [hbm4b:s25+s3], $0x400, $0x38;
	[tilespmem:$0x700] =	vst v63  }
0x20: {  	_ =	swait.ge [sflag:s10], $0x400  }
0x21: {  	[sflag:s10] =	ssyncset.done $0x0  }
0x22: {  	[sflag:s10] =	ssyncadd.s32 $0xFFFFFC00  }
0x23: {  	[spmem:s1] =	stream.indirect.scatter.add.f32 [tilespmem:s13], [sflag:$0x1], $0x1, s11, s12, $0xb8;
	[tilespmem:$0x700] =	vst v63  }
0x24: {  	_ = 	snop  }
0x25: {  	[spmem:s1] =	stream.indirect.scatter.add.f32 [tilespmem:s13], [sflag:$0x1], $0x1, s14, s12, $0xb8;
	[tilespmem:$0x700] =	vst v63  }
0x26: {  	_ = 	snop  }
0x27: {  	[spmem:s1] =	stream.indirect.scatter.add.f32 [tilespmem:s13], [sflag:$0x1], $0x1, s15, s12, $0xb8;
	[tilespmem:$0x700] =	vst v63  }
0x28: {  	_ = 	snop  }
0x29: {  	[spmem:s1] =	stream.indirect.scatter.add.f32 [tilespmem:s13], [sflag:$0x1], $0x1, s16, s12, $0xb8;
	[tilespmem:$0x700] =	vst v63  }
0x2a: {  	_ = 	snop  }
0x2b: {  	[spmem:s1] =	stream.indirect.scatter.add.f32 [tilespmem:s13], [sflag:$0x1], $0x1, s17, s12, $0xb8;
	[tilespmem:$0x700] =	vst v63  }
0x2c: {  	_ = 	snop  }
0x2d: {  	[spmem:s1] =	stream.indirect.scatter.add.f32 [tilespmem:s13], [sflag:$0x1], $0x1, s18, s12, $0xb8;
	[tilespmem:$0x700] =	vst v63  }
0x2e: {  	_ = 	snop  }
0x2f: {  	[spmem:s1] =	stream.indirect.scatter.add.f32 [tilespmem:s13], [sflag:$0x1], $0x1, s19, s12, $0xb8;
	[tilespmem:$0x700] =	vst v63  }
0x30: {  	_ = 	snop  }
0x31: {  	[spmem:s1] =	stream.indirect.scatter.add.f32 [tilespmem:s13], [sflag:$0x1], $0x1, s20, s12, $0xb8;
	[tilespmem:$0x700] =	vst v63  }
0x32: {  	_ =	swait.ge [sflag:s21], $0x80  }
0x33: {  	[sflag:s21] =	ssyncset.done $0x0  }
0x34: {  	[sflag:s21] =	ssyncadd.s32 $0xFFFFFF80  }
0x35: {  	_ =	swait.ge [sflag:s21], $0x80  }
0x36: {  	[sflag:s21] =	ssyncset.done $0x0  }
0x37: {  	[sflag:s21] =	ssyncadd.s32 $0xFFFFFF80  }
0x38: {  	_ =	swait.ge [sflag:s21], $0x80  }
0x39: {  	[sflag:s21] =	ssyncset.done $0x0  }
0x3a: {  	[sflag:s21] =	ssyncadd.s32 $0xFFFFFF80  }
0x3b: {  	_ =	swait.ge [sflag:s21], $0x80  }
0x3c: {  	[sflag:s21] =	ssyncset.done $0x0  }
0x3d: {  	[sflag:s21] =	ssyncadd.s32 $0xFFFFFF80  }
0x3e: {  	_ =	swait.ge [sflag:s21], $0x80  }
0x3f: {  	[sflag:s21] =	ssyncset.done $0x0  }
0x40: {  	[sflag:s21] =	ssyncadd.s32 $0xFFFFFF80  }
0x41: {  	_ =	swait.ge [sflag:s21], $0x80  }
0x42: {  	[sflag:s21] =	ssyncset.done $0x0  }
0x43: {  	[sflag:s21] =	ssyncadd.s32 $0xFFFFFF80  }
0x44: {  	_ =	swait.ge [sflag:s21], $0x80  }
0x45: {  	[sflag:s21] =	ssyncset.done $0x0  }
0x46: {  	[sflag:s21] =	ssyncadd.s32 $0xFFFFFF80  }
0x47: {  	_ =	swait.ge [sflag:s21], $0x80  }
0x48: {  	s28 =	simm.s32 $0x100;
	s25 =	simm.s32 $0x80;
	[sflag:s21] =	ssyncset.done $0x0  }
.LBB2_2:
0x49: {  	s29 =	sadd.s32 s25, s8  }
0x4a: {  	[sflag:s21] =	ssyncadd.s32 $0xFFFFFF80;
	s25 =	smov.u32 s28;
	s26 =	sadd.s32 $0x80, s28  }
0x4b: {  	[tilespmem:s11], [sflag:$0x2] =	stream.linear.gather [hbm4b:s29+s3], $0x400, $0x38;
	[tilespmem:$0x700] =	vst v63  }
0x4c: {  	p0 =	sne.s32 s28, $0x480;
	_ =	swait.ge [sflag:s10], $0x400  }
0x4d: {  	[sflag:s10] =	ssyncset.done $0x0  }
0x4e: {  	[sflag:s10] =	ssyncadd.s32 $0xFFFFFC00  }
0x4f: {  	[spmem:s1] =	stream.indirect.scatter.add.f32 [tilespmem:s13], [sflag:$0x1], $0x1, s11, s12, $0xb8;
	[tilespmem:$0x700] =	vst v63  }
0x50: {  	_ = 	snop  }
0x51: {  	[spmem:s1] =	stream.indirect.scatter.add.f32 [tilespmem:s13], [sflag:$0x1], $0x1, s14, s12, $0xb8;
	[tilespmem:$0x700] =	vst v63  }
0x52: {  	_ = 	snop  }
0x53: {  	[spmem:s1] =	stream.indirect.scatter.add.f32 [tilespmem:s13], [sflag:$0x1], $0x1, s15, s12, $0xb8;
	[tilespmem:$0x700] =	vst v63  }
0x54: {  	_ = 	snop  }
0x55: {  	[spmem:s1] =	stream.indirect.scatter.add.f32 [tilespmem:s13], [sflag:$0x1], $0x1, s16, s12, $0xb8;
	[tilespmem:$0x700] =	vst v63  }
0x56: {  	_ = 	snop  }
0x57: {  	[spmem:s1] =	stream.indirect.scatter.add.f32 [tilespmem:s13], [sflag:$0x1], $0x1, s17, s12, $0xb8;
	[tilespmem:$0x700] =	vst v63  }
0x58: {  	_ = 	snop  }
0x59: {  	[spmem:s1] =	stream.indirect.scatter.add.f32 [tilespmem:s13], [sflag:$0x1], $0x1, s18, s12, $0xb8;
	[tilespmem:$0x700] =	vst v63  }
0x5a: {  	_ = 	snop  }
0x5b: {  	[spmem:s1] =	stream.indirect.scatter.add.f32 [tilespmem:s13], [sflag:$0x1], $0x1, s19, s12, $0xb8;
	[tilespmem:$0x700] =	vst v63  }
0x5c: {  	_ = 	snop  }
0x5d: {  	[spmem:s1] =	stream.indirect.scatter.add.f32 [tilespmem:s13], [sflag:$0x1], $0x1, s20, s12, $0xb8;
	[tilespmem:$0x700] =	vst v63  }
0x5e: {  	_ =	swait.ge [sflag:s21], $0x80  }
0x5f: {  	[sflag:s21] =	ssyncset.done $0x0  }
0x60: {  	[sflag:s21] =	ssyncadd.s32 $0xFFFFFF80  }
0x61: {  	_ =	swait.ge [sflag:s21], $0x80  }
0x62: {  	[sflag:s21] =	ssyncset.done $0x0  }
0x63: {  	[sflag:s21] =	ssyncadd.s32 $0xFFFFFF80  }
0x64: {  	_ =	swait.ge [sflag:s21], $0x80  }
0x65: {  	[sflag:s21] =	ssyncset.done $0x0  }
0x66: {  	[sflag:s21] =	ssyncadd.s32 $0xFFFFFF80  }
0x67: {  	_ =	swait.ge [sflag:s21], $0x80  }
0x68: {  	[sflag:s21] =	ssyncset.done $0x0  }
0x69: {  	[sflag:s21] =	ssyncadd.s32 $0xFFFFFF80  }
0x6a: {  	_ =	swait.ge [sflag:s21], $0x80  }
0x6b: {  	[sflag:s21] =	ssyncset.done $0x0  }
0x6c: {  	[sflag:s21] =	ssyncadd.s32 $0xFFFFFF80  }
0x6d: {  	_ =	swait.ge [sflag:s21], $0x80  }
0x6e: {  	[sflag:s21] =	ssyncset.done $0x0  }
0x6f: {  	[sflag:s21] =	ssyncadd.s32 $0xFFFFFF80  }
.Ltmp0:
0x70: {  	_ =	swait.ge [sflag:s21], $0x80;
	(pc) =	sbr.rel @p0 .LBB2_2-.Ltmp0, $4  }
0x71: {  	[sflag:s21] =	ssyncset.done $0x0  }
0x72: {  	[sflag:s21] =	ssyncadd.s32 $0xFFFFFF80  }
0x73: {  	_ =	swait.ge [sflag:s21], $0x80  }
0x74: {  	s28 =	smov.u32 s26;
	[sflag:s21] =	ssyncset.done $0x0  }
0x75: {  	s25 =	sadd.s32 s25, s8;
	[sflag:s21] =	ssyncadd.s32 $0xFFFFFF80  }
0x76: {  	[tilespmem:s11], [sflag:$0x2] =	stream.linear.gather [hbm4b:s25+s3], $0x400, $0x38;
	[tilespmem:$0x700] =	vst v63  }
0x77: {  	_ =	swait.ge [sflag:s10], $0x400  }
0x78: {  	[sflag:s10] =	ssyncset.done $0x0  }
0x79: {  	[sflag:s10] =	ssyncadd.s32 $0xFFFFFC00  }
0x7a: {  	[spmem:s1] =	stream.indirect.scatter.add.f32 [tilespmem:s13], [sflag:$0x1], $0x1, s11, s12, $0xb8;
	[tilespmem:$0x700] =	vst v63  }
0x7b: {  	_ = 	snop  }
0x7c: {  	[spmem:s1] =	stream.indirect.scatter.add.f32 [tilespmem:s13], [sflag:$0x1], $0x1, s14, s12, $0xb8;
	[tilespmem:$0x700] =	vst v63  }
0x7d: {  	_ = 	snop  }
0x7e: {  	[spmem:s1] =	stream.indirect.scatter.add.f32 [tilespmem:s13], [sflag:$0x1], $0x1, s15, s12, $0xb8;
	[tilespmem:$0x700] =	vst v63  }
0x7f: {  	_ = 	snop  }
0x80: {  	[spmem:s1] =	stream.indirect.scatter.add.f32 [tilespmem:s13], [sflag:$0x1], $0x1, s16, s12, $0xb8;
	[tilespmem:$0x700] =	vst v63  }
0x81: {  	_ = 	snop  }
0x82: {  	[spmem:s1] =	stream.indirect.scatter.add.f32 [tilespmem:s13], [sflag:$0x1], $0x1, s17, s12, $0xb8;
	[tilespmem:$0x700] =	vst v63  }
0x83: {  	_ = 	snop  }
0x84: {  	[spmem:s1] =	stream.indirect.scatter.add.f32 [tilespmem:s13], [sflag:$0x1], $0x1, s18, s12, $0xb8;
	[tilespmem:$0x700] =	vst v63  }
0x85: {  	_ = 	snop  }
0x86: {  	[spmem:s1] =	stream.indirect.scatter.add.f32 [tilespmem:s13], [sflag:$0x1], $0x1, s19, s12, $0xb8;
	[tilespmem:$0x700] =	vst v63  }
0x87: {  	_ = 	snop  }
0x88: {  	[spmem:s1] =	stream.indirect.scatter.add.f32 [tilespmem:s13], [sflag:$0x1], $0x1, s20, s12, $0xb8;
	[tilespmem:$0x700] =	vst v63  }
0x89: {  	_ =	swait.ge [sflag:s21], $0x80  }
0x8a: {  	[sflag:s21] =	ssyncset.done $0x0  }
0x8b: {  	[sflag:s21] =	ssyncadd.s32 $0xFFFFFF80  }
0x8c: {  	_ =	swait.ge [sflag:s21], $0x80  }
0x8d: {  	[sflag:s21] =	ssyncset.done $0x0  }
0x8e: {  	[sflag:s21] =	ssyncadd.s32 $0xFFFFFF80  }
0x8f: {  	_ =	swait.ge [sflag:s21], $0x80  }
0x90: {  	[sflag:s21] =	ssyncset.done $0x0  }
0x91: {  	[sflag:s21] =	ssyncadd.s32 $0xFFFFFF80  }
0x92: {  	_ =	swait.ge [sflag:s21], $0x80  }
0x93: {  	[sflag:s21] =	ssyncset.done $0x0  }
0x94: {  	[sflag:s21] =	ssyncadd.s32 $0xFFFFFF80  }
0x95: {  	_ =	swait.ge [sflag:s21], $0x80  }
0x96: {  	[sflag:s21] =	ssyncset.done $0x0  }
0x97: {  	[sflag:s21] =	ssyncadd.s32 $0xFFFFFF80  }
0x98: {  	_ =	swait.ge [sflag:s21], $0x80  }
0x99: {  	[sflag:s21] =	ssyncset.done $0x0  }
0x9a: {  	[sflag:s21] =	ssyncadd.s32 $0xFFFFFF80  }
0x9b: {  	_ =	swait.ge [sflag:s21], $0x80  }
0x9c: {  	[sflag:s21] =	ssyncset.done $0x0  }
0x9d: {  	[sflag:s21] =	ssyncadd.s32 $0xFFFFFF80  }
0x9e: {  	_ =	swait.ge [sflag:s21], $0x80  }
0x9f: {  	s24 =	sadd.s32 $0x1, s24;
	[sflag:s21] =	ssyncset.done $0x0  }
0xa0: {  	p0 =	sne.s32 s24, s7;
	[sflag:s21] =	ssyncadd.s32 $0xFFFFFF80  }
.Ltmp1:
0xa1: {  	[bflag:$0x0] =	sbarrier.arrive $0xFFFF;
	(pc) =	sbr.rel @p0 .LBB2_1-.Ltmp1, $4  }
0xa2: {  	[hbm:s6@s22], [sflag:s5] =	dma.strided [spmem:s9@s23], $0x50, s21, $0x10   }
0xa3: {  	_ =	swait.ge [sflag:s10], $0x50  }
0xa4: {  	[sflag:s10] =	ssyncset.done $0x0  }
0xa5: {  	[sflag:s10] =	ssyncadd.s32 $0xFFFFFFB0  }
0xa6: {  	_ =	sfence.sel $0x180000  }
0xa7: {  	[bflag:$0x0] =	sbarrier.arrive $0xFFFF  }
0xa8: {  	p0 =	sne.s32 s2, $0x0;
	_ =	strace $0x90000047  }
0xa9: {  	s0 =	sadd.s32 @!p0 $0x100000, s0;
	[bflag:$0x2] =	sbarrier.arrive $0xFFFF  }
0xaa: {  	[sflag:s0] =	ssyncadd.tile.s32 @!p0 $0x1;
	_ =	shalt  }
.Lfunc_end2:
_tile_overlayer_lowered:
.L_overlay_start_2:
0xab: {  	(tag) =	ssettag $0x2  }
0xac: {  	s0 =	rddreg [dreg:$0x0];
	s2 =	stileid.u32  }
0xad: {  	s1 =	rddreg [dreg:$0x1];
	p0 =	sne.s32 s2, $0x0  }
0xae: {  	s3 =	rddreg [dreg:$0x2];
	[bflag:$0x3] =	sbarrier.arrive $0xFFFF;
	s2 =	simm.s32 @!p0 $0x1C01  }
0xaf: {  	[timem:s3], [sflag:s2] =	dma.local @!p0 [hbm:s0], s1  }
0xb0: {  	s0 =	simm.s32 @!p0 $0x1  }
0xb1: {  	_ =	swait.ge @!p0 [sflag:s0], s1  }
0xb2: {  	s1 =	ssub.s32 @!p0 $0x0, s1;
	[sflag:s0] =	ssyncset.done @!p0 $0x0  }
0xb3: {  	[sflag:s0] =	ssyncadd.s32 @!p0 s1  }
0xb4: {  	[bflag:$0x3] =	sbarrier.arrive $0xFFFF  }
0xb5: {  	_ =	shalt  }

// kernel: kernel.13.cloned.1.call-start
scs
__scs_entry_jumppad:
0x0: {  	(pc) =	sbr.rel $0x88, $3  }
0x1: {  	(tag) =	ssettag $0x0;
	lr =	simm.s32 $0x1  }
0x2: {  	[smem:$0x3F95] =	sst lr;
	_ =	strace $0xD0000000  }
0x3: {  	_ = 	snop  }
0x4: {  	_ = 	snop  }
0x5: {  	_ = 	snop  }
0x6: {  	_ = 	snop  }
0x7: {  	_ = 	snop  }
__scs_overlays_trampoline_lowered:
0x8: {  	[smem:$0x3FA4] =	sst s0  }
0x9: {  	[smem:$0x3FA5] =	sst s1  }
0xa: {  	[smem:$0x3FA6] =	sst s2  }
0xb: {  	[smem:$0x3FA7] =	sst s3  }
0xc: {  	[smem:$0x3FA8] =	sst s4  }
0xd: {  	[smem:$0x3FA9] =	sst s5  }
0xe: {  	[smem:$0x3FAA] =	sst s6  }
0xf: {  	[smem:$0x3FAB] =	sst s7  }
0x10: {  	[smem:$0x3FAC] =	sst s8  }
0x11: {  	[smem:$0x3FAD] =	sst s9;
	s0 =	simm.s32 @!p0 $0x0  }
0x12: {  	s1 =	sld [smem:$0x3F93];
	s0 =	simm.s32 @p0 $0x1  }
0x13: {  	[smem:$0x3FAE] =	sst s0;
	s0 =	simm.s32 @!p1 $0x0  }
0x14: {  	s2 =	sld [smem:$0x3F92];
	s0 =	simm.s32 @p1 $0x1  }
0x15: {  	[smem:$0x3FAF] =	sst s0;
	s0 =	simm.s32 @!p2 $0x0  }
0x16: {  	s3 =	sld [smem:$0x3FDB];
	s0 =	simm.s32 @p2 $0x1  }
0x17: {  	s4 =	simm.s32 $0x1BF5;
	[smem:$0x3FB1] =	sst s0  }
0x18: {  	s0 =	sld [smem:$0x3F94];
	_ =	swait.ge [sflag:s4], $0x0  }
0x19: {  	s7 =	sld [smem:$0x3F95]  }
0x1a: {  	s8 =	sadd.s32 $0xFFFFE003, lr  }
0x1b: {  	s9 =	sadd.s32 $0xFFFFFEF7, lr;
	s5 =	simm.s32 $0xFFFFFFFF;
	p2 =	slt.u32 s8, $0xFFFFF086  }
0x1c: {  	p1 =	slt.u32 s9, $0xF7A;
	s5 =	simm.s32 @!p2 $0x0  }
0x1d: {  	s5 =	simm.s32 @p1 $0x1;
	p0 =	seq.s32 s7, s2  }
0x1e: {  	s7 =	smul.u32 @!p0 $0xF7A, s2;
	p2 =	seq.s32 @!p0 s5, $0x0  }
0x1f: {  	s9 =	smul.u32 $0xF7A, s1;
	s8 =	simm.s32 @!p0 $0x1BF5;
	p2 =	por !p2, p0  }
0x20: {  	[sflag:s8] =	ssyncset.s32 @!p0 $0xFFFFF086;
	s6 =	sadd.s32 @!p0 s3, s7;
	s7 =	simm.s32 @!p0 $0x108  }
0x21: {  	s3 =	sadd.s32 s3, s9;
	s6 =	sadd.s32 @!p0 $0x88, s6;
	s7 =	simm.s32 @p2 $0x1082  }
0x22: {  	[simem:s7], [sflag:s8] =	dma.local @!p0 [hbm:s6], $0xF7A  }
0x23: {  	s9 =	sor.u32 $0xD0000000, s2;
	s6 =	simm.s32 $0x108;
	_ =	swait.ge @!p0 [sflag:s8], $0x0  }
0x24: {  	s3 =	sadd.s32 $0x88, s3;
	s6 =	simm.s32 @!p1 $0x1082;
	[sflag:s4] =	ssyncset.s32 $0xFFFFF086  }
0x25: {  	[simem:s6], [sflag:s4] =	dma.local [hbm:s3], $0xF7A  }
0x26: {  	[smem:$0x3F95] =	sst s1;
	(tag) =	ssettag s2;
	_ =	strace s9  }
0x27: {  	s1 =	sld [smem:$0x3FA5]  }
0x28: {  	s2 =	sld [smem:$0x3FA6]  }
0x29: {  	s4 =	sld [smem:$0x3FA8]  }
0x2a: {  	p0 =	seq.s32 s5, $0x0;
	s5 =	sld [smem:$0x3FA9]  }
0x2b: {  	s6 =	sld [smem:$0x3FAA]  }
0x2c: {  	s7 =	sld [smem:$0x3FAB]  }
0x2d: {  	s3 =	simm.s32 $0x108;
	s8 =	sld [smem:$0x3FAC]  }
0x2e: {  	s3 =	simm.s32 @!p0 $0x1082;
	s9 =	sld [smem:$0x3FAD]  }
0x2f: {  	lr =	sadd.s32 s0, s3;
	s0 =	sld [smem:$0x3FA4]  }
0x30: {  	s3 =	sld [smem:$0x3FA7]  }
0x31: {  	[smem:$0x3FB0] =	sst s10  }
0x32: {  	s10 =	sld [smem:$0x3FAE];
	_ =	sdelay $0x3  }
0x33: {  	p0 =	seq.s32 s10, $0x1;
	s10 =	sld [smem:$0x3FB0];
	_ =	sdelay $0x3  }
0x34: {  	[smem:$0x3FB0] =	sst s10  }
0x35: {  	s10 =	sld [smem:$0x3FAF];
	_ =	sdelay $0x3  }
0x36: {  	p1 =	seq.s32 s10, $0x1;
	s10 =	sld [smem:$0x3FB0];
	_ =	sdelay $0x3  }
0x37: {  	[smem:$0x3FB0] =	sst s10  }
0x38: {  	s10 =	sld [smem:$0x3FB1]  }
0x39: {  	_ = 	snop;
	(pc) =	sbr.ind lr, $3  }
0x3a: {  	_ = 	snop  }
0x3b: {  	_ = 	snop  }
0x3c: {  	p2 =	seq.s32 s10, $0x1;
	s10 =	sld [smem:$0x3FB0]  }
0x3d: {  	_ =	shalt  }
0x3e: {  	_ =	shalt  }
0x3f: {  	_ =	shalt  }
0x40: {  	_ =	shalt  }
0x41: {  	_ =	shalt  }
0x42: {  	_ =	shalt  }
0x43: {  	_ =	shalt  }
0x44: {  	_ =	shalt  }
0x45: {  	_ =	shalt  }
0x46: {  	_ =	shalt  }
0x47: {  	_ =	shalt  }
0x48: {  	_ =	shalt  }
0x49: {  	_ =	shalt  }
0x4a: {  	_ =	shalt  }
0x4b: {  	_ =	shalt  }
0x4c: {  	_ =	shalt  }
0x4d: {  	_ =	shalt  }
0x4e: {  	_ =	shalt  }
0x4f: {  	_ =	shalt  }
0x50: {  	_ =	shalt  }
0x51: {  	_ =	shalt  }
0x52: {  	_ =	shalt  }
0x53: {  	_ =	shalt  }
0x54: {  	_ =	shalt  }
0x55: {  	_ =	shalt  }
0x56: {  	_ =	shalt  }
0x57: {  	_ =	shalt  }
0x58: {  	_ =	shalt  }
0x59: {  	_ =	shalt  }
0x5a: {  	_ =	shalt  }
0x5b: {  	_ =	shalt  }
0x5c: {  	_ =	shalt  }
0x5d: {  	_ =	shalt  }
0x5e: {  	_ =	shalt  }
0x5f: {  	_ =	shalt  }
0x60: {  	_ =	shalt  }
0x61: {  	_ =	shalt  }
0x62: {  	_ =	shalt  }
0x63: {  	_ =	shalt  }
0x64: {  	_ =	shalt  }
0x65: {  	_ =	shalt  }
0x66: {  	_ =	shalt  }
0x67: {  	_ =	shalt  }
0x68: {  	_ =	shalt  }
0x69: {  	_ =	shalt  }
0x6a: {  	_ =	shalt  }
0x6b: {  	_ =	shalt  }
0x6c: {  	_ =	shalt  }
0x6d: {  	_ =	shalt  }
0x6e: {  	_ =	shalt  }
0x6f: {  	_ =	shalt  }
0x70: {  	_ =	shalt  }
0x71: {  	_ =	shalt  }
0x72: {  	_ =	shalt  }
0x73: {  	_ =	shalt  }
0x74: {  	_ =	shalt  }
0x75: {  	_ =	shalt  }
0x76: {  	_ =	shalt  }
0x77: {  	_ =	shalt  }
0x78: {  	_ =	shalt  }
0x79: {  	_ =	shalt  }
0x7a: {  	_ =	shalt  }
0x7b: {  	_ =	shalt  }
0x7c: {  	_ =	shalt  }
0x7d: {  	_ =	shalt  }
0x7e: {  	_ =	shalt  }
0x7f: {  	_ =	shalt  }
0x80: {  	_ =	shalt  }
0x81: {  	_ =	shalt  }
0x82: {  	_ =	shalt  }
0x83: {  	_ =	shalt  }
0x84: {  	_ =	shalt  }
0x85: {  	_ =	shalt  }
0x86: {  	_ =	shalt  }
0x87: {  	_ =	shalt  }
.Lfunc_end0:
.L_simem_size_0:
called_computation.1_lowered:
.L_overlay_start_0:
0x88: {  	s2 =	sld [smem:$0x3FD9]  }
0x89: {  	s3 =	sld [smem:$0x3FFE];
	_ =	sdelay $0x1  }
0x8a: {  	s1 =	srdreg.scid  }
0x8b: {  	s0 =	sand.u32 $0x1, s1  }
0x8c: {  	s17 =	sshll.u32 s0, $0xA;
	s2 =	sadd.s32 s3, s2  }
0x8d: {  	s2 =	sadd.s32 s2, s17  }
0x8e: {  	[smem:$0x3FBC] =	sst s2  }
0x8f: {  	_ = 	snop  }
0x90: {  	s2 =	sld [smem:$0x3FD0];
	(tm) =	ssettm $0x1  }
0x91: {  	s18 =	sld [smem:$0x3FFB];
	_ =	sdelay $0x3  }
0x92: {  	_ =	strace s18  }
0x93: {  	s3 =	sld [smem:$0x3FFC];
	_ =	sdelay $0x3  }
0x94: {  	_ =	strace s3  }
0x95: {  	s3 =	sld [smem:$0x3FFD];
	_ =	sdelay $0x3  }
0x96: {  	_ =	strace s3  }
0x97: {  	_ =	strace $0x8FFFFFFF  }
0x98: {  	s19 =	sld [smem:$0x3FDB];
	_ =	sdelay $0x1  }
0x99: {  	s4 =	simm.s32 $_scs_section_size  }
0x9a: {  	s5 =	simm.s32 $_size__tile_overlayer_lowered;
	s6 =	simm.s32 $_tile_overlayer_lowered  }
0x9b: {  	s22 =	simm.s32 $0x1BFF;
	s21 =	sshll.u32 s6, $0x1;
	s3 =	sadd.s32 s4, s19  }
0x9c: {  	s7 =	simm.s32 $0x0;
	s20 =	sshll.u32 s5, $0x1;
	s5 =	sadd.s32 s21, s3  }
0x9d: {  	[timem:s7], [sflag:s22] =	dma.local [hbm:s5], s20  }
0x9e: {  	_ =	swait.ge [sflag:s22], s20  }
0x9f: {  	s4 =	ssub.s32 $0x0, s20;
	[sflag:s22] =	ssyncset.done $0x0  }
0xa0: {  	[sflag:s22] =	ssyncadd.s32 s4;
	_ =	sdelay $0x1  }
0xa1: {  	s23 =	simm.s32 $0x1B8B  }
0xa2: {  	_ =	swait.ge [sflag:s23], $0x1  }
0xa3: {  	[sflag:s23] =	ssyncset.done $0x0  }
0xa4: {  	s25 =	simm.s32 $0x1B8E;
	s24 =	sld [smem:$0x3FFE];
	[sflag:s23] =	ssyncadd.s32 $0xFFFFFFFF  }
0xa5: {  	s26 =	simm.s32 $execute0_lowered;
	[smem:$0x3FD2] =	sst s25  }
0xa6: {  	s5 =	sshll.u32 s26, $0x1;
	_ =	strace $0x80000049;
	[dreg:$0x1] =	wrdreg $0xFFFFFFFF  }
0xa7: {  	s28 =	simm.s32 $_size_execute0_lowered;
	s3 =	sadd.s32 s3, s5;
	[dreg:$0x0] =	wrdreg $0x0  }
0xa8: {  	s5 =	sshll.u32 s28, $0x1;
	[dreg:$0x2] =	wrdreg s3  }
0xa9: {  	[dreg:$0x3] =	wrdreg s5  }
0xaa: {  	[dreg:$0x4] =	wrdreg $0xC0  }
0xab: {  	_ =	task [dreg:s7], $0x5FFFF  }
0xac: {  	[dreg:$0x1] =	wrdreg $0xFFFFFFFF  }
0xad: {  	[dreg:$0x0] =	wrdreg $0x60  }
0xae: {  	[dreg:$0x2] =	wrdreg s24  }
0xaf: {  	[dreg:$0x3] =	wrdreg s2  }
0xb0: {  	[dreg:$0x4] =	wrdreg $0x0  }
0xb1: {  	[dreg:$0x5] =	wrdreg $0x9  }
0xb2: {  	_ =	task.clear_ibuf [dreg:s7], $0x6FFFF;
	_ =	strace $0x90000049  }
0xb3: {  	s29 =	simm.s32 $0x9;
	_ =	strace $0x8000004B  }
0xb4: {  	_ =	swait.ge [sflag:s29], $0x1  }
0xb5: {  	[sflag:s29] =	ssyncadd.s32 $0xFFFFFFFF  }
0xb6: {  	_ =	strace $0x9000004B  }
0xb7: {  	_ =	sfence  }
0xb8: {  	s30 =	sld [smem:$0x0];
	_ =	sdelay $0x2  }
0xb9: {  	s31 =	sshll.u32 s1, $0xD;
	s1 =	sshrl.u32 s1, $0x2  }
0xba: {  	s3 =	sand.u32 $0x4000, s31;
	s1 =	sadd.s32 s1, s30  }
0xbb: {  	s0 =	sor.u32 s3, s0;
	s1 =	sshll.u32 s1, $0x11  }
0xbc: {  	s0 =	sor.u32 s1, s0  }
0xbd: {  	s0 =	sadd.s32 $0x8F2B, s0  }
0xbe: {  	[sflag:s0] =	ssyncadd.remote.s32 $0x1  }
0xbf: {  	_ =	sfence.sel $0xFFFF  }
0xc0: {  	[dreg:$0x0] =	wrdreg $0xFFFFFFFF;
	(pc) =	sbr.abs _section_cstart, $3  }
0xc1: {  	[dreg:$0x1] =	wrdreg $0xFFFFFFFF  }
0xc2: {  	_ =	task.clear_ibuf [dreg:s7], $0x2FFFF;
	_ =	strace $0x9FFFFFFF  }
0xc3: {  	(tm) =	ssettm $0x7FFFFFFF  }
tec
execute0_lowered:
.L_overlay_start_1:
0x0: {  	(tag) =	ssettag $0x1  }
0x1: {  	s0 =	rddreg [dreg:$0x0]  }
0x2: {  	s2 =	rddreg [dreg:$0x1]  }
0x3: {  	s3 =	rddreg [dreg:$0x2];
	s12 =	stileid.u32  }
0x4: {  	s4 =	simm.s32 $0x0;
	s5 =	srdreg.scid;
	s17 =	simm.s32 $0x7  }
0x5: {  	s28 =	simm.s32 $0x3;
	s29 =	simm.s32 $0x4;
	s30 =	simm.s32 $0x5  }
0x6: {  	s31 =	simm.s32 $0x6;
	s1 =	smul.u32 $0x14000, s12;
	[smem:$0x7FF] =	sst s4  }
0x7: {  	s7 =	sand.u32 $0x1, s5;
	s5 =	sadd.s32 $0x19A00, s0;
	s6 =	sadd.s32 $0xFA00, s0  }
0x8: {  	s18 =	smul.u32 $0x50000, s12;
	s22 =	sshll.u32 s12, $0x6;
	_ =	strace $0x8000004A  }
0x9: {  	s9 =	smul.u32 $0x140000, s7;
	s10 =	sshll.u32 s7, $0x4;
	s11 =	ssub.s32 $0x2, s7  }
0xa: {  	s8 =	sshrl.u32 s1, $0x3;
	s19 =	sor.u32 s12, s10;
	s20 =	sshrl.u32 s11, $0x1  }
0xb: {  	s8 =	sadd.s32 s8, s0;
	s1 =	sadd.s32 s1, s9;
	s9 =	sshrl.u32 s18, $0x2  }
0xc: {  	s7 =	smul.u32 $0x2800, s19;
	s21 =	ssub.s32 s11, s20;
	s18 =	simm.s32 $0x14000  }
0xd: {  	s19 =	simm.s32 $0x14100;
	s20 =	simm.s32 $0x14080;
	s1 =	sshrl.u32 s1, $0x3  }
0xe: {  	s16 =	sadd.s32 s9, s3;
	s8 =	sadd.s32 $0x69A00, s8;
	s9 =	sor.u32 $0x1C07, s22  }
0xf: {  	s15 =	smax.u32 s21, $0x1;
	s21 =	simm.s32 $0x14180;
	s22 =	simm.s32 $0x1  }
0x10: {  	s0 =	sadd.s32 s1, s0;
	[dreg:$0x4] =	wrdreg s8;
	s23 =	sshrl.u32 s7, $0x3  }
0x11: {  	s16 =	sshrl.u32 s16, $0x3;
	s24 =	sadd.s32 s6, s23;
	s13 =	sor.u32 $0x10, s23  }
0x12: {  	s25 =	sadd.s32 s2, s23;
	s14 =	sadd.s32 $0x91A00, s0;
	[dreg:$0x5] =	wrdreg s24  }
0x13: {  	s23 =	simm.s32 $0x80;
	s0 =	simm.s32 $0x0;
	[dreg:$0x6] =	wrdreg s25  }
0x14: {  	s26 =	sadd.s32 s6, s13;
	s13 =	sadd.s32 s2, s13;
	s24 =	simm.s32 $0x14200  }
0x15: {  	s25 =	simm.s32 $0x2;
	[dreg:$0x7] =	wrdreg s26;
	s26 =	simm.s32 $0x18200  }
.LBB2_1:
0x16: {  	s1 =	rddreg [dreg:$0x4]  }
0x17: {  	[spmem:s16], [sflag:s9] =	dma.local [hbm:s1], $0x2800  }
0x18: {  	_ =	swait.ge [sflag:s17], $0x2800  }
0x19: {  	[sflag:s17] =	ssyncset.done $0x0  }
0x1a: {  	[sflag:s17] =	ssyncadd.s32 $0xFFFFD800  }
0x1b: {  	[bflag:$0x0] =	sbarrier.arrive $0xFFFF  }
0x1c: {  	s12 =	rddreg [dreg:$0x5]  }
0x1d: {  	[tilespmem:s18], [sflag:$0x1] =	stream.linear.gather [hbm4b:s12+s4], $0x80, $0x38;
	[tilespmem:$0x1C200] =	vst v63  }
0x1e: {  	s8 =	rddreg [dreg:$0x6]  }
0x1f: {  	[tilespmem:s19], [sflag:$0x1] =	stream.linear.gather [hbm4b:s8+s4], $0x80, $0x38;
	[tilespmem:$0x1C200] =	vst v63  }
0x20: {  	s10 =	rddreg [dreg:$0x7]  }
0x21: {  	[tilespmem:s20], [sflag:$0x2] =	stream.linear.gather [hbm4b:s10+s4], $0x80, $0x38;
	[tilespmem:$0x1C200] =	vst v63  }
0x22: {  	_ = 	snop  }
0x23: {  	[tilespmem:s21], [sflag:$0x2] =	stream.linear.gather [hbm4b:s13+s4], $0x80, $0x38;
	[tilespmem:$0x1C200] =	vst v63  }
0x24: {  	_ =	swait.ge [sflag:s22], $0x80  }
0x25: {  	[sflag:s22] =	ssyncset.done $0x0  }
0x26: {  	[sflag:s22] =	ssyncadd.s32 $0xFFFFFF80  }
0x27: {  	_ =	swait.ge [sflag:s22], $0x80  }
0x28: {  	[sflag:s22] =	ssyncset.done $0x0  }
0x29: {  	[sflag:s22] =	ssyncadd.s32 $0xFFFFFF80  }
0x2a: {  	[tilespmem:s24], [sflag:$0x3] =	stream.indirect.gather [hbm4b:s5+s23], $0x80, s18, s23, $0xb8;
	[tilespmem:$0x1C200] =	vst v63  }
0x2b: {  	_ =	swait.ge [sflag:s25], $0x80  }
0x2c: {  	[sflag:s25] =	ssyncset.done $0x0  }
0x2d: {  	[sflag:s25] =	ssyncadd.s32 $0xFFFFFF80  }
0x2e: {  	_ =	swait.ge [sflag:s25], $0x80  }
0x2f: {  	[sflag:s25] =	ssyncset.done $0x0  }
0x30: {  	[sflag:s25] =	ssyncadd.s32 $0xFFFFFF80  }
0x31: {  	[tilespmem:s26], [sflag:$0x4] =	stream.indirect.gather [hbm4b:s5+s23], $0x80, s20, s23, $0xb8;
	[tilespmem:$0x1C200] =	vst v63  }
0x32: {  	_ =	swait.ge [sflag:s28], $0x4000  }
0x33: {  	[sflag:s28] =	ssyncset.done $0x0  }
0x34: {  	[sflag:s28] =	ssyncadd.s32 $0xFFFFC000  }
0x35: {  	[spmem:s3] =	stream.indirect.scatter.add.f32 [tilespmem:s24], [sflag:$0x5], $0x80, s19, s23, $0xb8;
	[tilespmem:$0x1C200] =	vst v63  }
0x36: {  	s11 =	simm.s32 $0x100;
	_ =	swait.ge [sflag:s29], $0x4000  }
0x37: {  	s8 =	sand.u32 $0x7C00, s11;
	[sflag:s29] =	ssyncset.done $0x0  }
0x38: {  	s1 =	sand.u32 $0x300, s11;
	s8 =	sadd.s32 s7, s8;
	[sflag:s29] =	ssyncadd.s32 $0xFFFFC000  }
0x39: {  	[spmem:s3] =	stream.indirect.scatter.add.f32 [tilespmem:s26], [sflag:$0x6], $0x80, s21, s23, $0xb8;
	[tilespmem:$0x1C200] =	vst v63  }
0x3a: {  	s1 =	sor.u32 s1, s8;
	_ =	swait.ge [sflag:s30], $0x4000  }
0x3b: {  	s1 =	sshrl.u32 s1, $0x3;
	[sflag:s30] =	ssyncset.done $0x0  }
0x3c: {  	s10 =	simm.s32 $0x180;
	s12 =	sadd.s32 s6, s1;
	[sflag:s30] =	ssyncadd.s32 $0xFFFFC000  }
0x3d: {  	[tilespmem:s18], [sflag:$0x1] =	stream.linear.gather [hbm4b:s12+s4], $0x80, $0x38;
	[tilespmem:$0x1C200] =	vst v63  }
0x3e: {  	s11 =	sand.u32 $0x7C00, s10;
	s1 =	sadd.s32 s2, s1  }
0x3f: {  	[tilespmem:s19], [sflag:$0x1] =	stream.linear.gather [hbm4b:s1+s4], $0x80, $0x38;
	[tilespmem:$0x1C200] =	vst v63  }
0x40: {  	s8 =	sand.u32 $0x380, s10;
	s1 =	sadd.s32 s7, s11  }
0x41: {  	_ =	swait.ge [sflag:s31], $0x4000;
	s1 =	sor.u32 s8, s1  }
0x42: {  	[sflag:s31] =	ssyncset.done $0x0;
	s1 =	sshrl.u32 s1, $0x3  }
0x43: {  	[sflag:s31] =	ssyncadd.s32 $0xFFFFC000;
	s12 =	sadd.s32 s6, s1  }
0x44: {  	[tilespmem:s20], [sflag:$0x2] =	stream.linear.gather [hbm4b:s12+s4], $0x80, $0x38;
	[tilespmem:$0x1C200] =	vst v63  }
0x45: {  	s1 =	sadd.s32 s2, s1  }
0x46: {  	[tilespmem:s21], [sflag:$0x2] =	stream.linear.gather [hbm4b:s1+s4], $0x80, $0x38;
	[tilespmem:$0x1C200] =	vst v63  }
0x47: {  	_ =	swait.ge [sflag:s22], $0x80  }
0x48: {  	[sflag:s22] =	ssyncset.done $0x0  }
0x49: {  	[sflag:s22] =	ssyncadd.s32 $0xFFFFFF80  }
0x4a: {  	_ =	swait.ge [sflag:s22], $0x80  }
0x4b: {  	[sflag:s22] =	ssyncset.done $0x0  }
0x4c: {  	[sflag:s22] =	ssyncadd.s32 $0xFFFFFF80  }
0x4d: {  	[tilespmem:s24], [sflag:$0x3] =	stream.indirect.gather [hbm4b:s5+s23], $0x80, s18, s23, $0xb8;
	[tilespmem:$0x1C200] =	vst v63  }
0x4e: {  	_ =	swait.ge [sflag:s25], $0x80  }
0x4f: {  	[sflag:s25] =	ssyncset.done $0x0  }
0x50: {  	[sflag:s25] =	ssyncadd.s32 $0xFFFFFF80  }
0x51: {  	_ =	swait.ge [sflag:s25], $0x80  }
0x52: {  	s1 =	simm.s32 $0x280;
	[sflag:s25] =	ssyncset.done $0x0  }
.LBB2_2:
0x53: {  	p0 =	sne.s32 s1, $0x2780  }
0x54: {  	[sflag:s25] =	ssyncadd.s32 $0xFFFFFF80;
	s8 =	smov.u32 s1;
	s1 =	sadd.s32 $0x100, s1  }
0x55: {  	[tilespmem:s26], [sflag:$0x4] =	stream.indirect.gather [hbm4b:s5+s23], $0x80, s20, s23, $0xb8;
	[tilespmem:$0x1C200] =	vst v63  }
0x56: {  	_ =	swait.ge [sflag:s28], $0x4000  }
0x57: {  	[sflag:s28] =	ssyncset.done $0x0  }
0x58: {  	[sflag:s28] =	ssyncadd.s32 $0xFFFFC000  }
0x59: {  	[spmem:s3] =	stream.indirect.scatter.add.f32 [tilespmem:s24], [sflag:$0x5], $0x80, s19, s23, $0xb8;
	[tilespmem:$0x1C200] =	vst v63  }
0x5a: {  	s10 =	sadd.s32 $0xFFFFFF80, s8;
	_ =	swait.ge [sflag:s29], $0x4000  }
0x5b: {  	s11 =	sand.u32 $0x7C00, s10;
	s10 =	sand.u32 $0x300, s10;
	[sflag:s29] =	ssyncset.done $0x0  }
0x5c: {  	s11 =	sadd.s32 s7, s11;
	[sflag:s29] =	ssyncadd.s32 $0xFFFFC000  }
0x5d: {  	[spmem:s3] =	stream.indirect.scatter.add.f32 [tilespmem:s26], [sflag:$0x6], $0x80, s21, s23, $0xb8;
	[tilespmem:$0x1C200] =	vst v63  }
0x5e: {  	s10 =	sor.u32 s10, s11;
	_ =	swait.ge [sflag:s30], $0x4000  }
0x5f: {  	s11 =	sand.u32 $0x7C00, s8;
	s10 =	sshrl.u32 s10, $0x3;
	[sflag:s30] =	ssyncset.done $0x0  }
0x60: {  	s12 =	sadd.s32 s6, s10;
	s10 =	sadd.s32 s2, s10;
	[sflag:s30] =	ssyncadd.s32 $0xFFFFC000  }
0x61: {  	[tilespmem:s18], [sflag:$0x1] =	stream.linear.gather [hbm4b:s12+s4], $0x80, $0x38;
	[tilespmem:$0x1C200] =	vst v63  }
0x62: {  	s8 =	sand.u32 $0x380, s8;
	s11 =	sadd.s32 s7, s11  }
0x63: {  	[tilespmem:s19], [sflag:$0x1] =	stream.linear.gather [hbm4b:s10+s4], $0x80, $0x38;
	[tilespmem:$0x1C200] =	vst v63  }
0x64: {  	s8 =	sor.u32 s8, s11;
	_ =	swait.ge [sflag:s31], $0x4000  }
0x65: {  	s8 =	sshrl.u32 s8, $0x3;
	[sflag:s31] =	ssyncset.done $0x0  }
0x66: {  	s10 =	sadd.s32 s6, s8;
	s8 =	sadd.s32 s2, s8;
	[sflag:s31] =	ssyncadd.s32 $0xFFFFC000  }
0x67: {  	[tilespmem:s20], [sflag:$0x2] =	stream.linear.gather [hbm4b:s10+s4], $0x80, $0x38;
	[tilespmem:$0x1C200] =	vst v63  }
0x68: {  	_ = 	snop  }
0x69: {  	[tilespmem:s21], [sflag:$0x2] =	stream.linear.gather [hbm4b:s8+s4], $0x80, $0x38;
	[tilespmem:$0x1C200] =	vst v63  }
0x6a: {  	_ =	swait.ge [sflag:s22], $0x80  }
0x6b: {  	[sflag:s22] =	ssyncset.done $0x0  }
0x6c: {  	[sflag:s22] =	ssyncadd.s32 $0xFFFFFF80  }
0x6d: {  	_ =	swait.ge [sflag:s22], $0x80  }
0x6e: {  	[sflag:s22] =	ssyncset.done $0x0  }
0x6f: {  	[sflag:s22] =	ssyncadd.s32 $0xFFFFFF80  }
0x70: {  	[tilespmem:s24], [sflag:$0x3] =	stream.indirect.gather [hbm4b:s5+s23], $0x80, s18, s23, $0xb8;
	[tilespmem:$0x1C200] =	vst v63  }
.Ltmp0:
0x71: {  	_ =	swait.ge [sflag:s25], $0x80;
	(pc) =	sbr.rel @p0 .LBB2_2-.Ltmp0, $4  }
0x72: {  	[sflag:s25] =	ssyncset.done $0x0  }
0x73: {  	[sflag:s25] =	ssyncadd.s32 $0xFFFFFF80  }
0x74: {  	_ =	swait.ge [sflag:s25], $0x80  }
0x75: {  	[sflag:s25] =	ssyncset.done $0x0  }
0x76: {  	[sflag:s25] =	ssyncadd.s32 $0xFFFFFF80  }
0x77: {  	[tilespmem:s26], [sflag:$0x4] =	stream.indirect.gather [hbm4b:s5+s23], $0x80, s20, s23, $0xb8;
	[tilespmem:$0x1C200] =	vst v63  }
0x78: {  	_ =	swait.ge [sflag:s28], $0x4000  }
0x79: {  	[sflag:s28] =	ssyncset.done $0x0  }
0x7a: {  	[sflag:s28] =	ssyncadd.s32 $0xFFFFC000  }
0x7b: {  	[spmem:s3] =	stream.indirect.scatter.add.f32 [tilespmem:s24], [sflag:$0x5], $0x80, s19, s23, $0xb8;
	[tilespmem:$0x1C200] =	vst v63  }
0x7c: {  	_ =	swait.ge [sflag:s29], $0x4000  }
0x7d: {  	[sflag:s29] =	ssyncset.done $0x0  }
0x7e: {  	[sflag:s29] =	ssyncadd.s32 $0xFFFFC000  }
0x7f: {  	[spmem:s3] =	stream.indirect.scatter.add.f32 [tilespmem:s26], [sflag:$0x6], $0x80, s21, s23, $0xb8;
	[tilespmem:$0x1C200] =	vst v63  }
0x80: {  	_ =	swait.ge [sflag:s30], $0x4000  }
0x81: {  	[sflag:s30] =	ssyncset.done $0x0  }
0x82: {  	[sflag:s30] =	ssyncadd.s32 $0xFFFFC000  }
0x83: {  	_ =	swait.ge [sflag:s31], $0x4000  }
0x84: {  	s0 =	sadd.s32 $0x1, s0;
	[sflag:s31] =	ssyncset.done $0x0  }
0x85: {  	p0 =	sne.s32 s0, s15;
	[sflag:s31] =	ssyncadd.s32 $0xFFFFC000  }
.Ltmp1:
0x86: {  	[bflag:$0x0] =	sbarrier.arrive $0xFFFF;
	(pc) =	sbr.rel @p0 .LBB2_1-.Ltmp1, $4  }
0x87: {  	[hbm:s14], [sflag:s9] =	dma.local [spmem:s16], $0x2800  }
0x88: {  	_ =	swait.ge [sflag:s17], $0x2800  }
0x89: {  	[sflag:s17] =	ssyncset.done $0x0  }
0x8a: {  	[sflag:s17] =	ssyncadd.s32 $0xFFFFD800  }
0x8b: {  	_ =	sfence.sel $0x180000  }
0x8c: {  	[bflag:$0x0] =	sbarrier.arrive $0xFFFF  }
0x8d: {  	_ =	strace $0x9000004A  }
0x8e: {  	s0 =	stileid.u32;
	[bflag:$0x2] =	sbarrier.arrive $0xFFFF  }
0x8f: {  	p0 =	sne.s32 s0, $0x0;
	s0 =	rddreg [dreg:$0x3]  }
0x90: {  	s0 =	sadd.s32 @!p0 $0x100000, s0  }
0x91: {  	[sflag:s0] =	ssyncadd.tile.s32 @!p0 $0x1;
	_ =	shalt  }
.Lfunc_end2:
_tile_overlayer_lowered:
.L_overlay_start_2:
0x92: {  	(tag) =	ssettag $0x2  }
0x93: {  	s0 =	rddreg [dreg:$0x0];
	s2 =	stileid.u32  }
0x94: {  	s1 =	rddreg [dreg:$0x1];
	p0 =	sne.s32 s2, $0x0  }
0x95: {  	s3 =	rddreg [dreg:$0x2];
	[bflag:$0x3] =	sbarrier.arrive $0xFFFF;
	s2 =	simm.s32 @!p0 $0x1C01  }
0x96: {  	[timem:s3], [sflag:s2] =	dma.local @!p0 [hbm:s0], s1  }
0x97: {  	s0 =	simm.s32 @!p0 $0x1  }
0x98: {  	_ =	swait.ge @!p0 [sflag:s0], s1  }
0x99: {  	s1 =	ssub.s32 @!p0 $0x0, s1;
	[sflag:s0] =	ssyncset.done @!p0 $0x0  }
0x9a: {  	[sflag:s0] =	ssyncadd.s32 @!p0 s1  }
0x9b: {  	[bflag:$0x3] =	sbarrier.arrive $0xFFFF  }
0x9c: {  	_ =	shalt  }

// kernel: kernel.16.cloned.1.call-start
scs
__scs_entry_jumppad:
0x0: {  	(pc) =	sbr.rel $0x88, $3  }
0x1: {  	(tag) =	ssettag $0x0;
	lr =	simm.s32 $0x1  }
0x2: {  	[smem:$0x3F95] =	sst lr;
	_ =	strace $0xD0000000  }
0x3: {  	_ = 	snop  }
0x4: {  	_ = 	snop  }
0x5: {  	_ = 	snop  }
0x6: {  	_ = 	snop  }
0x7: {  	_ = 	snop  }
__scs_overlays_trampoline_lowered:
0x8: {  	[smem:$0x3FA4] =	sst s0  }
0x9: {  	[smem:$0x3FA5] =	sst s1  }
0xa: {  	[smem:$0x3FA6] =	sst s2  }
0xb: {  	[smem:$0x3FA7] =	sst s3  }
0xc: {  	[smem:$0x3FA8] =	sst s4  }
0xd: {  	[smem:$0x3FA9] =	sst s5  }
0xe: {  	[smem:$0x3FAA] =	sst s6  }
0xf: {  	[smem:$0x3FAB] =	sst s7  }
0x10: {  	[smem:$0x3FAC] =	sst s8  }
0x11: {  	[smem:$0x3FAD] =	sst s9;
	s0 =	simm.s32 @!p0 $0x0  }
0x12: {  	s1 =	sld [smem:$0x3F93];
	s0 =	simm.s32 @p0 $0x1  }
0x13: {  	[smem:$0x3FAE] =	sst s0;
	s0 =	simm.s32 @!p1 $0x0  }
0x14: {  	s2 =	sld [smem:$0x3F92];
	s0 =	simm.s32 @p1 $0x1  }
0x15: {  	[smem:$0x3FAF] =	sst s0;
	s0 =	simm.s32 @!p2 $0x0  }
0x16: {  	s3 =	sld [smem:$0x3FDB];
	s0 =	simm.s32 @p2 $0x1  }
0x17: {  	s4 =	simm.s32 $0x1BF5;
	[smem:$0x3FB1] =	sst s0  }
0x18: {  	s0 =	sld [smem:$0x3F94];
	_ =	swait.ge [sflag:s4], $0x0  }
0x19: {  	s7 =	sld [smem:$0x3F95]  }
0x1a: {  	s8 =	sadd.s32 $0xFFFFE003, lr  }
0x1b: {  	s9 =	sadd.s32 $0xFFFFFEF7, lr;
	s5 =	simm.s32 $0xFFFFFFFF;
	p2 =	slt.u32 s8, $0xFFFFF086  }
0x1c: {  	p1 =	slt.u32 s9, $0xF7A;
	s5 =	simm.s32 @!p2 $0x0  }
0x1d: {  	s5 =	simm.s32 @p1 $0x1;
	p0 =	seq.s32 s7, s2  }
0x1e: {  	s7 =	smul.u32 @!p0 $0xF7A, s2;
	p2 =	seq.s32 @!p0 s5, $0x0  }
0x1f: {  	s9 =	smul.u32 $0xF7A, s1;
	s8 =	simm.s32 @!p0 $0x1BF5;
	p2 =	por !p2, p0  }
0x20: {  	[sflag:s8] =	ssyncset.s32 @!p0 $0xFFFFF086;
	s6 =	sadd.s32 @!p0 s3, s7;
	s7 =	simm.s32 @!p0 $0x108  }
0x21: {  	s3 =	sadd.s32 s3, s9;
	s6 =	sadd.s32 @!p0 $0x88, s6;
	s7 =	simm.s32 @p2 $0x1082  }
0x22: {  	[simem:s7], [sflag:s8] =	dma.local @!p0 [hbm:s6], $0xF7A  }
0x23: {  	s9 =	sor.u32 $0xD0000000, s2;
	s6 =	simm.s32 $0x108;
	_ =	swait.ge @!p0 [sflag:s8], $0x0  }
0x24: {  	s3 =	sadd.s32 $0x88, s3;
	s6 =	simm.s32 @!p1 $0x1082;
	[sflag:s4] =	ssyncset.s32 $0xFFFFF086  }
0x25: {  	[simem:s6], [sflag:s4] =	dma.local [hbm:s3], $0xF7A  }
0x26: {  	[smem:$0x3F95] =	sst s1;
	(tag) =	ssettag s2;
	_ =	strace s9  }
0x27: {  	s1 =	sld [smem:$0x3FA5]  }
0x28: {  	s2 =	sld [smem:$0x3FA6]  }
0x29: {  	s4 =	sld [smem:$0x3FA8]  }
0x2a: {  	p0 =	seq.s32 s5, $0x0;
	s5 =	sld [smem:$0x3FA9]  }
0x2b: {  	s6 =	sld [smem:$0x3FAA]  }
0x2c: {  	s7 =	sld [smem:$0x3FAB]  }
0x2d: {  	s3 =	simm.s32 $0x108;
	s8 =	sld [smem:$0x3FAC]  }
0x2e: {  	s3 =	simm.s32 @!p0 $0x1082;
	s9 =	sld [smem:$0x3FAD]  }
0x2f: {  	lr =	sadd.s32 s0, s3;
	s0 =	sld [smem:$0x3FA4]  }
0x30: {  	s3 =	sld [smem:$0x3FA7]  }
0x31: {  	[smem:$0x3FB0] =	sst s10  }
0x32: {  	s10 =	sld [smem:$0x3FAE];
	_ =	sdelay $0x3  }
0x33: {  	p0 =	seq.s32 s10, $0x1;
	s10 =	sld [smem:$0x3FB0];
	_ =	sdelay $0x3  }
0x34: {  	[smem:$0x3FB0] =	sst s10  }
0x35: {  	s10 =	sld [smem:$0x3FAF];
	_ =	sdelay $0x3  }
0x36: {  	p1 =	seq.s32 s10, $0x1;
	s10 =	sld [smem:$0x3FB0];
	_ =	sdelay $0x3  }
0x37: {  	[smem:$0x3FB0] =	sst s10  }
0x38: {  	s10 =	sld [smem:$0x3FB1]  }
0x39: {  	_ = 	snop;
	(pc) =	sbr.ind lr, $3  }
0x3a: {  	_ = 	snop  }
0x3b: {  	_ = 	snop  }
0x3c: {  	p2 =	seq.s32 s10, $0x1;
	s10 =	sld [smem:$0x3FB0]  }
0x3d: {  	_ =	shalt  }
0x3e: {  	_ =	shalt  }
0x3f: {  	_ =	shalt  }
0x40: {  	_ =	shalt  }
0x41: {  	_ =	shalt  }
0x42: {  	_ =	shalt  }
0x43: {  	_ =	shalt  }
0x44: {  	_ =	shalt  }
0x45: {  	_ =	shalt  }
0x46: {  	_ =	shalt  }
0x47: {  	_ =	shalt  }
0x48: {  	_ =	shalt  }
0x49: {  	_ =	shalt  }
0x4a: {  	_ =	shalt  }
0x4b: {  	_ =	shalt  }
0x4c: {  	_ =	shalt  }
0x4d: {  	_ =	shalt  }
0x4e: {  	_ =	shalt  }
0x4f: {  	_ =	shalt  }
0x50: {  	_ =	shalt  }
0x51: {  	_ =	shalt  }
0x52: {  	_ =	shalt  }
0x53: {  	_ =	shalt  }
0x54: {  	_ =	shalt  }
0x55: {  	_ =	shalt  }
0x56: {  	_ =	shalt  }
0x57: {  	_ =	shalt  }
0x58: {  	_ =	shalt  }
0x59: {  	_ =	shalt  }
0x5a: {  	_ =	shalt  }
0x5b: {  	_ =	shalt  }
0x5c: {  	_ =	shalt  }
0x5d: {  	_ =	shalt  }
0x5e: {  	_ =	shalt  }
0x5f: {  	_ =	shalt  }
0x60: {  	_ =	shalt  }
0x61: {  	_ =	shalt  }
0x62: {  	_ =	shalt  }
0x63: {  	_ =	shalt  }
0x64: {  	_ =	shalt  }
0x65: {  	_ =	shalt  }
0x66: {  	_ =	shalt  }
0x67: {  	_ =	shalt  }
0x68: {  	_ =	shalt  }
0x69: {  	_ =	shalt  }
0x6a: {  	_ =	shalt  }
0x6b: {  	_ =	shalt  }
0x6c: {  	_ =	shalt  }
0x6d: {  	_ =	shalt  }
0x6e: {  	_ =	shalt  }
0x6f: {  	_ =	shalt  }
0x70: {  	_ =	shalt  }
0x71: {  	_ =	shalt  }
0x72: {  	_ =	shalt  }
0x73: {  	_ =	shalt  }
0x74: {  	_ =	shalt  }
0x75: {  	_ =	shalt  }
0x76: {  	_ =	shalt  }
0x77: {  	_ =	shalt  }
0x78: {  	_ =	shalt  }
0x79: {  	_ =	shalt  }
0x7a: {  	_ =	shalt  }
0x7b: {  	_ =	shalt  }
0x7c: {  	_ =	shalt  }
0x7d: {  	_ =	shalt  }
0x7e: {  	_ =	shalt  }
0x7f: {  	_ =	shalt  }
0x80: {  	_ =	shalt  }
0x81: {  	_ =	shalt  }
0x82: {  	_ =	shalt  }
0x83: {  	_ =	shalt  }
0x84: {  	_ =	shalt  }
0x85: {  	_ =	shalt  }
0x86: {  	_ =	shalt  }
0x87: {  	_ =	shalt  }
.Lfunc_end0:
.L_simem_size_0:
called_computation.2_lowered:
.L_overlay_start_0:
0x88: {  	s2 =	sld [smem:$0x3FD9]  }
0x89: {  	s3 =	sld [smem:$0x3FFE];
	_ =	sdelay $0x1  }
0x8a: {  	s1 =	srdreg.scid  }
0x8b: {  	s0 =	sand.u32 $0x1, s1  }
0x8c: {  	s17 =	sshll.u32 s0, $0xA;
	s2 =	sadd.s32 s3, s2  }
0x8d: {  	s2 =	sadd.s32 s2, s17  }
0x8e: {  	[smem:$0x3FBC] =	sst s2  }
0x8f: {  	_ = 	snop  }
0x90: {  	s2 =	sld [smem:$0x3FD0];
	(tm) =	ssettm $0x1  }
0x91: {  	s18 =	sld [smem:$0x3FFB];
	_ =	sdelay $0x3  }
0x92: {  	_ =	strace s18  }
0x93: {  	s3 =	sld [smem:$0x3FFC];
	_ =	sdelay $0x3  }
0x94: {  	_ =	strace s3  }
0x95: {  	s3 =	sld [smem:$0x3FFD];
	_ =	sdelay $0x3  }
0x96: {  	_ =	strace s3  }
0x97: {  	_ =	strace $0x8FFFFFFF  }
0x98: {  	s19 =	sld [smem:$0x3FDB];
	_ =	sdelay $0x1  }
0x99: {  	s4 =	simm.s32 $_scs_section_size  }
0x9a: {  	s5 =	simm.s32 $_size__tile_overlayer_lowered;
	s6 =	simm.s32 $_tile_overlayer_lowered  }
0x9b: {  	s22 =	simm.s32 $0x1BFF;
	s21 =	sshll.u32 s6, $0x1;
	s3 =	sadd.s32 s4, s19  }
0x9c: {  	s7 =	simm.s32 $0x0;
	s20 =	sshll.u32 s5, $0x1;
	s5 =	sadd.s32 s21, s3  }
0x9d: {  	[timem:s7], [sflag:s22] =	dma.local [hbm:s5], s20  }
0x9e: {  	_ =	swait.ge [sflag:s22], s20  }
0x9f: {  	s4 =	ssub.s32 $0x0, s20;
	[sflag:s22] =	ssyncset.done $0x0  }
0xa0: {  	[sflag:s22] =	ssyncadd.s32 s4;
	_ =	sdelay $0x1  }
0xa1: {  	s23 =	simm.s32 $0x1B8B  }
0xa2: {  	_ =	swait.ge [sflag:s23], $0x1  }
0xa3: {  	[sflag:s23] =	ssyncset.done $0x0  }
0xa4: {  	s25 =	simm.s32 $0x1B8E;
	s24 =	sld [smem:$0x3FFE];
	[sflag:s23] =	ssyncadd.s32 $0xFFFFFFFF  }
0xa5: {  	s26 =	simm.s32 $execute0_lowered;
	[smem:$0x3FD2] =	sst s25  }
0xa6: {  	s5 =	sshll.u32 s26, $0x1;
	_ =	strace $0x8000004C;
	[dreg:$0x1] =	wrdreg $0xFFFFFFFF  }
0xa7: {  	s28 =	simm.s32 $_size_execute0_lowered;
	s3 =	sadd.s32 s3, s5;
	[dreg:$0x0] =	wrdreg $0x0  }
0xa8: {  	s5 =	sshll.u32 s28, $0x1;
	[dreg:$0x2] =	wrdreg s3  }
0xa9: {  	[dreg:$0x3] =	wrdreg s5  }
0xaa: {  	[dreg:$0x4] =	wrdreg $0xC0  }
0xab: {  	_ =	task [dreg:s7], $0x5FFFF  }
0xac: {  	[dreg:$0x1] =	wrdreg $0xFFFFFFFF  }
0xad: {  	[dreg:$0x0] =	wrdreg $0x60  }
0xae: {  	[dreg:$0x2] =	wrdreg s24  }
0xaf: {  	[dreg:$0x3] =	wrdreg s2  }
0xb0: {  	[dreg:$0x4] =	wrdreg $0x0  }
0xb1: {  	[dreg:$0x5] =	wrdreg $0x9  }
0xb2: {  	_ =	task.clear_ibuf [dreg:s7], $0x6FFFF;
	_ =	strace $0x9000004C  }
0xb3: {  	s29 =	simm.s32 $0x9;
	_ =	strace $0x8000004E  }
0xb4: {  	_ =	swait.ge [sflag:s29], $0x1  }
0xb5: {  	[sflag:s29] =	ssyncadd.s32 $0xFFFFFFFF  }
0xb6: {  	_ =	strace $0x9000004E  }
0xb7: {  	_ =	sfence  }
0xb8: {  	s30 =	sld [smem:$0x0];
	_ =	sdelay $0x2  }
0xb9: {  	s31 =	sshll.u32 s1, $0xD;
	s1 =	sshrl.u32 s1, $0x2  }
0xba: {  	s3 =	sand.u32 $0x4000, s31;
	s1 =	sadd.s32 s1, s30  }
0xbb: {  	s0 =	sor.u32 s3, s0;
	s1 =	sshll.u32 s1, $0x11  }
0xbc: {  	s0 =	sor.u32 s1, s0  }
0xbd: {  	s0 =	sadd.s32 $0x8F2B, s0  }
0xbe: {  	[sflag:s0] =	ssyncadd.remote.s32 $0x1  }
0xbf: {  	_ =	sfence.sel $0xFFFF  }
0xc0: {  	[dreg:$0x0] =	wrdreg $0xFFFFFFFF;
	(pc) =	sbr.abs _section_cstart, $3  }
0xc1: {  	[dreg:$0x1] =	wrdreg $0xFFFFFFFF  }
0xc2: {  	_ =	task.clear_ibuf [dreg:s7], $0x2FFFF;
	_ =	strace $0x9FFFFFFF  }
0xc3: {  	(tm) =	ssettm $0x7FFFFFFF  }
tec
execute0_lowered:
.L_overlay_start_1:
0x0: {  	(tag) =	ssettag $0x1  }
0x1: {  	s0 =	rddreg [dreg:$0x0]  }
0x2: {  	s2 =	rddreg [dreg:$0x1]  }
0x3: {  	s3 =	rddreg [dreg:$0x2];
	s12 =	stileid.u32  }
0x4: {  	s4 =	simm.s32 $0x0;
	s5 =	srdreg.scid;
	s17 =	simm.s32 $0x7  }
0x5: {  	s28 =	simm.s32 $0x3;
	s29 =	simm.s32 $0x4;
	s30 =	simm.s32 $0x5  }
0x6: {  	s31 =	simm.s32 $0x6;
	s1 =	smul.u32 $0x14000, s12;
	[smem:$0x7FF] =	sst s4  }
0x7: {  	s7 =	sand.u32 $0x1, s5;
	s5 =	sadd.s32 $0x19A00, s0;
	s6 =	sadd.s32 $0xFA00, s0  }
0x8: {  	s18 =	smul.u32 $0x50000, s12;
	s22 =	sshll.u32 s12, $0x6;
	_ =	strace $0x8000004D  }
0x9: {  	s9 =	smul.u32 $0x140000, s7;
	s10 =	sshll.u32 s7, $0x4;
	s11 =	ssub.s32 $0x2, s7  }
0xa: {  	s8 =	sshrl.u32 s1, $0x3;
	s19 =	sor.u32 s12, s10;
	s20 =	sshrl.u32 s11, $0x1  }
0xb: {  	s8 =	sadd.s32 s8, s0;
	s1 =	sadd.s32 s1, s9;
	s9 =	sshrl.u32 s18, $0x2  }
0xc: {  	s7 =	smul.u32 $0x2800, s19;
	s21 =	ssub.s32 s11, s20;
	s18 =	simm.s32 $0x14000  }
0xd: {  	s19 =	simm.s32 $0x14100;
	s20 =	simm.s32 $0x14080;
	s1 =	sshrl.u32 s1, $0x3  }
0xe: {  	s16 =	sadd.s32 s9, s3;
	s8 =	sadd.s32 $0x69A00, s8;
	s9 =	sor.u32 $0x1C07, s22  }
0xf: {  	s15 =	smax.u32 s21, $0x1;
	s21 =	simm.s32 $0x14180;
	s22 =	simm.s32 $0x1  }
0x10: {  	s0 =	sadd.s32 s1, s0;
	[dreg:$0x4] =	wrdreg s8;
	s23 =	sshrl.u32 s7, $0x3  }
0x11: {  	s16 =	sshrl.u32 s16, $0x3;
	s24 =	sadd.s32 s6, s23;
	s13 =	sor.u32 $0x10, s23  }
0x12: {  	s25 =	sadd.s32 s2, s23;
	s14 =	sadd.s32 $0x91A00, s0;
	[dreg:$0x5] =	wrdreg s24  }
0x13: {  	s23 =	simm.s32 $0x80;
	s0 =	simm.s32 $0x0;
	[dreg:$0x6] =	wrdreg s25  }
0x14: {  	s26 =	sadd.s32 s6, s13;
	s13 =	sadd.s32 s2, s13;
	s24 =	simm.s32 $0x14200  }
0x15: {  	s25 =	simm.s32 $0x2;
	[dreg:$0x7] =	wrdreg s26;
	s26 =	simm.s32 $0x18200  }
.LBB2_1:
0x16: {  	s1 =	rddreg [dreg:$0x4]  }
0x17: {  	[spmem:s16], [sflag:s9] =	dma.local [hbm:s1], $0x2800  }
0x18: {  	_ =	swait.ge [sflag:s17], $0x2800  }
0x19: {  	[sflag:s17] =	ssyncset.done $0x0  }
0x1a: {  	[sflag:s17] =	ssyncadd.s32 $0xFFFFD800  }
0x1b: {  	[bflag:$0x0] =	sbarrier.arrive $0xFFFF  }
0x1c: {  	s12 =	rddreg [dreg:$0x5]  }
0x1d: {  	[tilespmem:s18], [sflag:$0x1] =	stream.linear.gather [hbm4b:s12+s4], $0x80, $0x38;
	[tilespmem:$0x1C200] =	vst v63  }
0x1e: {  	s8 =	rddreg [dreg:$0x6]  }
0x1f: {  	[tilespmem:s19], [sflag:$0x1] =	stream.linear.gather [hbm4b:s8+s4], $0x80, $0x38;
	[tilespmem:$0x1C200] =	vst v63  }
0x20: {  	s10 =	rddreg [dreg:$0x7]  }
0x21: {  	[tilespmem:s20], [sflag:$0x2] =	stream.linear.gather [hbm4b:s10+s4], $0x80, $0x38;
	[tilespmem:$0x1C200] =	vst v63  }
0x22: {  	_ = 	snop  }
0x23: {  	[tilespmem:s21], [sflag:$0x2] =	stream.linear.gather [hbm4b:s13+s4], $0x80, $0x38;
	[tilespmem:$0x1C200] =	vst v63  }
0x24: {  	_ =	swait.ge [sflag:s22], $0x80  }
0x25: {  	[sflag:s22] =	ssyncset.done $0x0  }
0x26: {  	[sflag:s22] =	ssyncadd.s32 $0xFFFFFF80  }
0x27: {  	_ =	swait.ge [sflag:s22], $0x80  }
0x28: {  	[sflag:s22] =	ssyncset.done $0x0  }
0x29: {  	[sflag:s22] =	ssyncadd.s32 $0xFFFFFF80  }
0x2a: {  	[tilespmem:s24], [sflag:$0x3] =	stream.indirect.gather [hbm4b:s5+s23], $0x80, s18, s23, $0xb8;
	[tilespmem:$0x1C200] =	vst v63  }
0x2b: {  	_ =	swait.ge [sflag:s25], $0x80  }
0x2c: {  	[sflag:s25] =	ssyncset.done $0x0  }
0x2d: {  	[sflag:s25] =	ssyncadd.s32 $0xFFFFFF80  }
0x2e: {  	_ =	swait.ge [sflag:s25], $0x80  }
0x2f: {  	[sflag:s25] =	ssyncset.done $0x0  }
0x30: {  	[sflag:s25] =	ssyncadd.s32 $0xFFFFFF80  }
0x31: {  	[tilespmem:s26], [sflag:$0x4] =	stream.indirect.gather [hbm4b:s5+s23], $0x80, s20, s23, $0xb8;
	[tilespmem:$0x1C200] =	vst v63  }
0x32: {  	_ =	swait.ge [sflag:s28], $0x4000  }
0x33: {  	[sflag:s28] =	ssyncset.done $0x0  }
0x34: {  	[sflag:s28] =	ssyncadd.s32 $0xFFFFC000  }
0x35: {  	[spmem:s3] =	stream.indirect.scatter.add.f32 [tilespmem:s24], [sflag:$0x5], $0x80, s19, s23, $0xb8;
	[tilespmem:$0x1C200] =	vst v63  }
0x36: {  	s11 =	simm.s32 $0x100;
	_ =	swait.ge [sflag:s29], $0x4000  }
0x37: {  	s8 =	sand.u32 $0x7C00, s11;
	[sflag:s29] =	ssyncset.done $0x0  }
0x38: {  	s1 =	sand.u32 $0x300, s11;
	s8 =	sadd.s32 s7, s8;
	[sflag:s29] =	ssyncadd.s32 $0xFFFFC000  }
0x39: {  	[spmem:s3] =	stream.indirect.scatter.add.f32 [tilespmem:s26], [sflag:$0x6], $0x80, s21, s23, $0xb8;
	[tilespmem:$0x1C200] =	vst v63  }
0x3a: {  	s1 =	sor.u32 s1, s8;
	_ =	swait.ge [sflag:s30], $0x4000  }
0x3b: {  	s1 =	sshrl.u32 s1, $0x3;
	[sflag:s30] =	ssyncset.done $0x0  }
0x3c: {  	s10 =	simm.s32 $0x180;
	s12 =	sadd.s32 s6, s1;
	[sflag:s30] =	ssyncadd.s32 $0xFFFFC000  }
0x3d: {  	[tilespmem:s18], [sflag:$0x1] =	stream.linear.gather [hbm4b:s12+s4], $0x80, $0x38;
	[tilespmem:$0x1C200] =	vst v63  }
0x3e: {  	s11 =	sand.u32 $0x7C00, s10;
	s1 =	sadd.s32 s2, s1  }
0x3f: {  	[tilespmem:s19], [sflag:$0x1] =	stream.linear.gather [hbm4b:s1+s4], $0x80, $0x38;
	[tilespmem:$0x1C200] =	vst v63  }
0x40: {  	s8 =	sand.u32 $0x380, s10;
	s1 =	sadd.s32 s7, s11  }
0x41: {  	_ =	swait.ge [sflag:s31], $0x4000;
	s1 =	sor.u32 s8, s1  }
0x42: {  	[sflag:s31] =	ssyncset.done $0x0;
	s1 =	sshrl.u32 s1, $0x3  }
0x43: {  	[sflag:s31] =	ssyncadd.s32 $0xFFFFC000;
	s12 =	sadd.s32 s6, s1  }
0x44: {  	[tilespmem:s20], [sflag:$0x2] =	stream.linear.gather [hbm4b:s12+s4], $0x80, $0x38;
	[tilespmem:$0x1C200] =	vst v63  }
0x45: {  	s1 =	sadd.s32 s2, s1  }
0x46: {  	[tilespmem:s21], [sflag:$0x2] =	stream.linear.gather [hbm4b:s1+s4], $0x80, $0x38;
	[tilespmem:$0x1C200] =	vst v63  }
0x47: {  	_ =	swait.ge [sflag:s22], $0x80  }
0x48: {  	[sflag:s22] =	ssyncset.done $0x0  }
0x49: {  	[sflag:s22] =	ssyncadd.s32 $0xFFFFFF80  }
0x4a: {  	_ =	swait.ge [sflag:s22], $0x80  }
0x4b: {  	[sflag:s22] =	ssyncset.done $0x0  }
0x4c: {  	[sflag:s22] =	ssyncadd.s32 $0xFFFFFF80  }
0x4d: {  	[tilespmem:s24], [sflag:$0x3] =	stream.indirect.gather [hbm4b:s5+s23], $0x80, s18, s23, $0xb8;
	[tilespmem:$0x1C200] =	vst v63  }
0x4e: {  	_ =	swait.ge [sflag:s25], $0x80  }
0x4f: {  	[sflag:s25] =	ssyncset.done $0x0  }
0x50: {  	[sflag:s25] =	ssyncadd.s32 $0xFFFFFF80  }
0x51: {  	_ =	swait.ge [sflag:s25], $0x80  }
0x52: {  	s1 =	simm.s32 $0x280;
	[sflag:s25] =	ssyncset.done $0x0  }
.LBB2_2:
0x53: {  	p0 =	sne.s32 s1, $0x2780  }
0x54: {  	[sflag:s25] =	ssyncadd.s32 $0xFFFFFF80;
	s8 =	smov.u32 s1;
	s1 =	sadd.s32 $0x100, s1  }
0x55: {  	[tilespmem:s26], [sflag:$0x4] =	stream.indirect.gather [hbm4b:s5+s23], $0x80, s20, s23, $0xb8;
	[tilespmem:$0x1C200] =	vst v63  }
0x56: {  	_ =	swait.ge [sflag:s28], $0x4000  }
0x57: {  	[sflag:s28] =	ssyncset.done $0x0  }
0x58: {  	[sflag:s28] =	ssyncadd.s32 $0xFFFFC000  }
0x59: {  	[spmem:s3] =	stream.indirect.scatter.add.f32 [tilespmem:s24], [sflag:$0x5], $0x80, s19, s23, $0xb8;
	[tilespmem:$0x1C200] =	vst v63  }
0x5a: {  	s10 =	sadd.s32 $0xFFFFFF80, s8;
	_ =	swait.ge [sflag:s29], $0x4000  }
0x5b: {  	s11 =	sand.u32 $0x7C00, s10;
	s10 =	sand.u32 $0x300, s10;
	[sflag:s29] =	ssyncset.done $0x0  }
0x5c: {  	s11 =	sadd.s32 s7, s11;
	[sflag:s29] =	ssyncadd.s32 $0xFFFFC000  }
0x5d: {  	[spmem:s3] =	stream.indirect.scatter.add.f32 [tilespmem:s26], [sflag:$0x6], $0x80, s21, s23, $0xb8;
	[tilespmem:$0x1C200] =	vst v63  }
0x5e: {  	s10 =	sor.u32 s10, s11;
	_ =	swait.ge [sflag:s30], $0x4000  }
0x5f: {  	s11 =	sand.u32 $0x7C00, s8;
	s10 =	sshrl.u32 s10, $0x3;
	[sflag:s30] =	ssyncset.done $0x0  }
0x60: {  	s12 =	sadd.s32 s6, s10;
	s10 =	sadd.s32 s2, s10;
	[sflag:s30] =	ssyncadd.s32 $0xFFFFC000  }
0x61: {  	[tilespmem:s18], [sflag:$0x1] =	stream.linear.gather [hbm4b:s12+s4], $0x80, $0x38;
	[tilespmem:$0x1C200] =	vst v63  }
0x62: {  	s8 =	sand.u32 $0x380, s8;
	s11 =	sadd.s32 s7, s11  }
0x63: {  	[tilespmem:s19], [sflag:$0x1] =	stream.linear.gather [hbm4b:s10+s4], $0x80, $0x38;
	[tilespmem:$0x1C200] =	vst v63  }
0x64: {  	s8 =	sor.u32 s8, s11;
	_ =	swait.ge [sflag:s31], $0x4000  }
0x65: {  	s8 =	sshrl.u32 s8, $0x3;
	[sflag:s31] =	ssyncset.done $0x0  }
0x66: {  	s10 =	sadd.s32 s6, s8;
	s8 =	sadd.s32 s2, s8;
	[sflag:s31] =	ssyncadd.s32 $0xFFFFC000  }
0x67: {  	[tilespmem:s20], [sflag:$0x2] =	stream.linear.gather [hbm4b:s10+s4], $0x80, $0x38;
	[tilespmem:$0x1C200] =	vst v63  }
0x68: {  	_ = 	snop  }
0x69: {  	[tilespmem:s21], [sflag:$0x2] =	stream.linear.gather [hbm4b:s8+s4], $0x80, $0x38;
	[tilespmem:$0x1C200] =	vst v63  }
0x6a: {  	_ =	swait.ge [sflag:s22], $0x80  }
0x6b: {  	[sflag:s22] =	ssyncset.done $0x0  }
0x6c: {  	[sflag:s22] =	ssyncadd.s32 $0xFFFFFF80  }
0x6d: {  	_ =	swait.ge [sflag:s22], $0x80  }
0x6e: {  	[sflag:s22] =	ssyncset.done $0x0  }
0x6f: {  	[sflag:s22] =	ssyncadd.s32 $0xFFFFFF80  }
0x70: {  	[tilespmem:s24], [sflag:$0x3] =	stream.indirect.gather [hbm4b:s5+s23], $0x80, s18, s23, $0xb8;
	[tilespmem:$0x1C200] =	vst v63  }
.Ltmp0:
0x71: {  	_ =	swait.ge [sflag:s25], $0x80;
	(pc) =	sbr.rel @p0 .LBB2_2-.Ltmp0, $4  }
0x72: {  	[sflag:s25] =	ssyncset.done $0x0  }
0x73: {  	[sflag:s25] =	ssyncadd.s32 $0xFFFFFF80  }
0x74: {  	_ =	swait.ge [sflag:s25], $0x80  }
0x75: {  	[sflag:s25] =	ssyncset.done $0x0  }
0x76: {  	[sflag:s25] =	ssyncadd.s32 $0xFFFFFF80  }
0x77: {  	[tilespmem:s26], [sflag:$0x4] =	stream.indirect.gather [hbm4b:s5+s23], $0x80, s20, s23, $0xb8;
	[tilespmem:$0x1C200] =	vst v63  }
0x78: {  	_ =	swait.ge [sflag:s28], $0x4000  }
0x79: {  	[sflag:s28] =	ssyncset.done $0x0  }
0x7a: {  	[sflag:s28] =	ssyncadd.s32 $0xFFFFC000  }
0x7b: {  	[spmem:s3] =	stream.indirect.scatter.add.f32 [tilespmem:s24], [sflag:$0x5], $0x80, s19, s23, $0xb8;
	[tilespmem:$0x1C200] =	vst v63  }
0x7c: {  	_ =	swait.ge [sflag:s29], $0x4000  }
0x7d: {  	[sflag:s29] =	ssyncset.done $0x0  }
0x7e: {  	[sflag:s29] =	ssyncadd.s32 $0xFFFFC000  }
0x7f: {  	[spmem:s3] =	stream.indirect.scatter.add.f32 [tilespmem:s26], [sflag:$0x6], $0x80, s21, s23, $0xb8;
	[tilespmem:$0x1C200] =	vst v63  }
0x80: {  	_ =	swait.ge [sflag:s30], $0x4000  }
0x81: {  	[sflag:s30] =	ssyncset.done $0x0  }
0x82: {  	[sflag:s30] =	ssyncadd.s32 $0xFFFFC000  }
0x83: {  	_ =	swait.ge [sflag:s31], $0x4000  }
0x84: {  	s0 =	sadd.s32 $0x1, s0;
	[sflag:s31] =	ssyncset.done $0x0  }
0x85: {  	p0 =	sne.s32 s0, s15;
	[sflag:s31] =	ssyncadd.s32 $0xFFFFC000  }
.Ltmp1:
0x86: {  	[bflag:$0x0] =	sbarrier.arrive $0xFFFF;
	(pc) =	sbr.rel @p0 .LBB2_1-.Ltmp1, $4  }
0x87: {  	[hbm:s14], [sflag:s9] =	dma.local [spmem:s16], $0x2800  }
0x88: {  	_ =	swait.ge [sflag:s17], $0x2800  }
0x89: {  	[sflag:s17] =	ssyncset.done $0x0  }
0x8a: {  	[sflag:s17] =	ssyncadd.s32 $0xFFFFD800  }
0x8b: {  	_ =	sfence.sel $0x180000  }
0x8c: {  	[bflag:$0x0] =	sbarrier.arrive $0xFFFF  }
0x8d: {  	_ =	strace $0x9000004D  }
0x8e: {  	s0 =	stileid.u32;
	[bflag:$0x2] =	sbarrier.arrive $0xFFFF  }
0x8f: {  	p0 =	sne.s32 s0, $0x0;
	s0 =	rddreg [dreg:$0x3]  }
0x90: {  	s0 =	sadd.s32 @!p0 $0x100000, s0  }
0x91: {  	[sflag:s0] =	ssyncadd.tile.s32 @!p0 $0x1;
	_ =	shalt  }
.Lfunc_end2:
_tile_overlayer_lowered:
.L_overlay_start_2:
0x92: {  	(tag) =	ssettag $0x2  }
0x93: {  	s0 =	rddreg [dreg:$0x0];
	s2 =	stileid.u32  }
0x94: {  	s1 =	rddreg [dreg:$0x1];
	p0 =	sne.s32 s2, $0x0  }
0x95: {  	s3 =	rddreg [dreg:$0x2];
	[bflag:$0x3] =	sbarrier.arrive $0xFFFF;
	s2 =	simm.s32 @!p0 $0x1C01  }
0x96: {  	[timem:s3], [sflag:s2] =	dma.local @!p0 [hbm:s0], s1  }
0x97: {  	s0 =	simm.s32 @!p0 $0x1  }
0x98: {  	_ =	swait.ge @!p0 [sflag:s0], s1  }
0x99: {  	s1 =	ssub.s32 @!p0 $0x0, s1;
	[sflag:s0] =	ssyncset.done @!p0 $0x0  }
0x9a: {  	[sflag:s0] =	ssyncadd.s32 @!p0 s1  }
0x9b: {  	[bflag:$0x3] =	sbarrier.arrive $0xFFFF  }
0x9c: {  	_ =	shalt  }

// kernel: kernel.19.cloned.1.call-start
scs
__scs_entry_jumppad:
0x0: {  	(pc) =	sbr.rel $0x88, $3  }
0x1: {  	(tag) =	ssettag $0x0;
	lr =	simm.s32 $0x1  }
0x2: {  	[smem:$0x3F95] =	sst lr;
	_ =	strace $0xD0000000  }
0x3: {  	_ = 	snop  }
0x4: {  	_ = 	snop  }
0x5: {  	_ = 	snop  }
0x6: {  	_ = 	snop  }
0x7: {  	_ = 	snop  }
__scs_overlays_trampoline_lowered:
0x8: {  	[smem:$0x3FA4] =	sst s0  }
0x9: {  	[smem:$0x3FA5] =	sst s1  }
0xa: {  	[smem:$0x3FA6] =	sst s2  }
0xb: {  	[smem:$0x3FA7] =	sst s3  }
0xc: {  	[smem:$0x3FA8] =	sst s4  }
0xd: {  	[smem:$0x3FA9] =	sst s5  }
0xe: {  	[smem:$0x3FAA] =	sst s6  }
0xf: {  	[smem:$0x3FAB] =	sst s7  }
0x10: {  	[smem:$0x3FAC] =	sst s8  }
0x11: {  	[smem:$0x3FAD] =	sst s9;
	s0 =	simm.s32 @!p0 $0x0  }
0x12: {  	s1 =	sld [smem:$0x3F93];
	s0 =	simm.s32 @p0 $0x1  }
0x13: {  	[smem:$0x3FAE] =	sst s0;
	s0 =	simm.s32 @!p1 $0x0  }
0x14: {  	s2 =	sld [smem:$0x3F92];
	s0 =	simm.s32 @p1 $0x1  }
0x15: {  	[smem:$0x3FAF] =	sst s0;
	s0 =	simm.s32 @!p2 $0x0  }
0x16: {  	s3 =	sld [smem:$0x3FDB];
	s0 =	simm.s32 @p2 $0x1  }
0x17: {  	s4 =	simm.s32 $0x1BF5;
	[smem:$0x3FB1] =	sst s0  }
0x18: {  	s0 =	sld [smem:$0x3F94];
	_ =	swait.ge [sflag:s4], $0x0  }
0x19: {  	s7 =	sld [smem:$0x3F95]  }
0x1a: {  	s8 =	sadd.s32 $0xFFFFE003, lr  }
0x1b: {  	s9 =	sadd.s32 $0xFFFFFEF7, lr;
	s5 =	simm.s32 $0xFFFFFFFF;
	p2 =	slt.u32 s8, $0xFFFFF086  }
0x1c: {  	p1 =	slt.u32 s9, $0xF7A;
	s5 =	simm.s32 @!p2 $0x0  }
0x1d: {  	s5 =	simm.s32 @p1 $0x1;
	p0 =	seq.s32 s7, s2  }
0x1e: {  	s7 =	smul.u32 @!p0 $0xF7A, s2;
	p2 =	seq.s32 @!p0 s5, $0x0  }
0x1f: {  	s9 =	smul.u32 $0xF7A, s1;
	s8 =	simm.s32 @!p0 $0x1BF5;
	p2 =	por !p2, p0  }
0x20: {  	[sflag:s8] =	ssyncset.s32 @!p0 $0xFFFFF086;
	s6 =	sadd.s32 @!p0 s3, s7;
	s7 =	simm.s32 @!p0 $0x108  }
0x21: {  	s3 =	sadd.s32 s3, s9;
	s6 =	sadd.s32 @!p0 $0x88, s6;
	s7 =	simm.s32 @p2 $0x1082  }
0x22: {  	[simem:s7], [sflag:s8] =	dma.local @!p0 [hbm:s6], $0xF7A  }
0x23: {  	s9 =	sor.u32 $0xD0000000, s2;
	s6 =	simm.s32 $0x108;
	_ =	swait.ge @!p0 [sflag:s8], $0x0  }
0x24: {  	s3 =	sadd.s32 $0x88, s3;
	s6 =	simm.s32 @!p1 $0x1082;
	[sflag:s4] =	ssyncset.s32 $0xFFFFF086  }
0x25: {  	[simem:s6], [sflag:s4] =	dma.local [hbm:s3], $0xF7A  }
0x26: {  	[smem:$0x3F95] =	sst s1;
	(tag) =	ssettag s2;
	_ =	strace s9  }
0x27: {  	s1 =	sld [smem:$0x3FA5]  }
0x28: {  	s2 =	sld [smem:$0x3FA6]  }
0x29: {  	s4 =	sld [smem:$0x3FA8]  }
0x2a: {  	p0 =	seq.s32 s5, $0x0;
	s5 =	sld [smem:$0x3FA9]  }
0x2b: {  	s6 =	sld [smem:$0x3FAA]  }
0x2c: {  	s7 =	sld [smem:$0x3FAB]  }
0x2d: {  	s3 =	simm.s32 $0x108;
	s8 =	sld [smem:$0x3FAC]  }
0x2e: {  	s3 =	simm.s32 @!p0 $0x1082;
	s9 =	sld [smem:$0x3FAD]  }
0x2f: {  	lr =	sadd.s32 s0, s3;
	s0 =	sld [smem:$0x3FA4]  }
0x30: {  	s3 =	sld [smem:$0x3FA7]  }
0x31: {  	[smem:$0x3FB0] =	sst s10  }
0x32: {  	s10 =	sld [smem:$0x3FAE];
	_ =	sdelay $0x3  }
0x33: {  	p0 =	seq.s32 s10, $0x1;
	s10 =	sld [smem:$0x3FB0];
	_ =	sdelay $0x3  }
0x34: {  	[smem:$0x3FB0] =	sst s10  }
0x35: {  	s10 =	sld [smem:$0x3FAF];
	_ =	sdelay $0x3  }
0x36: {  	p1 =	seq.s32 s10, $0x1;
	s10 =	sld [smem:$0x3FB0];
	_ =	sdelay $0x3  }
0x37: {  	[smem:$0x3FB0] =	sst s10  }
0x38: {  	s10 =	sld [smem:$0x3FB1]  }
0x39: {  	_ = 	snop;
	(pc) =	sbr.ind lr, $3  }
0x3a: {  	_ = 	snop  }
0x3b: {  	_ = 	snop  }
0x3c: {  	p2 =	seq.s32 s10, $0x1;
	s10 =	sld [smem:$0x3FB0]  }
0x3d: {  	_ =	shalt  }
0x3e: {  	_ =	shalt  }
0x3f: {  	_ =	shalt  }
0x40: {  	_ =	shalt  }
0x41: {  	_ =	shalt  }
0x42: {  	_ =	shalt  }
0x43: {  	_ =	shalt  }
0x44: {  	_ =	shalt  }
0x45: {  	_ =	shalt  }
0x46: {  	_ =	shalt  }
0x47: {  	_ =	shalt  }
0x48: {  	_ =	shalt  }
0x49: {  	_ =	shalt  }
0x4a: {  	_ =	shalt  }
0x4b: {  	_ =	shalt  }
0x4c: {  	_ =	shalt  }
0x4d: {  	_ =	shalt  }
0x4e: {  	_ =	shalt  }
0x4f: {  	_ =	shalt  }
0x50: {  	_ =	shalt  }
0x51: {  	_ =	shalt  }
0x52: {  	_ =	shalt  }
0x53: {  	_ =	shalt  }
0x54: {  	_ =	shalt  }
0x55: {  	_ =	shalt  }
0x56: {  	_ =	shalt  }
0x57: {  	_ =	shalt  }
0x58: {  	_ =	shalt  }
0x59: {  	_ =	shalt  }
0x5a: {  	_ =	shalt  }
0x5b: {  	_ =	shalt  }
0x5c: {  	_ =	shalt  }
0x5d: {  	_ =	shalt  }
0x5e: {  	_ =	shalt  }
0x5f: {  	_ =	shalt  }
0x60: {  	_ =	shalt  }
0x61: {  	_ =	shalt  }
0x62: {  	_ =	shalt  }
0x63: {  	_ =	shalt  }
0x64: {  	_ =	shalt  }
0x65: {  	_ =	shalt  }
0x66: {  	_ =	shalt  }
0x67: {  	_ =	shalt  }
0x68: {  	_ =	shalt  }
0x69: {  	_ =	shalt  }
0x6a: {  	_ =	shalt  }
0x6b: {  	_ =	shalt  }
0x6c: {  	_ =	shalt  }
0x6d: {  	_ =	shalt  }
0x6e: {  	_ =	shalt  }
0x6f: {  	_ =	shalt  }
0x70: {  	_ =	shalt  }
0x71: {  	_ =	shalt  }
0x72: {  	_ =	shalt  }
0x73: {  	_ =	shalt  }
0x74: {  	_ =	shalt  }
0x75: {  	_ =	shalt  }
0x76: {  	_ =	shalt  }
0x77: {  	_ =	shalt  }
0x78: {  	_ =	shalt  }
0x79: {  	_ =	shalt  }
0x7a: {  	_ =	shalt  }
0x7b: {  	_ =	shalt  }
0x7c: {  	_ =	shalt  }
0x7d: {  	_ =	shalt  }
0x7e: {  	_ =	shalt  }
0x7f: {  	_ =	shalt  }
0x80: {  	_ =	shalt  }
0x81: {  	_ =	shalt  }
0x82: {  	_ =	shalt  }
0x83: {  	_ =	shalt  }
0x84: {  	_ =	shalt  }
0x85: {  	_ =	shalt  }
0x86: {  	_ =	shalt  }
0x87: {  	_ =	shalt  }
.Lfunc_end0:
.L_simem_size_0:
called_computation.3_lowered:
.L_overlay_start_0:
0x88: {  	s2 =	sld [smem:$0x3FD9]  }
0x89: {  	s3 =	sld [smem:$0x3FFE];
	_ =	sdelay $0x1  }
0x8a: {  	s1 =	srdreg.scid  }
0x8b: {  	s0 =	sand.u32 $0x1, s1  }
0x8c: {  	s17 =	sshll.u32 s0, $0xA;
	s2 =	sadd.s32 s3, s2  }
0x8d: {  	s2 =	sadd.s32 s2, s17  }
0x8e: {  	[smem:$0x3FBC] =	sst s2  }
0x8f: {  	_ = 	snop  }
0x90: {  	s2 =	sld [smem:$0x3FD0];
	(tm) =	ssettm $0x1  }
0x91: {  	s18 =	sld [smem:$0x3FFB];
	_ =	sdelay $0x3  }
0x92: {  	_ =	strace s18  }
0x93: {  	s3 =	sld [smem:$0x3FFC];
	_ =	sdelay $0x3  }
0x94: {  	_ =	strace s3  }
0x95: {  	s3 =	sld [smem:$0x3FFD];
	_ =	sdelay $0x3  }
0x96: {  	_ =	strace s3  }
0x97: {  	_ =	strace $0x8FFFFFFF  }
0x98: {  	s19 =	sld [smem:$0x3FDB];
	_ =	sdelay $0x1  }
0x99: {  	s4 =	simm.s32 $_scs_section_size  }
0x9a: {  	s5 =	simm.s32 $_size__tile_overlayer_lowered;
	s6 =	simm.s32 $_tile_overlayer_lowered  }
0x9b: {  	s22 =	simm.s32 $0x1BFF;
	s21 =	sshll.u32 s6, $0x1;
	s3 =	sadd.s32 s4, s19  }
0x9c: {  	s7 =	simm.s32 $0x0;
	s20 =	sshll.u32 s5, $0x1;
	s5 =	sadd.s32 s21, s3  }
0x9d: {  	[timem:s7], [sflag:s22] =	dma.local [hbm:s5], s20  }
0x9e: {  	_ =	swait.ge [sflag:s22], s20  }
0x9f: {  	s4 =	ssub.s32 $0x0, s20;
	[sflag:s22] =	ssyncset.done $0x0  }
0xa0: {  	[sflag:s22] =	ssyncadd.s32 s4;
	_ =	sdelay $0x1  }
0xa1: {  	s23 =	simm.s32 $0x1B8B  }
0xa2: {  	_ =	swait.ge [sflag:s23], $0x1  }
0xa3: {  	[sflag:s23] =	ssyncset.done $0x0  }
0xa4: {  	s25 =	simm.s32 $0x1B8E;
	s24 =	sld [smem:$0x3FFE];
	[sflag:s23] =	ssyncadd.s32 $0xFFFFFFFF  }
0xa5: {  	s26 =	simm.s32 $execute0_lowered;
	[smem:$0x3FD2] =	sst s25  }
0xa6: {  	s5 =	sshll.u32 s26, $0x1;
	_ =	strace $0x8000004F;
	[dreg:$0x1] =	wrdreg $0xFFFFFFFF  }
0xa7: {  	s28 =	simm.s32 $_size_execute0_lowered;
	s3 =	sadd.s32 s3, s5;
	[dreg:$0x0] =	wrdreg $0x0  }
0xa8: {  	s5 =	sshll.u32 s28, $0x1;
	[dreg:$0x2] =	wrdreg s3  }
0xa9: {  	[dreg:$0x3] =	wrdreg s5  }
0xaa: {  	[dreg:$0x4] =	wrdreg $0xC0  }
0xab: {  	_ =	task [dreg:s7], $0x5FFFF  }
0xac: {  	[dreg:$0x1] =	wrdreg $0xFFFFFFFF  }
0xad: {  	[dreg:$0x0] =	wrdreg $0x60  }
0xae: {  	[dreg:$0x2] =	wrdreg s24  }
0xaf: {  	[dreg:$0x3] =	wrdreg s2  }
0xb0: {  	[dreg:$0x4] =	wrdreg $0x0  }
0xb1: {  	[dreg:$0x5] =	wrdreg $0x9  }
0xb2: {  	_ =	task.clear_ibuf [dreg:s7], $0x6FFFF;
	_ =	strace $0x9000004F  }
0xb3: {  	s29 =	simm.s32 $0x9;
	_ =	strace $0x80000051  }
0xb4: {  	_ =	swait.ge [sflag:s29], $0x1  }
0xb5: {  	[sflag:s29] =	ssyncadd.s32 $0xFFFFFFFF  }
0xb6: {  	_ =	strace $0x90000051  }
0xb7: {  	_ =	sfence  }
0xb8: {  	s30 =	sld [smem:$0x0];
	_ =	sdelay $0x2  }
0xb9: {  	s31 =	sshll.u32 s1, $0xD;
	s1 =	sshrl.u32 s1, $0x2  }
0xba: {  	s3 =	sand.u32 $0x4000, s31;
	s1 =	sadd.s32 s1, s30  }
0xbb: {  	s0 =	sor.u32 s3, s0;
	s1 =	sshll.u32 s1, $0x11  }
0xbc: {  	s0 =	sor.u32 s1, s0  }
0xbd: {  	s0 =	sadd.s32 $0x8F2B, s0  }
0xbe: {  	[sflag:s0] =	ssyncadd.remote.s32 $0x1  }
0xbf: {  	_ =	sfence.sel $0xFFFF  }
0xc0: {  	[dreg:$0x0] =	wrdreg $0xFFFFFFFF;
	(pc) =	sbr.abs _section_cstart, $3  }
0xc1: {  	[dreg:$0x1] =	wrdreg $0xFFFFFFFF  }
0xc2: {  	_ =	task.clear_ibuf [dreg:s7], $0x2FFFF;
	_ =	strace $0x9FFFFFFF  }
0xc3: {  	(tm) =	ssettm $0x7FFFFFFF  }
tec
execute0_lowered:
.L_overlay_start_1:
0x0: {  	(tag) =	ssettag $0x1  }
0x1: {  	s0 =	rddreg [dreg:$0x0]  }
0x2: {  	s2 =	rddreg [dreg:$0x1]  }
0x3: {  	s3 =	rddreg [dreg:$0x2];
	s12 =	stileid.u32  }
0x4: {  	s4 =	simm.s32 $0x0;
	s5 =	srdreg.scid;
	s17 =	simm.s32 $0x7  }
0x5: {  	s28 =	simm.s32 $0x3;
	s29 =	simm.s32 $0x4;
	s30 =	simm.s32 $0x5  }
0x6: {  	s31 =	simm.s32 $0x6;
	s1 =	smul.u32 $0x14000, s12;
	[smem:$0x7FF] =	sst s4  }
0x7: {  	s7 =	sand.u32 $0x1, s5;
	s5 =	sadd.s32 $0x19A00, s0;
	s6 =	sadd.s32 $0xFA00, s0  }
0x8: {  	s18 =	smul.u32 $0x50000, s12;
	s22 =	sshll.u32 s12, $0x6;
	_ =	strace $0x80000050  }
0x9: {  	s9 =	smul.u32 $0x140000, s7;
	s10 =	sshll.u32 s7, $0x4;
	s11 =	ssub.s32 $0x2, s7  }
0xa: {  	s8 =	sshrl.u32 s1, $0x3;
	s19 =	sor.u32 s12, s10;
	s20 =	sshrl.u32 s11, $0x1  }
0xb: {  	s8 =	sadd.s32 s8, s0;
	s1 =	sadd.s32 s1, s9;
	s9 =	sshrl.u32 s18, $0x2  }
0xc: {  	s7 =	smul.u32 $0x2800, s19;
	s21 =	ssub.s32 s11, s20;
	s18 =	simm.s32 $0x14000  }
0xd: {  	s19 =	simm.s32 $0x14100;
	s20 =	simm.s32 $0x14080;
	s1 =	sshrl.u32 s1, $0x3  }
0xe: {  	s16 =	sadd.s32 s9, s3;
	s8 =	sadd.s32 $0x69A00, s8;
	s9 =	sor.u32 $0x1C07, s22  }
0xf: {  	s15 =	smax.u32 s21, $0x1;
	s21 =	simm.s32 $0x14180;
	s22 =	simm.s32 $0x1  }
0x10: {  	s0 =	sadd.s32 s1, s0;
	[dreg:$0x4] =	wrdreg s8;
	s23 =	sshrl.u32 s7, $0x3  }
0x11: {  	s16 =	sshrl.u32 s16, $0x3;
	s24 =	sadd.s32 s6, s23;
	s13 =	sor.u32 $0x10, s23  }
0x12: {  	s25 =	sadd.s32 s2, s23;
	s14 =	sadd.s32 $0x91A00, s0;
	[dreg:$0x5] =	wrdreg s24  }
0x13: {  	s23 =	simm.s32 $0x80;
	s0 =	simm.s32 $0x0;
	[dreg:$0x6] =	wrdreg s25  }
0x14: {  	s26 =	sadd.s32 s6, s13;
	s13 =	sadd.s32 s2, s13;
	s24 =	simm.s32 $0x14200  }
0x15: {  	s25 =	simm.s32 $0x2;
	[dreg:$0x7] =	wrdreg s26;
	s26 =	simm.s32 $0x18200  }
.LBB2_1:
0x16: {  	s1 =	rddreg [dreg:$0x4]  }
0x17: {  	[spmem:s16], [sflag:s9] =	dma.local [hbm:s1], $0x2800  }
0x18: {  	_ =	swait.ge [sflag:s17], $0x2800  }
0x19: {  	[sflag:s17] =	ssyncset.done $0x0  }
0x1a: {  	[sflag:s17] =	ssyncadd.s32 $0xFFFFD800  }
0x1b: {  	[bflag:$0x0] =	sbarrier.arrive $0xFFFF  }
0x1c: {  	s12 =	rddreg [dreg:$0x5]  }
0x1d: {  	[tilespmem:s18], [sflag:$0x1] =	stream.linear.gather [hbm4b:s12+s4], $0x80, $0x38;
	[tilespmem:$0x1C200] =	vst v63  }
0x1e: {  	s8 =	rddreg [dreg:$0x6]  }
0x1f: {  	[tilespmem:s19], [sflag:$0x1] =	stream.linear.gather [hbm4b:s8+s4], $0x80, $0x38;
	[tilespmem:$0x1C200] =	vst v63  }
0x20: {  	s10 =	rddreg [dreg:$0x7]  }
0x21: {  	[tilespmem:s20], [sflag:$0x2] =	stream.linear.gather [hbm4b:s10+s4], $0x80, $0x38;
	[tilespmem:$0x1C200] =	vst v63  }
0x22: {  	_ = 	snop  }
0x23: {  	[tilespmem:s21], [sflag:$0x2] =	stream.linear.gather [hbm4b:s13+s4], $0x80, $0x38;
	[tilespmem:$0x1C200] =	vst v63  }
0x24: {  	_ =	swait.ge [sflag:s22], $0x80  }
0x25: {  	[sflag:s22] =	ssyncset.done $0x0  }
0x26: {  	[sflag:s22] =	ssyncadd.s32 $0xFFFFFF80  }
0x27: {  	_ =	swait.ge [sflag:s22], $0x80  }
0x28: {  	[sflag:s22] =	ssyncset.done $0x0  }
0x29: {  	[sflag:s22] =	ssyncadd.s32 $0xFFFFFF80  }
0x2a: {  	[tilespmem:s24], [sflag:$0x3] =	stream.indirect.gather [hbm4b:s5+s23], $0x80, s18, s23, $0xb8;
	[tilespmem:$0x1C200] =	vst v63  }
0x2b: {  	_ =	swait.ge [sflag:s25], $0x80  }
0x2c: {  	[sflag:s25] =	ssyncset.done $0x0  }
0x2d: {  	[sflag:s25] =	ssyncadd.s32 $0xFFFFFF80  }
0x2e: {  	_ =	swait.ge [sflag:s25], $0x80  }
0x2f: {  	[sflag:s25] =	ssyncset.done $0x0  }
0x30: {  	[sflag:s25] =	ssyncadd.s32 $0xFFFFFF80  }
0x31: {  	[tilespmem:s26], [sflag:$0x4] =	stream.indirect.gather [hbm4b:s5+s23], $0x80, s20, s23, $0xb8;
	[tilespmem:$0x1C200] =	vst v63  }
0x32: {  	_ =	swait.ge [sflag:s28], $0x4000  }
0x33: {  	[sflag:s28] =	ssyncset.done $0x0  }
0x34: {  	[sflag:s28] =	ssyncadd.s32 $0xFFFFC000  }
0x35: {  	[spmem:s3] =	stream.indirect.scatter.add.f32 [tilespmem:s24], [sflag:$0x5], $0x80, s19, s23, $0xb8;
	[tilespmem:$0x1C200] =	vst v63  }
0x36: {  	s11 =	simm.s32 $0x100;
	_ =	swait.ge [sflag:s29], $0x4000  }
0x37: {  	s8 =	sand.u32 $0x7C00, s11;
	[sflag:s29] =	ssyncset.done $0x0  }
0x38: {  	s1 =	sand.u32 $0x300, s11;
	s8 =	sadd.s32 s7, s8;
	[sflag:s29] =	ssyncadd.s32 $0xFFFFC000  }
0x39: {  	[spmem:s3] =	stream.indirect.scatter.add.f32 [tilespmem:s26], [sflag:$0x6], $0x80, s21, s23, $0xb8;
	[tilespmem:$0x1C200] =	vst v63  }
0x3a: {  	s1 =	sor.u32 s1, s8;
	_ =	swait.ge [sflag:s30], $0x4000  }
0x3b: {  	s1 =	sshrl.u32 s1, $0x3;
	[sflag:s30] =	ssyncset.done $0x0  }
0x3c: {  	s10 =	simm.s32 $0x180;
	s12 =	sadd.s32 s6, s1;
	[sflag:s30] =	ssyncadd.s32 $0xFFFFC000  }
0x3d: {  	[tilespmem:s18], [sflag:$0x1] =	stream.linear.gather [hbm4b:s12+s4], $0x80, $0x38;
	[tilespmem:$0x1C200] =	vst v63  }
0x3e: {  	s11 =	sand.u32 $0x7C00, s10;
	s1 =	sadd.s32 s2, s1  }
0x3f: {  	[tilespmem:s19], [sflag:$0x1] =	stream.linear.gather [hbm4b:s1+s4], $0x80, $0x38;
	[tilespmem:$0x1C200] =	vst v63  }
0x40: {  	s8 =	sand.u32 $0x380, s10;
	s1 =	sadd.s32 s7, s11  }
0x41: {  	_ =	swait.ge [sflag:s31], $0x4000;
	s1 =	sor.u32 s8, s1  }
0x42: {  	[sflag:s31] =	ssyncset.done $0x0;
	s1 =	sshrl.u32 s1, $0x3  }
0x43: {  	[sflag:s31] =	ssyncadd.s32 $0xFFFFC000;
	s12 =	sadd.s32 s6, s1  }
0x44: {  	[tilespmem:s20], [sflag:$0x2] =	stream.linear.gather [hbm4b:s12+s4], $0x80, $0x38;
	[tilespmem:$0x1C200] =	vst v63  }
0x45: {  	s1 =	sadd.s32 s2, s1  }
0x46: {  	[tilespmem:s21], [sflag:$0x2] =	stream.linear.gather [hbm4b:s1+s4], $0x80, $0x38;
	[tilespmem:$0x1C200] =	vst v63  }
0x47: {  	_ =	swait.ge [sflag:s22], $0x80  }
0x48: {  	[sflag:s22] =	ssyncset.done $0x0  }
0x49: {  	[sflag:s22] =	ssyncadd.s32 $0xFFFFFF80  }
0x4a: {  	_ =	swait.ge [sflag:s22], $0x80  }
0x4b: {  	[sflag:s22] =	ssyncset.done $0x0  }
0x4c: {  	[sflag:s22] =	ssyncadd.s32 $0xFFFFFF80  }
0x4d: {  	[tilespmem:s24], [sflag:$0x3] =	stream.indirect.gather [hbm4b:s5+s23], $0x80, s18, s23, $0xb8;
	[tilespmem:$0x1C200] =	vst v63  }
0x4e: {  	_ =	swait.ge [sflag:s25], $0x80  }
0x4f: {  	[sflag:s25] =	ssyncset.done $0x0  }
0x50: {  	[sflag:s25] =	ssyncadd.s32 $0xFFFFFF80  }
0x51: {  	_ =	swait.ge [sflag:s25], $0x80  }
0x52: {  	s1 =	simm.s32 $0x280;
	[sflag:s25] =	ssyncset.done $0x0  }
.LBB2_2:
0x53: {  	p0 =	sne.s32 s1, $0x2780  }
0x54: {  	[sflag:s25] =	ssyncadd.s32 $0xFFFFFF80;
	s8 =	smov.u32 s1;
	s1 =	sadd.s32 $0x100, s1  }
0x55: {  	[tilespmem:s26], [sflag:$0x4] =	stream.indirect.gather [hbm4b:s5+s23], $0x80, s20, s23, $0xb8;
	[tilespmem:$0x1C200] =	vst v63  }
0x56: {  	_ =	swait.ge [sflag:s28], $0x4000  }
0x57: {  	[sflag:s28] =	ssyncset.done $0x0  }
0x58: {  	[sflag:s28] =	ssyncadd.s32 $0xFFFFC000  }
0x59: {  	[spmem:s3] =	stream.indirect.scatter.add.f32 [tilespmem:s24], [sflag:$0x5], $0x80, s19, s23, $0xb8;
	[tilespmem:$0x1C200] =	vst v63  }
0x5a: {  	s10 =	sadd.s32 $0xFFFFFF80, s8;
	_ =	swait.ge [sflag:s29], $0x4000  }
0x5b: {  	s11 =	sand.u32 $0x7C00, s10;
	s10 =	sand.u32 $0x300, s10;
	[sflag:s29] =	ssyncset.done $0x0  }
0x5c: {  	s11 =	sadd.s32 s7, s11;
	[sflag:s29] =	ssyncadd.s32 $0xFFFFC000  }
0x5d: {  	[spmem:s3] =	stream.indirect.scatter.add.f32 [tilespmem:s26], [sflag:$0x6], $0x80, s21, s23, $0xb8;
	[tilespmem:$0x1C200] =	vst v63  }
0x5e: {  	s10 =	sor.u32 s10, s11;
	_ =	swait.ge [sflag:s30], $0x4000  }
0x5f: {  	s11 =	sand.u32 $0x7C00, s8;
	s10 =	sshrl.u32 s10, $0x3;
	[sflag:s30] =	ssyncset.done $0x0  }
0x60: {  	s12 =	sadd.s32 s6, s10;
	s10 =	sadd.s32 s2, s10;
	[sflag:s30] =	ssyncadd.s32 $0xFFFFC000  }
0x61: {  	[tilespmem:s18], [sflag:$0x1] =	stream.linear.gather [hbm4b:s12+s4], $0x80, $0x38;
	[tilespmem:$0x1C200] =	vst v63  }
0x62: {  	s8 =	sand.u32 $0x380, s8;
	s11 =	sadd.s32 s7, s11  }
0x63: {  	[tilespmem:s19], [sflag:$0x1] =	stream.linear.gather [hbm4b:s10+s4], $0x80, $0x38;
	[tilespmem:$0x1C200] =	vst v63  }
0x64: {  	s8 =	sor.u32 s8, s11;
	_ =	swait.ge [sflag:s31], $0x4000  }
0x65: {  	s8 =	sshrl.u32 s8, $0x3;
	[sflag:s31] =	ssyncset.done $0x0  }
0x66: {  	s10 =	sadd.s32 s6, s8;
	s8 =	sadd.s32 s2, s8;
	[sflag:s31] =	ssyncadd.s32 $0xFFFFC000  }
0x67: {  	[tilespmem:s20], [sflag:$0x2] =	stream.linear.gather [hbm4b:s10+s4], $0x80, $0x38;
	[tilespmem:$0x1C200] =	vst v63  }
0x68: {  	_ = 	snop  }
0x69: {  	[tilespmem:s21], [sflag:$0x2] =	stream.linear.gather [hbm4b:s8+s4], $0x80, $0x38;
	[tilespmem:$0x1C200] =	vst v63  }
0x6a: {  	_ =	swait.ge [sflag:s22], $0x80  }
0x6b: {  	[sflag:s22] =	ssyncset.done $0x0  }
0x6c: {  	[sflag:s22] =	ssyncadd.s32 $0xFFFFFF80  }
0x6d: {  	_ =	swait.ge [sflag:s22], $0x80  }
0x6e: {  	[sflag:s22] =	ssyncset.done $0x0  }
0x6f: {  	[sflag:s22] =	ssyncadd.s32 $0xFFFFFF80  }
0x70: {  	[tilespmem:s24], [sflag:$0x3] =	stream.indirect.gather [hbm4b:s5+s23], $0x80, s18, s23, $0xb8;
	[tilespmem:$0x1C200] =	vst v63  }
.Ltmp0:
0x71: {  	_ =	swait.ge [sflag:s25], $0x80;
	(pc) =	sbr.rel @p0 .LBB2_2-.Ltmp0, $4  }
0x72: {  	[sflag:s25] =	ssyncset.done $0x0  }
0x73: {  	[sflag:s25] =	ssyncadd.s32 $0xFFFFFF80  }
0x74: {  	_ =	swait.ge [sflag:s25], $0x80  }
0x75: {  	[sflag:s25] =	ssyncset.done $0x0  }
0x76: {  	[sflag:s25] =	ssyncadd.s32 $0xFFFFFF80  }
0x77: {  	[tilespmem:s26], [sflag:$0x4] =	stream.indirect.gather [hbm4b:s5+s23], $0x80, s20, s23, $0xb8;
	[tilespmem:$0x1C200] =	vst v63  }
0x78: {  	_ =	swait.ge [sflag:s28], $0x4000  }
0x79: {  	[sflag:s28] =	ssyncset.done $0x0  }
0x7a: {  	[sflag:s28] =	ssyncadd.s32 $0xFFFFC000  }
0x7b: {  	[spmem:s3] =	stream.indirect.scatter.add.f32 [tilespmem:s24], [sflag:$0x5], $0x80, s19, s23, $0xb8;
	[tilespmem:$0x1C200] =	vst v63  }
0x7c: {  	_ =	swait.ge [sflag:s29], $0x4000  }
0x7d: {  	[sflag:s29] =	ssyncset.done $0x0  }
0x7e: {  	[sflag:s29] =	ssyncadd.s32 $0xFFFFC000  }
0x7f: {  	[spmem:s3] =	stream.indirect.scatter.add.f32 [tilespmem:s26], [sflag:$0x6], $0x80, s21, s23, $0xb8;
	[tilespmem:$0x1C200] =	vst v63  }
0x80: {  	_ =	swait.ge [sflag:s30], $0x4000  }
0x81: {  	[sflag:s30] =	ssyncset.done $0x0  }
0x82: {  	[sflag:s30] =	ssyncadd.s32 $0xFFFFC000  }
0x83: {  	_ =	swait.ge [sflag:s31], $0x4000  }
0x84: {  	s0 =	sadd.s32 $0x1, s0;
	[sflag:s31] =	ssyncset.done $0x0  }
0x85: {  	p0 =	sne.s32 s0, s15;
	[sflag:s31] =	ssyncadd.s32 $0xFFFFC000  }
.Ltmp1:
0x86: {  	[bflag:$0x0] =	sbarrier.arrive $0xFFFF;
	(pc) =	sbr.rel @p0 .LBB2_1-.Ltmp1, $4  }
0x87: {  	[hbm:s14], [sflag:s9] =	dma.local [spmem:s16], $0x2800  }
0x88: {  	_ =	swait.ge [sflag:s17], $0x2800  }
0x89: {  	[sflag:s17] =	ssyncset.done $0x0  }
0x8a: {  	[sflag:s17] =	ssyncadd.s32 $0xFFFFD800  }
0x8b: {  	_ =	sfence.sel $0x180000  }
0x8c: {  	[bflag:$0x0] =	sbarrier.arrive $0xFFFF  }
0x8d: {  	_ =	strace $0x90000050  }
0x8e: {  	s0 =	stileid.u32;
	[bflag:$0x2] =	sbarrier.arrive $0xFFFF  }
0x8f: {  	p0 =	sne.s32 s0, $0x0;
	s0 =	rddreg [dreg:$0x3]  }
0x90: {  	s0 =	sadd.s32 @!p0 $0x100000, s0  }
0x91: {  	[sflag:s0] =	ssyncadd.tile.s32 @!p0 $0x1;
	_ =	shalt  }
.Lfunc_end2:
_tile_overlayer_lowered:
.L_overlay_start_2:
0x92: {  	(tag) =	ssettag $0x2  }
0x93: {  	s0 =	rddreg [dreg:$0x0];
	s2 =	stileid.u32  }
0x94: {  	s1 =	rddreg [dreg:$0x1];
	p0 =	sne.s32 s2, $0x0  }
0x95: {  	s3 =	rddreg [dreg:$0x2];
	[bflag:$0x3] =	sbarrier.arrive $0xFFFF;
	s2 =	simm.s32 @!p0 $0x1C01  }
0x96: {  	[timem:s3], [sflag:s2] =	dma.local @!p0 [hbm:s0], s1  }
0x97: {  	s0 =	simm.s32 @!p0 $0x1  }
0x98: {  	_ =	swait.ge @!p0 [sflag:s0], s1  }
0x99: {  	s1 =	ssub.s32 @!p0 $0x0, s1;
	[sflag:s0] =	ssyncset.done @!p0 $0x0  }
0x9a: {  	[sflag:s0] =	ssyncadd.s32 @!p0 s1  }
0x9b: {  	[bflag:$0x3] =	sbarrier.arrive $0xFFFF  }
0x9c: {  	_ =	shalt  }

</sc_bundles>
